<compile_context>
chip_gen: v7x
topology: tpu7x:2x2x1
jax: 0.10.2.dev20260603
libtpu: 0.0.44.dev20260713+nightly
codegen_flags: <defaults>
</compile_context>

<pallas_src>
import jax
import jax.numpy as jnp
from jax import lax
from jax.experimental import pallas as pl
from jax.experimental.pallas import tpu as pltpu
from jax.experimental.pallas import tpu_sc as plsc

N = 10000
E = 320000
D = 128
H = 4
C = 32
K = H * C

NC = 2
NS = 16
NW = NC * NS
NP = 10240
RPT = NP // NS
CH = 128
NCHUNK = E // CH

_NBLK = 1000
_EBLK = 3200


def _prep_body(x_ref, w_ref, t_ref):
    t_ref[...] = jnp.dot(x_ref[...], w_ref[...],
                         preferred_element_type=jnp.float32)


def _prep(x, w):
    nin = x.shape[1]
    grid = (N // _NBLK,)
    return pl.pallas_call(
        _prep_body,
        grid=grid,
        in_specs=[
            pl.BlockSpec((_NBLK, nin), lambda i: (i, 0)),
            pl.BlockSpec((nin, K), lambda i: (0, 0)),
        ],
        out_specs=pl.BlockSpec((_NBLK, K), lambda i: (i, 0)),
        out_shape=jax.ShapeDtypeStruct((N, K), jnp.float32),
    )(x, w)


def _gather_sc(t_hbm, src_hbm, dst_hbm,
               xs_out, xd_out,
               idxs_v, idxd_v, rows_s, rows_d, sem):
    wid = lax.axis_index("s") * NC + lax.axis_index("c")
    base0 = wid * (E // NW)

    def body(i, _):
        base = jnp.minimum(base0 + i * CH, E - CH)
        pltpu.sync_copy(src_hbm.at[pl.ds(base, CH)], idxs_v)
        pltpu.sync_copy(dst_hbm.at[pl.ds(base, CH)], idxd_v)
        cp1 = pltpu.async_copy(t_hbm.at[idxs_v], rows_s, sem)
        cp2 = pltpu.async_copy(t_hbm.at[idxd_v], rows_d, sem)
        cp1.wait()
        cp2.wait()
        pltpu.sync_copy(rows_s, xs_out.at[pl.ds(base, CH)])
        pltpu.sync_copy(rows_d, xd_out.at[pl.ds(base, CH)])
        return 0

    lax.fori_loop(0, (E // NW) // CH + 1, body, 0)


def _gather(t, src, dst):
    mesh = plsc.VectorSubcoreMesh(core_axis_name="c", subcore_axis_name="s")
    f = pl.kernel(
        _gather_sc,
        mesh=mesh,
        out_type=[
            jax.ShapeDtypeStruct((E, K), jnp.float32),
            jax.ShapeDtypeStruct((E, K), jnp.float32),
        ],
        scratch_types=[
            pltpu.VMEM((CH,), jnp.int32),
            pltpu.VMEM((CH,), jnp.int32),
            pltpu.VMEM((CH, K), jnp.float32),
            pltpu.VMEM((CH, K), jnp.float32),
            pltpu.SemaphoreType.DMA,
        ],
    )
    return f(t, src, dst)


def _edge_body(xs_ref, xd_ref, m1_ref, m2_ref, aml_ref, amr_ref,
               wr_ref, ex_ref):
    xs = xs_ref[...]
    xd = xd_ref[...]
    p = xs * xd
    logits = jnp.dot(p, m1_ref[...], preferred_element_type=jnp.float32)
    aa = (jnp.dot(xs, aml_ref[...], preferred_element_type=jnp.float32)
          + jnp.dot(xd, amr_ref[...], preferred_element_type=jnp.float32))
    alpha = aa * jax.nn.sigmoid(logits)
    alpha = jnp.where(alpha >= 0.0, alpha, 0.2 * alpha)
    ex = jnp.exp(alpha)
    exb = jnp.dot(ex, m2_ref[...], preferred_element_type=jnp.float32)
    ex_ref[...] = exb
    wr_ref[...] = xs * exb


def _edge(xs, xd, m1, m2, aml, amr):
    grid = (E // _EBLK,)
    return pl.pallas_call(
        _edge_body,
        grid=grid,
        in_specs=[
            pl.BlockSpec((_EBLK, K), lambda i: (i, 0)),
            pl.BlockSpec((_EBLK, K), lambda i: (i, 0)),
            pl.BlockSpec((K, 16), lambda i: (0, 0)),
            pl.BlockSpec((16, K), lambda i: (0, 0)),
            pl.BlockSpec((K, 16), lambda i: (0, 0)),
            pl.BlockSpec((K, 16), lambda i: (0, 0)),
        ],
        out_specs=[
            pl.BlockSpec((_EBLK, K), lambda i: (i, 0)),
            pl.BlockSpec((_EBLK, K), lambda i: (i, 0)),
        ],
        out_shape=[
            jax.ShapeDtypeStruct((E, K), jnp.float32),
            jax.ShapeDtypeStruct((E, K), jnp.float32),
        ],
    )(xs, xd, m1, m2, aml, amr)


def _scatter_sc(wr_hbm, ex_hbm, dst_hbm, z_hbm,
                nump_out, denp_out,
                idx_v, w_v, st_v,
                acc_s, sem):
    cid = lax.axis_index("c")
    sid = lax.axis_index("s")
    r0 = sid * RPT

    pltpu.sync_copy(z_hbm, st_v)
    for k in range(RPT // 128):
        pltpu.sync_copy(st_v, acc_s.at[pl.ds(r0 + k * 128, 128)])
    plsc.subcore_barrier()

    nch = NCHUNK // NS
    extra = NCHUNK - nch * NS

    def _scan(src_hbm):
        def chunk(base):
            pltpu.sync_copy(dst_hbm.at[pl.ds(base, CH)], idx_v)
            pltpu.async_copy(src_hbm.at[pl.ds(base, CH)], w_v, sem).wait()
            pltpu.sync_copy(w_v, acc_s.at[idx_v], add=True)

        def body(i, _):
            chunk((sid * nch + i) * CH)
            return 0
        lax.fori_loop(0, nch, body, 0)

        @pl.when(sid < extra)
        def _():
            chunk((NS * nch + sid) * CH)

    @pl.when(cid == 0)
    def _():
        _scan(wr_hbm)

    @pl.when(cid == 1)
    def _():
        _scan(ex_hbm)

    plsc.subcore_barrier()

    for k in range(RPT // 128):
        pltpu.sync_copy(acc_s.at[pl.ds(r0 + k * 128, 128)], st_v)

        @pl.when(cid == 0)
        def _():
            pltpu.sync_copy(st_v, nump_out.at[pl.ds(r0 + k * 128, 128)])

        @pl.when(cid == 1)
        def _():
            pltpu.sync_copy(st_v, denp_out.at[pl.ds(r0 + k * 128, 128)])


def _scatter(wr, ex, dst, z):
    mesh = plsc.VectorSubcoreMesh(core_axis_name="c", subcore_axis_name="s")
    f = pl.kernel(
        _scatter_sc,
        mesh=mesh,
        out_type=[
            jax.ShapeDtypeStruct((NP, K), jnp.float32),
            jax.ShapeDtypeStruct((NP, K), jnp.float32),
        ],
        scratch_types=[
            pltpu.VMEM((CH,), jnp.int32),
            pltpu.VMEM((CH, K), jnp.float32),
            pltpu.VMEM((128, K), jnp.float32),
            pltpu.VMEM_SHARED((NP, K), jnp.float32),
            pltpu.SemaphoreType.DMA,
        ],
    )
    return f(wr, ex, dst, z)


def _gelu(x):
    return 0.5 * x * (1.0 + lax.erf(x * 0.7071067811865476))


def _merge(num_ref, den_ref, b_ref):
    o = num_ref[...] / (den_ref[...] + 1e-16) + b_ref[...]
    return _gelu(o)


def _combine_body(num_ref, den_ref, b_ref, w_ref, t_ref):
    g = _merge(num_ref, den_ref, b_ref)
    t_ref[...] = jnp.dot(g, w_ref[...], preferred_element_type=jnp.float32)


def _combine(nump, denp, b, w):
    grid = (N // _NBLK,)
    return pl.pallas_call(
        _combine_body,
        grid=grid,
        in_specs=[
            pl.BlockSpec((_NBLK, K), lambda i: (i, 0)),
            pl.BlockSpec((_NBLK, K), lambda i: (i, 0)),
            pl.BlockSpec((1, K), lambda i: (0, 0)),
            pl.BlockSpec((K, K), lambda i: (0, 0)),
        ],
        out_specs=pl.BlockSpec((_NBLK, K), lambda i: (i, 0)),
        out_shape=jax.ShapeDtypeStruct((N, K), jnp.float32),
    )(nump, denp, b, w)


def _final_body(num_ref, den_ref, b_ref, fcw_ref, fcb_ref, y_ref):
    g = _merge(num_ref, den_ref, b_ref)
    y_ref[...] = (jnp.dot(g, fcw_ref[...], preferred_element_type=jnp.float32)
                  + fcb_ref[...])


def _final(nump, denp, b, fcw, fcb):
    grid = (N // _NBLK,)
    return pl.pallas_call(
        _final_body,
        grid=grid,
        in_specs=[
            pl.BlockSpec((_NBLK, K), lambda i: (i, 0)),
            pl.BlockSpec((_NBLK, K), lambda i: (i, 0)),
            pl.BlockSpec((1, K), lambda i: (0, 0)),
            pl.BlockSpec((K, 1), lambda i: (0, 0)),
            pl.BlockSpec((1, 1), lambda i: (0, 0)),
        ],
        out_specs=pl.BlockSpec((_NBLK, 1), lambda i: (i, 0)),
        out_shape=jax.ShapeDtypeStruct((N, 1), jnp.float32),
    )(nump, denp, b, fcw, fcb)


def _head_mats(att_l, att_r):
    head_of = jnp.arange(K, dtype=jnp.int32) // C
    m1 = (head_of[:, None] == jnp.arange(16, dtype=jnp.int32)[None, :])
    m1 = m1.astype(jnp.float32)
    aml = m1 * att_l.reshape(K)[:, None]
    amr = m1 * att_r.reshape(K)[:, None]
    return m1, aml, amr


def kernel(x, edge_index, W1, att_l1, att_r1, b1, W2, att_l2, att_r2, b2,
           fcW, fcb):
    src = edge_index[0].astype(jnp.int32)
    dst = edge_index[1].astype(jnp.int32)
    m1, aml1, amr1 = _head_mats(att_l1, att_r1)
    _, aml2, amr2 = _head_mats(att_l2, att_r2)
    m2 = m1.T
    z = jnp.zeros((128, K), jnp.float32)
    b1r = b1.reshape(1, K)
    b2r = b2.reshape(1, K)
    fcbr = fcb.reshape(1, 1)

    t1 = _prep(x, W1)
    xs, xd = _gather(t1, src, dst)
    wr, exb = _edge(xs, xd, m1, m2, aml1, amr1)
    nump, denp = _scatter(wr, exb, dst, z)
    t2 = _combine(nump, denp, b1r, W2)

    xs2, xd2 = _gather(t2, src, dst)
    wr2, exb2 = _edge(xs2, xd2, m1, m2, aml2, amr2)
    nump2, denp2 = _scatter(wr2, exb2, dst, z)
    y = _final(nump2, denp2, b2r, fcW, fcbr)
    return y

# --- scband reference (transcript-rebuilt; emitter-appended) ---
"""Pipeline reference for scband-gat-14465449853560 (READ-ONLY COPY).

The authoritative reference and input builder live on the scoring server;
editing this copy changes nothing except your own understanding.
"""

import jax, jax.numpy as jnp
import numpy as np

N = 10000
E = 320000
D = 128
H = 4
C = 32  # hidden // num_heads


def setup_inputs(seed: int = 0) -> dict:
    key = jax.random.key(seed)
    ks = jax.random.split(key, 12)
    x = jax.random.normal(ks[0], (N, D), dtype=jnp.float32)
    edge_index = jax.random.randint(ks[1], (2, E), 0, N)
    s = 0.1
    W1 = jax.random.normal(ks[2], (D, H * C), dtype=jnp.float32) * s
    att_l1 = jax.random.normal(ks[3], (1, H, C), dtype=jnp.float32) * s
    att_r1 = jax.random.normal(ks[4], (1, H, C), dtype=jnp.float32) * s
    b1 = jnp.zeros((H * C,), dtype=jnp.float32)
    W2 = jax.random.normal(ks[5], (H * C, H * C), dtype=jnp.float32) * s
    att_l2 = jax.random.normal(ks[6], (1, H, C), dtype=jnp.float32) * s
    att_r2 = jax.random.normal(ks[7], (1, H, C), dtype=jnp.float32) * s
    b2 = jnp.zeros((H * C,), dtype=jnp.float32)
    fcW = jax.random.normal(ks[8], (H * C, 1), dtype=jnp.float32) * s
    fcb = jnp.zeros((1,), dtype=jnp.float32)
    return {"x": x, "edge_index": edge_index, "W1": W1, "att_l1": att_l1,
            "att_r1": att_r1, "b1": b1, "W2": W2, "att_l2": att_l2,
            "att_r2": att_r2, "b2": b2, "fcW": fcW, "fcb": fcb}


def _supergat_conv(x, edge_index, W, att_l, att_r, b):
    # SuperGATConv (attention_type='MX', eval mode): lin -> per-edge MX attention -> softmax over dst -> weighted sum
    n = x.shape[0]
    h = (x @ W).reshape(n, H, C)
    src = edge_index[0]  # j (source of message)
    dst = edge_index[1]  # i (target / aggregation node)
    x_j = h[src]  # [E, H, C]
    x_i = h[dst]
    logits = jnp.sum(x_i * x_j, axis=-1)  # [E, H]
    alpha = jnp.sum(x_j * att_l, axis=-1) + jnp.sum(x_i * att_r, axis=-1)
    alpha = alpha * jax.nn.sigmoid(logits)
    alpha = jax.nn.leaky_relu(alpha, negative_slope=0.2)
    # segment softmax over destination nodes
    amax = jax.ops.segment_max(alpha, dst, num_segments=n)
    amax = jnp.where(jnp.isfinite(amax), amax, 0.0)
    ex = jnp.exp(alpha - amax[dst])
    denom = jax.ops.segment_sum(ex, dst, num_segments=n)
    coef = ex / (denom[dst] + 1e-16)  # [E, H]
    out = jax.ops.segment_sum(x_j * coef[..., None], dst, num_segments=n)  # [N, H, C]
    return out.reshape(n, H * C) + b


def reference(x, edge_index, W1, att_l1, att_r1, b1, W2, att_l2, att_r2, b2, fcW, fcb):
    # eval mode: dropout is identity
    h = jax.nn.gelu(_supergat_conv(x, edge_index, W1, att_l1, att_r1, b1), approximate=False)
    h = jax.nn.gelu(_supergat_conv(h, edge_index, W2, att_l2, att_r2, b2), approximate=False)
    return h @ fcW + fcb

if __name__ == "__main__":
    import jax
    _d = setup_inputs()
    print(jax.jit(kernel)(*tuple(_d.values())))

</pallas_src>

<mosaic_0001>
#map = affine_map<(d0, d1) -> (0, 0)>
#map1 = affine_map<(d0, d1) -> (0)>
module attributes {stable_mosaic.version = 14 : i64} {
  func.func @_gather_sc(%arg0: i32, %arg1: i32, %arg2: memref<10000x128xf32, #tpu.memory_space<hbm>>, %arg3: memref<320000xi32, #tpu.memory_space<hbm>>, %arg4: memref<320000xi32, #tpu.memory_space<hbm>>, %arg5: memref<320000x128xf32, #tpu.memory_space<hbm>>, %arg6: memref<320000x128xf32, #tpu.memory_space<hbm>>, %arg7: memref<128xi32, #tpu.memory_space<vmem>>, %arg8: memref<128xi32, #tpu.memory_space<vmem>>, %arg9: memref<128x128xf32, #tpu.memory_space<vmem>>, %arg10: memref<128x128xf32, #tpu.memory_space<vmem>>, %arg11: memref<!tpu.dma_semaphore, #tpu.memory_space<semaphore_mem>>) attributes {dimension_semantics = [#tpu.dimension_semantics<core_parallel>, #tpu.dimension_semantics<subcore_parallel>], iteration_bounds = array<i64: 2, 16>, scalar_prefetch = 0 : i64, scratch_operands = 5 : i64, tpu.core_type = #tpu.core_type<sc_vector_subcore>, window_params = [{transform_indices = #map}, {transform_indices = #map1}, {transform_indices = #map1}, {transform_indices = #map}, {transform_indices = #map}]} {
    %mul3A = arith.constant 2 : i32
    %mul3A_0 = arith.muli %arg1, %mul3A : i32
    %add3A = arith.addi %mul3A_0, %arg0 : i32
    %mul3A_1 = arith.constant 10000 : i32
    %mul3A_2 = arith.muli %add3A, %mul3A_1 : i32
    %scan3A = arith.constant 0 : i32
    %scan3A_3 = arith.constant 0 : i32
    %scan3A_4 = arith.constant 79 : i32
    %scan3A_5 = arith.addi %scan3A_3, %scan3A_4 : i32
    %scan3A_6 = arith.constant 1 : i32
    %scan3A_7 = scf.for %scan3A_9 = %scan3A_3 to %scan3A_5 step %scan3A_6 iter_args(%scan3A_10 = %scan3A) -> (i32)  : i32 {
      %mul3A_11 = arith.constant 128 : i32
      %mul3A_12 = arith.muli %scan3A_9, %mul3A_11 : i32
      %add3A_13 = arith.addi %mul3A_2, %mul3A_12 : i32
      %min3A = arith.constant 319872 : i32
      %min3A_14 = arith.minsi %add3A_13, %min3A : i32
      "tpu.region"() ({
        %run_scoped3A = tpu.sem_alloc : memref<!tpu.dma_semaphore, #tpu.memory_space<semaphore_mem>>
        %dma_start3A_26 = tpu.memref_slice %arg3[%min3A_14] : memref<320000xi32, #tpu.memory_space<hbm>> -> memref<128xi32, #tpu.memory_space<hbm>>
        %dma_start3A_27 = tpu.memref_slice %arg3[%min3A_14] : memref<320000xi32, #tpu.memory_space<hbm>> -> memref<128xi32, #tpu.memory_space<hbm>>
        tpu.enqueue_dma source(%dma_start3A_27 : memref<128xi32, #tpu.memory_space<hbm>>) target(%arg7 : memref<128xi32, #tpu.memory_space<vmem>>) target_semaphore(%run_scoped3A : memref<!tpu.dma_semaphore, #tpu.memory_space<semaphore_mem>>)
        %dma_wait3A_28 = tpu.memref_slice %arg3[%min3A_14] : memref<320000xi32, #tpu.memory_space<hbm>> -> memref<128xi32, #tpu.memory_space<hbm>>
        %dma_wait3A_29 = tpu.memref_slice %arg3[%min3A_14] : memref<320000xi32, #tpu.memory_space<hbm>> -> memref<128xi32, #tpu.memory_space<hbm>>
        tpu.wait_dma2 semaphore(%run_scoped3A : memref<!tpu.dma_semaphore, #tpu.memory_space<semaphore_mem>>) src(%dma_wait3A_29 : memref<128xi32, #tpu.memory_space<hbm>>) dst(%arg7 : memref<128xi32, #tpu.memory_space<vmem>>)
        tpu.yield
      }) : () -> ()
      "tpu.region"() ({
        %run_scoped3A = tpu.sem_alloc : memref<!tpu.dma_semaphore, #tpu.memory_space<semaphore_mem>>
        %dma_start3A_26 = tpu.memref_slice %arg4[%min3A_14] : memref<320000xi32, #tpu.memory_space<hbm>> -> memref<128xi32, #tpu.memory_space<hbm>>
        %dma_start3A_27 = tpu.memref_slice %arg4[%min3A_14] : memref<320000xi32, #tpu.memory_space<hbm>> -> memref<128xi32, #tpu.memory_space<hbm>>
        tpu.enqueue_dma source(%dma_start3A_27 : memref<128xi32, #tpu.memory_space<hbm>>) target(%arg8 : memref<128xi32, #tpu.memory_space<vmem>>) target_semaphore(%run_scoped3A : memref<!tpu.dma_semaphore, #tpu.memory_space<semaphore_mem>>)
        %dma_wait3A_28 = tpu.memref_slice %arg4[%min3A_14] : memref<320000xi32, #tpu.memory_space<hbm>> -> memref<128xi32, #tpu.memory_space<hbm>>
        %dma_wait3A_29 = tpu.memref_slice %arg4[%min3A_14] : memref<320000xi32, #tpu.memory_space<hbm>> -> memref<128xi32, #tpu.memory_space<hbm>>
        tpu.wait_dma2 semaphore(%run_scoped3A : memref<!tpu.dma_semaphore, #tpu.memory_space<semaphore_mem>>) src(%dma_wait3A_29 : memref<128xi32, #tpu.memory_space<hbm>>) dst(%arg8 : memref<128xi32, #tpu.memory_space<vmem>>)
        tpu.yield
      }) : () -> ()
      %dma_start3A = arith.constant 0 : i32
      %dma_start3A_15 = arith.constant 0 : i32
      %dma_start3A_16 = tpu.memref_slice %arg2[%dma_start3A, %dma_start3A_15] : memref<10000x128xf32, #tpu.memory_space<hbm>> -> memref<10000x128xf32, #tpu.memory_space<hbm>>
      tpu.enqueue_indirect_dma source(%dma_start3A_16 : memref<10000x128xf32, #tpu.memory_space<hbm>>) target(%arg9 : memref<128x128xf32, #tpu.memory_space<vmem>>) offsets(%arg7 : memref<128xi32, #tpu.memory_space<vmem>>) semaphore(%arg11 : memref<!tpu.dma_semaphore, #tpu.memory_space<semaphore_mem>>)
      %dma_start3A_17 = arith.constant 0 : i32
      %dma_start3A_18 = arith.constant 0 : i32
      %dma_start3A_19 = tpu.memref_slice %arg2[%dma_start3A_17, %dma_start3A_18] : memref<10000x128xf32, #tpu.memory_space<hbm>> -> memref<10000x128xf32, #tpu.memory_space<hbm>>
      tpu.enqueue_indirect_dma source(%dma_start3A_19 : memref<10000x128xf32, #tpu.memory_space<hbm>>) target(%arg10 : memref<128x128xf32, #tpu.memory_space<vmem>>) offsets(%arg8 : memref<128xi32, #tpu.memory_space<vmem>>) semaphore(%arg11 : memref<!tpu.dma_semaphore, #tpu.memory_space<semaphore_mem>>)
      %dma_wait3A = arith.constant 0 : i32
      %dma_wait3A_20 = arith.constant 0 : i32
      %dma_wait3A_21 = tpu.memref_slice %arg2[%dma_wait3A, %dma_wait3A_20] : memref<10000x128xf32, #tpu.memory_space<hbm>> -> memref<10000x128xf32, #tpu.memory_space<hbm>>
      tpu.wait_indirect_dma semaphore(%arg11 : memref<!tpu.dma_semaphore, #tpu.memory_space<semaphore_mem>>) src(%dma_wait3A_21 : memref<10000x128xf32, #tpu.memory_space<hbm>>) dst(%arg9 : memref<128x128xf32, #tpu.memory_space<vmem>>)
      %dma_wait3A_22 = arith.constant 0 : i32
      %dma_wait3A_23 = arith.constant 0 : i32
      %dma_wait3A_24 = tpu.memref_slice %arg2[%dma_wait3A_22, %dma_wait3A_23] : memref<10000x128xf32, #tpu.memory_space<hbm>> -> memref<10000x128xf32, #tpu.memory_space<hbm>>
      tpu.wait_indirect_dma semaphore(%arg11 : memref<!tpu.dma_semaphore, #tpu.memory_space<semaphore_mem>>) src(%dma_wait3A_24 : memref<10000x128xf32, #tpu.memory_space<hbm>>) dst(%arg10 : memref<128x128xf32, #tpu.memory_space<vmem>>)
      "tpu.region"() ({
        %run_scoped3A = tpu.sem_alloc : memref<!tpu.dma_semaphore, #tpu.memory_space<semaphore_mem>>
        %dma_start3A_26 = arith.constant 0 : i32
        %dma_start3A_27 = tpu.memref_slice %arg5[%min3A_14, %dma_start3A_26] : memref<320000x128xf32, #tpu.memory_space<hbm>> -> memref<128x128xf32, #tpu.memory_space<hbm>>
        %dma_start3A_28 = arith.constant 0 : i32
        %dma_start3A_29 = tpu.memref_slice %arg5[%min3A_14, %dma_start3A_28] : memref<320000x128xf32, #tpu.memory_space<hbm>> -> memref<128x128xf32, #tpu.memory_space<hbm>>
        tpu.enqueue_dma source(%arg9 : memref<128x128xf32, #tpu.memory_space<vmem>>) target(%dma_start3A_29 : memref<128x128xf32, #tpu.memory_space<hbm>>) target_semaphore(%run_scoped3A : memref<!tpu.dma_semaphore, #tpu.memory_space<semaphore_mem>>)
        %dma_wait3A_30 = arith.constant 0 : i32
        %dma_wait3A_31 = tpu.memref_slice %arg5[%min3A_14, %dma_wait3A_30] : memref<320000x128xf32, #tpu.memory_space<hbm>> -> memref<128x128xf32, #tpu.memory_space<hbm>>
        %dma_wait3A_32 = arith.constant 0 : i32
        %dma_wait3A_33 = tpu.memref_slice %arg5[%min3A_14, %dma_wait3A_32] : memref<320000x128xf32, #tpu.memory_space<hbm>> -> memref<128x128xf32, #tpu.memory_space<hbm>>
        tpu.wait_dma2 semaphore(%run_scoped3A : memref<!tpu.dma_semaphore, #tpu.memory_space<semaphore_mem>>) src(%arg9 : memref<128x128xf32, #tpu.memory_space<vmem>>) dst(%dma_wait3A_33 : memref<128x128xf32, #tpu.memory_space<hbm>>)
        tpu.yield
      }) : () -> ()
      "tpu.region"() ({
        %run_scoped3A = tpu.sem_alloc : memref<!tpu.dma_semaphore, #tpu.memory_space<semaphore_mem>>
        %dma_start3A_26 = arith.constant 0 : i32
        %dma_start3A_27 = tpu.memref_slice %arg6[%min3A_14, %dma_start3A_26] : memref<320000x128xf32, #tpu.memory_space<hbm>> -> memref<128x128xf32, #tpu.memory_space<hbm>>
        %dma_start3A_28 = arith.constant 0 : i32
        %dma_start3A_29 = tpu.memref_slice %arg6[%min3A_14, %dma_start3A_28] : memref<320000x128xf32, #tpu.memory_space<hbm>> -> memref<128x128xf32, #tpu.memory_space<hbm>>
        tpu.enqueue_dma source(%arg10 : memref<128x128xf32, #tpu.memory_space<vmem>>) target(%dma_start3A_29 : memref<128x128xf32, #tpu.memory_space<hbm>>) target_semaphore(%run_scoped3A : memref<!tpu.dma_semaphore, #tpu.memory_space<semaphore_mem>>)
        %dma_wait3A_30 = arith.constant 0 : i32
        %dma_wait3A_31 = tpu.memref_slice %arg6[%min3A_14, %dma_wait3A_30] : memref<320000x128xf32, #tpu.memory_space<hbm>> -> memref<128x128xf32, #tpu.memory_space<hbm>>
        %dma_wait3A_32 = arith.constant 0 : i32
        %dma_wait3A_33 = tpu.memref_slice %arg6[%min3A_14, %dma_wait3A_32] : memref<320000x128xf32, #tpu.memory_space<hbm>> -> memref<128x128xf32, #tpu.memory_space<hbm>>
        tpu.wait_dma2 semaphore(%run_scoped3A : memref<!tpu.dma_semaphore, #tpu.memory_space<semaphore_mem>>) src(%arg10 : memref<128x128xf32, #tpu.memory_space<vmem>>) dst(%dma_wait3A_33 : memref<128x128xf32, #tpu.memory_space<hbm>>)
        tpu.yield
      }) : () -> ()
      %scan3A_25 = arith.constant 0 : i32
      scf.yield %scan3A_25 : i32
    }
    %scan3A_8 = arith.constant 79 : i32
    return
  }
}

#map = affine_map<(d0, d1) -> (0, 0)>
#map1 = affine_map<(d0, d1) -> (0)>
module attributes {stable_mosaic.version = 14 : i64} {
  func.func @_gather_sc(%arg0: i32, %arg1: i32, %arg2: memref<10000x128xf32, #tpu.memory_space<hbm>>, %arg3: memref<320000xi32, #tpu.memory_space<hbm>>, %arg4: memref<320000xi32, #tpu.memory_space<hbm>>, %arg5: memref<320000x128xf32, #tpu.memory_space<hbm>>, %arg6: memref<320000x128xf32, #tpu.memory_space<hbm>>, %arg7: memref<128xi32, #tpu.memory_space<vmem>>, %arg8: memref<128xi32, #tpu.memory_space<vmem>>, %arg9: memref<128x128xf32, #tpu.memory_space<vmem>>, %arg10: memref<128x128xf32, #tpu.memory_space<vmem>>, %arg11: memref<!tpu.dma_semaphore, #tpu.memory_space<semaphore_mem>>) attributes {dimension_semantics = [#tpu.dimension_semantics<core_parallel>, #tpu.dimension_semantics<subcore_parallel>], iteration_bounds = array<i64: 2, 16>, scalar_prefetch = 0 : i64, scratch_operands = 5 : i64, tpu.core_type = #tpu.core_type<sc_vector_subcore>, window_params = [{transform_indices = #map}, {transform_indices = #map1}, {transform_indices = #map1}, {transform_indices = #map}, {transform_indices = #map}]} {
    %mul3A = arith.constant 2 : i32
    %mul3A_0 = arith.muli %arg1, %mul3A : i32
    %add3A = arith.addi %mul3A_0, %arg0 : i32
    %mul3A_1 = arith.constant 10000 : i32
    %mul3A_2 = arith.muli %add3A, %mul3A_1 : i32
    %scan3A = arith.constant 0 : i32
    %scan3A_3 = arith.constant 0 : i32
    %scan3A_4 = arith.constant 79 : i32
    %scan3A_5 = arith.addi %scan3A_3, %scan3A_4 : i32
    %scan3A_6 = arith.constant 1 : i32
    %scan3A_7 = scf.for %scan3A_9 = %scan3A_3 to %scan3A_5 step %scan3A_6 iter_args(%scan3A_10 = %scan3A) -> (i32)  : i32 {
      %mul3A_11 = arith.constant 128 : i32
      %mul3A_12 = arith.muli %scan3A_9, %mul3A_11 : i32
      %add3A_13 = arith.addi %mul3A_2, %mul3A_12 : i32
      %min3A = arith.constant 319872 : i32
      %min3A_14 = arith.minsi %add3A_13, %min3A : i32
      "tpu.region"() ({
        %run_scoped3A = tpu.sem_alloc : memref<!tpu.dma_semaphore, #tpu.memory_space<semaphore_mem>>
        %dma_start3A_26 = tpu.memref_slice %arg3[%min3A_14] : memref<320000xi32, #tpu.memory_space<hbm>> -> memref<128xi32, #tpu.memory_space<hbm>>
        %dma_start3A_27 = tpu.memref_slice %arg3[%min3A_14] : memref<320000xi32, #tpu.memory_space<hbm>> -> memref<128xi32, #tpu.memory_space<hbm>>
        tpu.enqueue_dma source(%dma_start3A_27 : memref<128xi32, #tpu.memory_space<hbm>>) target(%arg7 : memref<128xi32, #tpu.memory_space<vmem>>) target_semaphore(%run_scoped3A : memref<!tpu.dma_semaphore, #tpu.memory_space<semaphore_mem>>)
        %dma_wait3A_28 = tpu.memref_slice %arg3[%min3A_14] : memref<320000xi32, #tpu.memory_space<hbm>> -> memref<128xi32, #tpu.memory_space<hbm>>
        %dma_wait3A_29 = tpu.memref_slice %arg3[%min3A_14] : memref<320000xi32, #tpu.memory_space<hbm>> -> memref<128xi32, #tpu.memory_space<hbm>>
        tpu.wait_dma2 semaphore(%run_scoped3A : memref<!tpu.dma_semaphore, #tpu.memory_space<semaphore_mem>>) src(%dma_wait3A_29 : memref<128xi32, #tpu.memory_space<hbm>>) dst(%arg7 : memref<128xi32, #tpu.memory_space<vmem>>)
        tpu.yield
      }) : () -> ()
      "tpu.region"() ({
        %run_scoped3A = tpu.sem_alloc : memref<!tpu.dma_semaphore, #tpu.memory_space<semaphore_mem>>
        %dma_start3A_26 = tpu.memref_slice %arg4[%min3A_14] : memref<320000xi32, #tpu.memory_space<hbm>> -> memref<128xi32, #tpu.memory_space<hbm>>
        %dma_start3A_27 = tpu.memref_slice %arg4[%min3A_14] : memref<320000xi32, #tpu.memory_space<hbm>> -> memref<128xi32, #tpu.memory_space<hbm>>
        tpu.enqueue_dma source(%dma_start3A_27 : memref<128xi32, #tpu.memory_space<hbm>>) target(%arg8 : memref<128xi32, #tpu.memory_space<vmem>>) target_semaphore(%run_scoped3A : memref<!tpu.dma_semaphore, #tpu.memory_space<semaphore_mem>>)
        %dma_wait3A_28 = tpu.memref_slice %arg4[%min3A_14] : memref<320000xi32, #tpu.memory_space<hbm>> -> memref<128xi32, #tpu.memory_space<hbm>>
        %dma_wait3A_29 = tpu.memref_slice %arg4[%min3A_14] : memref<320000xi32, #tpu.memory_space<hbm>> -> memref<128xi32, #tpu.memory_space<hbm>>
        tpu.wait_dma2 semaphore(%run_scoped3A : memref<!tpu.dma_semaphore, #tpu.memory_space<semaphore_mem>>) src(%dma_wait3A_29 : memref<128xi32, #tpu.memory_space<hbm>>) dst(%arg8 : memref<128xi32, #tpu.memory_space<vmem>>)
        tpu.yield
      }) : () -> ()
      %dma_start3A = arith.constant 0 : i32
      %dma_start3A_15 = arith.constant 0 : i32
      %dma_start3A_16 = tpu.memref_slice %arg2[%dma_start3A, %dma_start3A_15] : memref<10000x128xf32, #tpu.memory_space<hbm>> -> memref<10000x128xf32, #tpu.memory_space<hbm>>
      tpu.enqueue_indirect_dma source(%dma_start3A_16 : memref<10000x128xf32, #tpu.memory_space<hbm>>) target(%arg9 : memref<128x128xf32, #tpu.memory_space<vmem>>) offsets(%arg7 : memref<128xi32, #tpu.memory_space<vmem>>) semaphore(%arg11 : memref<!tpu.dma_semaphore, #tpu.memory_space<semaphore_mem>>)
      %dma_start3A_17 = arith.constant 0 : i32
      %dma_start3A_18 = arith.constant 0 : i32
      %dma_start3A_19 = tpu.memref_slice %arg2[%dma_start3A_17, %dma_start3A_18] : memref<10000x128xf32, #tpu.memory_space<hbm>> -> memref<10000x128xf32, #tpu.memory_space<hbm>>
      tpu.enqueue_indirect_dma source(%dma_start3A_19 : memref<10000x128xf32, #tpu.memory_space<hbm>>) target(%arg10 : memref<128x128xf32, #tpu.memory_space<vmem>>) offsets(%arg8 : memref<128xi32, #tpu.memory_space<vmem>>) semaphore(%arg11 : memref<!tpu.dma_semaphore, #tpu.memory_space<semaphore_mem>>)
      %dma_wait3A = arith.constant 0 : i32
      %dma_wait3A_20 = arith.constant 0 : i32
      %dma_wait3A_21 = tpu.memref_slice %arg2[%dma_wait3A, %dma_wait3A_20] : memref<10000x128xf32, #tpu.memory_space<hbm>> -> memref<10000x128xf32, #tpu.memory_space<hbm>>
      tpu.wait_indirect_dma semaphore(%arg11 : memref<!tpu.dma_semaphore, #tpu.memory_space<semaphore_mem>>) src(%dma_wait3A_21 : memref<10000x128xf32, #tpu.memory_space<hbm>>) dst(%arg9 : memref<128x128xf32, #tpu.memory_space<vmem>>)
      %dma_wait3A_22 = arith.constant 0 : i32
      %dma_wait3A_23 = arith.constant 0 : i32
      %dma_wait3A_24 = tpu.memref_slice %arg2[%dma_wait3A_22, %dma_wait3A_23] : memref<10000x128xf32, #tpu.memory_space<hbm>> -> memref<10000x128xf32, #tpu.memory_space<hbm>>
      tpu.wait_indirect_dma semaphore(%arg11 : memref<!tpu.dma_semaphore, #tpu.memory_space<semaphore_mem>>) src(%dma_wait3A_24 : memref<10000x128xf32, #tpu.memory_space<hbm>>) dst(%arg10 : memref<128x128xf32, #tpu.memory_space<vmem>>)
      "tpu.region"() ({
        %run_scoped3A = tpu.sem_alloc : memref<!tpu.dma_semaphore, #tpu.memory_space<semaphore_mem>>
        %dma_start3A_26 = arith.constant 0 : i32
        %dma_start3A_27 = tpu.memref_slice %arg5[%min3A_14, %dma_start3A_26] : memref<320000x128xf32, #tpu.memory_space<hbm>> -> memref<128x128xf32, #tpu.memory_space<hbm>>
        %dma_start3A_28 = arith.constant 0 : i32
        %dma_start3A_29 = tpu.memref_slice %arg5[%min3A_14, %dma_start3A_28] : memref<320000x128xf32, #tpu.memory_space<hbm>> -> memref<128x128xf32, #tpu.memory_space<hbm>>
        tpu.enqueue_dma source(%arg9 : memref<128x128xf32, #tpu.memory_space<vmem>>) target(%dma_start3A_29 : memref<128x128xf32, #tpu.memory_space<hbm>>) target_semaphore(%run_scoped3A : memref<!tpu.dma_semaphore, #tpu.memory_space<semaphore_mem>>)
        %dma_wait3A_30 = arith.constant 0 : i32
        %dma_wait3A_31 = tpu.memref_slice %arg5[%min3A_14, %dma_wait3A_30] : memref<320000x128xf32, #tpu.memory_space<hbm>> -> memref<128x128xf32, #tpu.memory_space<hbm>>
        %dma_wait3A_32 = arith.constant 0 : i32
        %dma_wait3A_33 = tpu.memref_slice %arg5[%min3A_14, %dma_wait3A_32] : memref<320000x128xf32, #tpu.memory_space<hbm>> -> memref<128x128xf32, #tpu.memory_space<hbm>>
        tpu.wait_dma2 semaphore(%run_scoped3A : memref<!tpu.dma_semaphore, #tpu.memory_space<semaphore_mem>>) src(%arg9 : memref<128x128xf32, #tpu.memory_space<vmem>>) dst(%dma_wait3A_33 : memref<128x128xf32, #tpu.memory_space<hbm>>)
        tpu.yield
      }) : () -> ()
      "tpu.region"() ({
        %run_scoped3A = tpu.sem_alloc : memref<!tpu.dma_semaphore, #tpu.memory_space<semaphore_mem>>
        %dma_start3A_26 = arith.constant 0 : i32
        %dma_start3A_27 = tpu.memref_slice %arg6[%min3A_14, %dma_start3A_26] : memref<320000x128xf32, #tpu.memory_space<hbm>> -> memref<128x128xf32, #tpu.memory_space<hbm>>
        %dma_start3A_28 = arith.constant 0 : i32
        %dma_start3A_29 = tpu.memref_slice %arg6[%min3A_14, %dma_start3A_28] : memref<320000x128xf32, #tpu.memory_space<hbm>> -> memref<128x128xf32, #tpu.memory_space<hbm>>
        tpu.enqueue_dma source(%arg10 : memref<128x128xf32, #tpu.memory_space<vmem>>) target(%dma_start3A_29 : memref<128x128xf32, #tpu.memory_space<hbm>>) target_semaphore(%run_scoped3A : memref<!tpu.dma_semaphore, #tpu.memory_space<semaphore_mem>>)
        %dma_wait3A_30 = arith.constant 0 : i32
        %dma_wait3A_31 = tpu.memref_slice %arg6[%min3A_14, %dma_wait3A_30] : memref<320000x128xf32, #tpu.memory_space<hbm>> -> memref<128x128xf32, #tpu.memory_space<hbm>>
        %dma_wait3A_32 = arith.constant 0 : i32
        %dma_wait3A_33 = tpu.memref_slice %arg6[%min3A_14, %dma_wait3A_32] : memref<320000x128xf32, #tpu.memory_space<hbm>> -> memref<128x128xf32, #tpu.memory_space<hbm>>
        tpu.wait_dma2 semaphore(%run_scoped3A : memref<!tpu.dma_semaphore, #tpu.memory_space<semaphore_mem>>) src(%arg10 : memref<128x128xf32, #tpu.memory_space<vmem>>) dst(%dma_wait3A_33 : memref<128x128xf32, #tpu.memory_space<hbm>>)
        tpu.yield
      }) : () -> ()
      %scan3A_25 = arith.constant 0 : i32
      scf.yield %scan3A_25 : i32
    }
    %scan3A_8 = arith.constant 79 : i32
    return
  }
}

#map = affine_map<(d0, d1) -> (0, 0)>
#map1 = affine_map<(d0, d1) -> (0)>
module attributes {stable_mosaic.version = 14 : i64} {
  func.func @_scatter_sc(%arg0: i32, %arg1: i32, %arg2: memref<320000x128xf32, #tpu.memory_space<hbm>>, %arg3: memref<320000x128xf32, #tpu.memory_space<hbm>>, %arg4: memref<320000xi32, #tpu.memory_space<hbm>>, %arg5: memref<128x128xf32, #tpu.memory_space<hbm>>, %arg6: memref<10240x128xf32, #tpu.memory_space<hbm>>, %arg7: memref<10240x128xf32, #tpu.memory_space<hbm>>, %arg8: memref<128xi32, #tpu.memory_space<vmem>>, %arg9: memref<128x128xf32, #tpu.memory_space<vmem>>, %arg10: memref<128x128xf32, #tpu.memory_space<vmem>>, %arg11: memref<10240x128xf32, #tpu.memory_space<vmem_shared>>, %arg12: memref<!tpu.dma_semaphore, #tpu.memory_space<semaphore_mem>>) attributes {dimension_semantics = [#tpu.dimension_semantics<core_parallel>, #tpu.dimension_semantics<subcore_parallel>], iteration_bounds = array<i64: 2, 16>, scalar_prefetch = 0 : i64, scratch_operands = 5 : i64, tpu.core_type = #tpu.core_type<sc_vector_subcore>, window_params = [{transform_indices = #map}, {transform_indices = #map}, {transform_indices = #map1}, {transform_indices = #map}, {transform_indices = #map}, {transform_indices = #map}]} {
    %mul3A = arith.constant 640 : i32
    %mul3A_0 = arith.muli %arg1, %mul3A : i32
    "tpu.region"() ({
      %run_scoped3A = tpu.sem_alloc : memref<!tpu.dma_semaphore, #tpu.memory_space<semaphore_mem>>
      tpu.enqueue_dma source(%arg5 : memref<128x128xf32, #tpu.memory_space<hbm>>) target(%arg10 : memref<128x128xf32, #tpu.memory_space<vmem>>) target_semaphore(%run_scoped3A : memref<!tpu.dma_semaphore, #tpu.memory_space<semaphore_mem>>)
      tpu.wait_dma2 semaphore(%run_scoped3A : memref<!tpu.dma_semaphore, #tpu.memory_space<semaphore_mem>>) src(%arg5 : memref<128x128xf32, #tpu.memory_space<hbm>>) dst(%arg10 : memref<128x128xf32, #tpu.memory_space<vmem>>)
      tpu.yield
    }) : () -> ()
    %add3A = arith.constant 0 : i32
    %add3A_1 = arith.addi %mul3A_0, %add3A : i32
    "tpu.region"() ({
      %run_scoped3A = tpu.sem_alloc : memref<!tpu.dma_semaphore, #tpu.memory_space<semaphore_mem>>
      %dma_start3A = arith.constant 0 : i32
      %dma_start3A_78 = tpu.memref_slice %arg11[%add3A_1, %dma_start3A] : memref<10240x128xf32, #tpu.memory_space<vmem_shared>> -> memref<128x128xf32, #tpu.memory_space<vmem_shared>>
      %dma_start3A_79 = arith.constant 0 : i32
      %dma_start3A_80 = tpu.memref_slice %arg11[%add3A_1, %dma_start3A_79] : memref<10240x128xf32, #tpu.memory_space<vmem_shared>> -> memref<128x128xf32, #tpu.memory_space<vmem_shared>>
      tpu.enqueue_dma source(%arg10 : memref<128x128xf32, #tpu.memory_space<vmem>>) target(%dma_start3A_80 : memref<128x128xf32, #tpu.memory_space<vmem_shared>>) target_semaphore(%run_scoped3A : memref<!tpu.dma_semaphore, #tpu.memory_space<semaphore_mem>>)
      %dma_wait3A = arith.constant 0 : i32
      %dma_wait3A_81 = tpu.memref_slice %arg11[%add3A_1, %dma_wait3A] : memref<10240x128xf32, #tpu.memory_space<vmem_shared>> -> memref<128x128xf32, #tpu.memory_space<vmem_shared>>
      %dma_wait3A_82 = arith.constant 0 : i32
      %dma_wait3A_83 = tpu.memref_slice %arg11[%add3A_1, %dma_wait3A_82] : memref<10240x128xf32, #tpu.memory_space<vmem_shared>> -> memref<128x128xf32, #tpu.memory_space<vmem_shared>>
      tpu.wait_dma2 semaphore(%run_scoped3A : memref<!tpu.dma_semaphore, #tpu.memory_space<semaphore_mem>>) src(%arg10 : memref<128x128xf32, #tpu.memory_space<vmem>>) dst(%dma_wait3A_83 : memref<128x128xf32, #tpu.memory_space<vmem_shared>>)
      tpu.yield
    }) : () -> ()
    %add3A_2 = arith.constant 128 : i32
    %add3A_3 = arith.addi %mul3A_0, %add3A_2 : i32
    "tpu.region"() ({
      %run_scoped3A = tpu.sem_alloc : memref<!tpu.dma_semaphore, #tpu.memory_space<semaphore_mem>>
      %dma_start3A = arith.constant 0 : i32
      %dma_start3A_78 = tpu.memref_slice %arg11[%add3A_3, %dma_start3A] : memref<10240x128xf32, #tpu.memory_space<vmem_shared>> -> memref<128x128xf32, #tpu.memory_space<vmem_shared>>
      %dma_start3A_79 = arith.constant 0 : i32
      %dma_start3A_80 = tpu.memref_slice %arg11[%add3A_3, %dma_start3A_79] : memref<10240x128xf32, #tpu.memory_space<vmem_shared>> -> memref<128x128xf32, #tpu.memory_space<vmem_shared>>
      tpu.enqueue_dma source(%arg10 : memref<128x128xf32, #tpu.memory_space<vmem>>) target(%dma_start3A_80 : memref<128x128xf32, #tpu.memory_space<vmem_shared>>) target_semaphore(%run_scoped3A : memref<!tpu.dma_semaphore, #tpu.memory_space<semaphore_mem>>)
      %dma_wait3A = arith.constant 0 : i32
      %dma_wait3A_81 = tpu.memref_slice %arg11[%add3A_3, %dma_wait3A] : memref<10240x128xf32, #tpu.memory_space<vmem_shared>> -> memref<128x128xf32, #tpu.memory_space<vmem_shared>>
      %dma_wait3A_82 = arith.constant 0 : i32
      %dma_wait3A_83 = tpu.memref_slice %arg11[%add3A_3, %dma_wait3A_82] : memref<10240x128xf32, #tpu.memory_space<vmem_shared>> -> memref<128x128xf32, #tpu.memory_space<vmem_shared>>
      tpu.wait_dma2 semaphore(%run_scoped3A : memref<!tpu.dma_semaphore, #tpu.memory_space<semaphore_mem>>) src(%arg10 : memref<128x128xf32, #tpu.memory_space<vmem>>) dst(%dma_wait3A_83 : memref<128x128xf32, #tpu.memory_space<vmem_shared>>)
      tpu.yield
    }) : () -> ()
    %add3A_4 = arith.constant 256 : i32
    %add3A_5 = arith.addi %mul3A_0, %add3A_4 : i32
    "tpu.region"() ({
      %run_scoped3A = tpu.sem_alloc : memref<!tpu.dma_semaphore, #tpu.memory_space<semaphore_mem>>
      %dma_start3A = arith.constant 0 : i32
      %dma_start3A_78 = tpu.memref_slice %arg11[%add3A_5, %dma_start3A] : memref<10240x128xf32, #tpu.memory_space<vmem_shared>> -> memref<128x128xf32, #tpu.memory_space<vmem_shared>>
      %dma_start3A_79 = arith.constant 0 : i32
      %dma_start3A_80 = tpu.memref_slice %arg11[%add3A_5, %dma_start3A_79] : memref<10240x128xf32, #tpu.memory_space<vmem_shared>> -> memref<128x128xf32, #tpu.memory_space<vmem_shared>>
      tpu.enqueue_dma source(%arg10 : memref<128x128xf32, #tpu.memory_space<vmem>>) target(%dma_start3A_80 : memref<128x128xf32, #tpu.memory_space<vmem_shared>>) target_semaphore(%run_scoped3A : memref<!tpu.dma_semaphore, #tpu.memory_space<semaphore_mem>>)
      %dma_wait3A = arith.constant 0 : i32
      %dma_wait3A_81 = tpu.memref_slice %arg11[%add3A_5, %dma_wait3A] : memref<10240x128xf32, #tpu.memory_space<vmem_shared>> -> memref<128x128xf32, #tpu.memory_space<vmem_shared>>
      %dma_wait3A_82 = arith.constant 0 : i32
      %dma_wait3A_83 = tpu.memref_slice %arg11[%add3A_5, %dma_wait3A_82] : memref<10240x128xf32, #tpu.memory_space<vmem_shared>> -> memref<128x128xf32, #tpu.memory_space<vmem_shared>>
      tpu.wait_dma2 semaphore(%run_scoped3A : memref<!tpu.dma_semaphore, #tpu.memory_space<semaphore_mem>>) src(%arg10 : memref<128x128xf32, #tpu.memory_space<vmem>>) dst(%dma_wait3A_83 : memref<128x128xf32, #tpu.memory_space<vmem_shared>>)
      tpu.yield
    }) : () -> ()
    %add3A_6 = arith.constant 384 : i32
    %add3A_7 = arith.addi %mul3A_0, %add3A_6 : i32
    "tpu.region"() ({
      %run_scoped3A = tpu.sem_alloc : memref<!tpu.dma_semaphore, #tpu.memory_space<semaphore_mem>>
      %dma_start3A = arith.constant 0 : i32
      %dma_start3A_78 = tpu.memref_slice %arg11[%add3A_7, %dma_start3A] : memref<10240x128xf32, #tpu.memory_space<vmem_shared>> -> memref<128x128xf32, #tpu.memory_space<vmem_shared>>
      %dma_start3A_79 = arith.constant 0 : i32
      %dma_start3A_80 = tpu.memref_slice %arg11[%add3A_7, %dma_start3A_79] : memref<10240x128xf32, #tpu.memory_space<vmem_shared>> -> memref<128x128xf32, #tpu.memory_space<vmem_shared>>
      tpu.enqueue_dma source(%arg10 : memref<128x128xf32, #tpu.memory_space<vmem>>) target(%dma_start3A_80 : memref<128x128xf32, #tpu.memory_space<vmem_shared>>) target_semaphore(%run_scoped3A : memref<!tpu.dma_semaphore, #tpu.memory_space<semaphore_mem>>)
      %dma_wait3A = arith.constant 0 : i32
      %dma_wait3A_81 = tpu.memref_slice %arg11[%add3A_7, %dma_wait3A] : memref<10240x128xf32, #tpu.memory_space<vmem_shared>> -> memref<128x128xf32, #tpu.memory_space<vmem_shared>>
      %dma_wait3A_82 = arith.constant 0 : i32
      %dma_wait3A_83 = tpu.memref_slice %arg11[%add3A_7, %dma_wait3A_82] : memref<10240x128xf32, #tpu.memory_space<vmem_shared>> -> memref<128x128xf32, #tpu.memory_space<vmem_shared>>
      tpu.wait_dma2 semaphore(%run_scoped3A : memref<!tpu.dma_semaphore, #tpu.memory_space<semaphore_mem>>) src(%arg10 : memref<128x128xf32, #tpu.memory_space<vmem>>) dst(%dma_wait3A_83 : memref<128x128xf32, #tpu.memory_space<vmem_shared>>)
      tpu.yield
    }) : () -> ()
    %add3A_8 = arith.constant 512 : i32
    %add3A_9 = arith.addi %mul3A_0, %add3A_8 : i32
    "tpu.region"() ({
      %run_scoped3A = tpu.sem_alloc : memref<!tpu.dma_semaphore, #tpu.memory_space<semaphore_mem>>
      %dma_start3A = arith.constant 0 : i32
      %dma_start3A_78 = tpu.memref_slice %arg11[%add3A_9, %dma_start3A] : memref<10240x128xf32, #tpu.memory_space<vmem_shared>> -> memref<128x128xf32, #tpu.memory_space<vmem_shared>>
      %dma_start3A_79 = arith.constant 0 : i32
      %dma_start3A_80 = tpu.memref_slice %arg11[%add3A_9, %dma_start3A_79] : memref<10240x128xf32, #tpu.memory_space<vmem_shared>> -> memref<128x128xf32, #tpu.memory_space<vmem_shared>>
      tpu.enqueue_dma source(%arg10 : memref<128x128xf32, #tpu.memory_space<vmem>>) target(%dma_start3A_80 : memref<128x128xf32, #tpu.memory_space<vmem_shared>>) target_semaphore(%run_scoped3A : memref<!tpu.dma_semaphore, #tpu.memory_space<semaphore_mem>>)
      %dma_wait3A = arith.constant 0 : i32
      %dma_wait3A_81 = tpu.memref_slice %arg11[%add3A_9, %dma_wait3A] : memref<10240x128xf32, #tpu.memory_space<vmem_shared>> -> memref<128x128xf32, #tpu.memory_space<vmem_shared>>
      %dma_wait3A_82 = arith.constant 0 : i32
      %dma_wait3A_83 = tpu.memref_slice %arg11[%add3A_9, %dma_wait3A_82] : memref<10240x128xf32, #tpu.memory_space<vmem_shared>> -> memref<128x128xf32, #tpu.memory_space<vmem_shared>>
      tpu.wait_dma2 semaphore(%run_scoped3A : memref<!tpu.dma_semaphore, #tpu.memory_space<semaphore_mem>>) src(%arg10 : memref<128x128xf32, #tpu.memory_space<vmem>>) dst(%dma_wait3A_83 : memref<128x128xf32, #tpu.memory_space<vmem_shared>>)
      tpu.yield
    }) : () -> ()
    %barrier3A = arith.constant 0 : index
    tpu.barrier barrier_id(%barrier3A)
    %eq3A = arith.constant 0 : i32
    %eq3A_10 = arith.cmpi eq, %arg0, %eq3A : i32
    %convert_element_type3A = arith.extui %eq3A_10 : i1 to i32
    %cond3A = arith.constant 0 : i32
    %cond3A_11 = arith.cmpi ne, %convert_element_type3A, %cond3A : i32
    scf.if %cond3A_11 {
      %scan3A = arith.constant 0 : i32
      %scan3A_78 = arith.constant 0 : i32
      %scan3A_79 = arith.constant 156 : i32
      %scan3A_80 = arith.addi %scan3A_78, %scan3A_79 : i32
      %scan3A_81 = arith.constant 1 : i32
      %scan3A_82 = scf.for %scan3A_88 = %scan3A_78 to %scan3A_80 step %scan3A_81 iter_args(%scan3A_89 = %scan3A) -> (i32)  : i32 {
        %mul3A_90 = arith.constant 156 : i32
        %mul3A_91 = arith.muli %arg1, %mul3A_90 : i32
        %add3A_92 = arith.addi %mul3A_91, %scan3A_88 : i32
        %mul3A_93 = arith.constant 128 : i32
        %mul3A_94 = arith.muli %add3A_92, %mul3A_93 : i32
        "tpu.region"() ({
          %run_scoped3A = tpu.sem_alloc : memref<!tpu.dma_semaphore, #tpu.memory_space<semaphore_mem>>
          %dma_start3A_102 = tpu.memref_slice %arg4[%mul3A_94] : memref<320000xi32, #tpu.memory_space<hbm>> -> memref<128xi32, #tpu.memory_space<hbm>>
          %dma_start3A_103 = tpu.memref_slice %arg4[%mul3A_94] : memref<320000xi32, #tpu.memory_space<hbm>> -> memref<128xi32, #tpu.memory_space<hbm>>
          tpu.enqueue_dma source(%dma_start3A_103 : memref<128xi32, #tpu.memory_space<hbm>>) target(%arg8 : memref<128xi32, #tpu.memory_space<vmem>>) target_semaphore(%run_scoped3A : memref<!tpu.dma_semaphore, #tpu.memory_space<semaphore_mem>>)
          %dma_wait3A_104 = tpu.memref_slice %arg4[%mul3A_94] : memref<320000xi32, #tpu.memory_space<hbm>> -> memref<128xi32, #tpu.memory_space<hbm>>
          %dma_wait3A_105 = tpu.memref_slice %arg4[%mul3A_94] : memref<320000xi32, #tpu.memory_space<hbm>> -> memref<128xi32, #tpu.memory_space<hbm>>
          tpu.wait_dma2 semaphore(%run_scoped3A : memref<!tpu.dma_semaphore, #tpu.memory_space<semaphore_mem>>) src(%dma_wait3A_105 : memref<128xi32, #tpu.memory_space<hbm>>) dst(%arg8 : memref<128xi32, #tpu.memory_space<vmem>>)
          tpu.yield
        }) : () -> ()
        %dma_start3A = arith.constant 0 : i32
        %dma_start3A_95 = tpu.memref_slice %arg2[%mul3A_94, %dma_start3A] : memref<320000x128xf32, #tpu.memory_space<hbm>> -> memref<128x128xf32, #tpu.memory_space<hbm>>
        %dma_start3A_96 = arith.constant 0 : i32
        %dma_start3A_97 = tpu.memref_slice %arg2[%mul3A_94, %dma_start3A_96] : memref<320000x128xf32, #tpu.memory_space<hbm>> -> memref<128x128xf32, #tpu.memory_space<hbm>>
        tpu.enqueue_dma source(%dma_start3A_97 : memref<128x128xf32, #tpu.memory_space<hbm>>) target(%arg9 : memref<128x128xf32, #tpu.memory_space<vmem>>) target_semaphore(%arg12 : memref<!tpu.dma_semaphore, #tpu.memory_space<semaphore_mem>>)
        %dma_wait3A = arith.constant 0 : i32
        %dma_wait3A_98 = tpu.memref_slice %arg2[%mul3A_94, %dma_wait3A] : memref<320000x128xf32, #tpu.memory_space<hbm>> -> memref<128x128xf32, #tpu.memory_space<hbm>>
        %dma_wait3A_99 = arith.constant 0 : i32
        %dma_wait3A_100 = tpu.memref_slice %arg2[%mul3A_94, %dma_wait3A_99] : memref<320000x128xf32, #tpu.memory_space<hbm>> -> memref<128x128xf32, #tpu.memory_space<hbm>>
        tpu.wait_dma2 semaphore(%arg12 : memref<!tpu.dma_semaphore, #tpu.memory_space<semaphore_mem>>) src(%dma_wait3A_100 : memref<128x128xf32, #tpu.memory_space<hbm>>) dst(%arg9 : memref<128x128xf32, #tpu.memory_space<vmem>>)
        "tpu.region"() ({
          %run_scoped3A = tpu.sem_alloc : memref<!tpu.dma_semaphore, #tpu.memory_space<semaphore_mem>>
          %dma_start3A_102 = arith.constant 0 : i32
          %dma_start3A_103 = arith.constant 0 : i32
          %dma_start3A_104 = tpu.memref_slice %arg11[%dma_start3A_102, %dma_start3A_103] : memref<10240x128xf32, #tpu.memory_space<vmem_shared>> -> memref<10240x128xf32, #tpu.memory_space<vmem_shared>>
          tpu.enqueue_indirect_dma source(%arg9 : memref<128x128xf32, #tpu.memory_space<vmem>>) target(%dma_start3A_104 : memref<10240x128xf32, #tpu.memory_space<vmem_shared>>) offsets(%arg8 : memref<128xi32, #tpu.memory_space<vmem>>) semaphore(%run_scoped3A : memref<!tpu.dma_semaphore, #tpu.memory_space<semaphore_mem>>) {add = true}
          %dma_wait3A_105 = arith.constant 0 : i32
          %dma_wait3A_106 = arith.constant 0 : i32
          %dma_wait3A_107 = tpu.memref_slice %arg11[%dma_wait3A_105, %dma_wait3A_106] : memref<10240x128xf32, #tpu.memory_space<vmem_shared>> -> memref<10240x128xf32, #tpu.memory_space<vmem_shared>>
          tpu.wait_indirect_dma semaphore(%run_scoped3A : memref<!tpu.dma_semaphore, #tpu.memory_space<semaphore_mem>>) src(%arg9 : memref<128x128xf32, #tpu.memory_space<vmem>>) dst(%dma_wait3A_107 : memref<10240x128xf32, #tpu.memory_space<vmem_shared>>)
          tpu.yield
        }) : () -> ()
        %scan3A_101 = arith.constant 0 : i32
        scf.yield %scan3A_101 : i32
      }
      %scan3A_83 = arith.constant 156 : i32
      %lt3A = arith.constant 4 : i32
      %lt3A_84 = arith.cmpi slt, %arg1, %lt3A : i32
      %convert_element_type3A_85 = arith.extui %lt3A_84 : i1 to i32
      %cond3A_86 = arith.constant 0 : i32
      %cond3A_87 = arith.cmpi ne, %convert_element_type3A_85, %cond3A_86 : i32
      scf.if %cond3A_87 {
        %add3A_88 = arith.constant 2496 : i32
        %add3A_89 = arith.addi %add3A_88, %arg1 : i32
        %mul3A_90 = arith.constant 128 : i32
        %mul3A_91 = arith.muli %add3A_89, %mul3A_90 : i32
        "tpu.region"() ({
          %run_scoped3A = tpu.sem_alloc : memref<!tpu.dma_semaphore, #tpu.memory_space<semaphore_mem>>
          %dma_start3A_98 = tpu.memref_slice %arg4[%mul3A_91] : memref<320000xi32, #tpu.memory_space<hbm>> -> memref<128xi32, #tpu.memory_space<hbm>>
          %dma_start3A_99 = tpu.memref_slice %arg4[%mul3A_91] : memref<320000xi32, #tpu.memory_space<hbm>> -> memref<128xi32, #tpu.memory_space<hbm>>
          tpu.enqueue_dma source(%dma_start3A_99 : memref<128xi32, #tpu.memory_space<hbm>>) target(%arg8 : memref<128xi32, #tpu.memory_space<vmem>>) target_semaphore(%run_scoped3A : memref<!tpu.dma_semaphore, #tpu.memory_space<semaphore_mem>>)
          %dma_wait3A_100 = tpu.memref_slice %arg4[%mul3A_91] : memref<320000xi32, #tpu.memory_space<hbm>> -> memref<128xi32, #tpu.memory_space<hbm>>
          %dma_wait3A_101 = tpu.memref_slice %arg4[%mul3A_91] : memref<320000xi32, #tpu.memory_space<hbm>> -> memref<128xi32, #tpu.memory_space<hbm>>
          tpu.wait_dma2 semaphore(%run_scoped3A : memref<!tpu.dma_semaphore, #tpu.memory_space<semaphore_mem>>) src(%dma_wait3A_101 : memref<128xi32, #tpu.memory_space<hbm>>) dst(%arg8 : memref<128xi32, #tpu.memory_space<vmem>>)
          tpu.yield
        }) : () -> ()
        %dma_start3A = arith.constant 0 : i32
        %dma_start3A_92 = tpu.memref_slice %arg2[%mul3A_91, %dma_start3A] : memref<320000x128xf32, #tpu.memory_space<hbm>> -> memref<128x128xf32, #tpu.memory_space<hbm>>
        %dma_start3A_93 = arith.constant 0 : i32
        %dma_start3A_94 = tpu.memref_slice %arg2[%mul3A_91, %dma_start3A_93] : memref<320000x128xf32, #tpu.memory_space<hbm>> -> memref<128x128xf32, #tpu.memory_space<hbm>>
        tpu.enqueue_dma source(%dma_start3A_94 : memref<128x128xf32, #tpu.memory_space<hbm>>) target(%arg9 : memref<128x128xf32, #tpu.memory_space<vmem>>) target_semaphore(%arg12 : memref<!tpu.dma_semaphore, #tpu.memory_space<semaphore_mem>>)
        %dma_wait3A = arith.constant 0 : i32
        %dma_wait3A_95 = tpu.memref_slice %arg2[%mul3A_91, %dma_wait3A] : memref<320000x128xf32, #tpu.memory_space<hbm>> -> memref<128x128xf32, #tpu.memory_space<hbm>>
        %dma_wait3A_96 = arith.constant 0 : i32
        %dma_wait3A_97 = tpu.memref_slice %arg2[%mul3A_91, %dma_wait3A_96] : memref<320000x128xf32, #tpu.memory_space<hbm>> -> memref<128x128xf32, #tpu.memory_space<hbm>>
        tpu.wait_dma2 semaphore(%arg12 : memref<!tpu.dma_semaphore, #tpu.memory_space<semaphore_mem>>) src(%dma_wait3A_97 : memref<128x128xf32, #tpu.memory_space<hbm>>) dst(%arg9 : memref<128x128xf32, #tpu.memory_space<vmem>>)
        "tpu.region"() ({
          %run_scoped3A = tpu.sem_alloc : memref<!tpu.dma_semaphore, #tpu.memory_space<semaphore_mem>>
          %dma_start3A_98 = arith.constant 0 : i32
          %dma_start3A_99 = arith.constant 0 : i32
          %dma_start3A_100 = tpu.memref_slice %arg11[%dma_start3A_98, %dma_start3A_99] : memref<10240x128xf32, #tpu.memory_space<vmem_shared>> -> memref<10240x128xf32, #tpu.memory_space<vmem_shared>>
          tpu.enqueue_indirect_dma source(%arg9 : memref<128x128xf32, #tpu.memory_space<vmem>>) target(%dma_start3A_100 : memref<10240x128xf32, #tpu.memory_space<vmem_shared>>) offsets(%arg8 : memref<128xi32, #tpu.memory_space<vmem>>) semaphore(%run_scoped3A : memref<!tpu.dma_semaphore, #tpu.memory_space<semaphore_mem>>) {add = true}
          %dma_wait3A_101 = arith.constant 0 : i32
          %dma_wait3A_102 = arith.constant 0 : i32
          %dma_wait3A_103 = tpu.memref_slice %arg11[%dma_wait3A_101, %dma_wait3A_102] : memref<10240x128xf32, #tpu.memory_space<vmem_shared>> -> memref<10240x128xf32, #tpu.memory_space<vmem_shared>>
          tpu.wait_indirect_dma semaphore(%run_scoped3A : memref<!tpu.dma_semaphore, #tpu.memory_space<semaphore_mem>>) src(%arg9 : memref<128x128xf32, #tpu.memory_space<vmem>>) dst(%dma_wait3A_103 : memref<10240x128xf32, #tpu.memory_space<vmem_shared>>)
          tpu.yield
        }) : () -> ()
      } else {
      }
    } else {
    }
    %eq3A_12 = arith.constant 1 : i32
    %eq3A_13 = arith.cmpi eq, %arg0, %eq3A_12 : i32
    %convert_element_type3A_14 = arith.extui %eq3A_13 : i1 to i32
    %cond3A_15 = arith.constant 0 : i32
    %cond3A_16 = arith.cmpi ne, %convert_element_type3A_14, %cond3A_15 : i32
    scf.if %cond3A_16 {
      %scan3A = arith.constant 0 : i32
      %scan3A_78 = arith.constant 0 : i32
      %scan3A_79 = arith.constant 156 : i32
      %scan3A_80 = arith.addi %scan3A_78, %scan3A_79 : i32
      %scan3A_81 = arith.constant 1 : i32
      %scan3A_82 = scf.for %scan3A_88 = %scan3A_78 to %scan3A_80 step %scan3A_81 iter_args(%scan3A_89 = %scan3A) -> (i32)  : i32 {
        %mul3A_90 = arith.constant 156 : i32
        %mul3A_91 = arith.muli %arg1, %mul3A_90 : i32
        %add3A_92 = arith.addi %mul3A_91, %scan3A_88 : i32
        %mul3A_93 = arith.constant 128 : i32
        %mul3A_94 = arith.muli %add3A_92, %mul3A_93 : i32
        "tpu.region"() ({
          %run_scoped3A = tpu.sem_alloc : memref<!tpu.dma_semaphore, #tpu.memory_space<semaphore_mem>>
          %dma_start3A_102 = tpu.memref_slice %arg4[%mul3A_94] : memref<320000xi32, #tpu.memory_space<hbm>> -> memref<128xi32, #tpu.memory_space<hbm>>
          %dma_start3A_103 = tpu.memref_slice %arg4[%mul3A_94] : memref<320000xi32, #tpu.memory_space<hbm>> -> memref<128xi32, #tpu.memory_space<hbm>>
          tpu.enqueue_dma source(%dma_start3A_103 : memref<128xi32, #tpu.memory_space<hbm>>) target(%arg8 : memref<128xi32, #tpu.memory_space<vmem>>) target_semaphore(%run_scoped3A : memref<!tpu.dma_semaphore, #tpu.memory_space<semaphore_mem>>)
          %dma_wait3A_104 = tpu.memref_slice %arg4[%mul3A_94] : memref<320000xi32, #tpu.memory_space<hbm>> -> memref<128xi32, #tpu.memory_space<hbm>>
          %dma_wait3A_105 = tpu.memref_slice %arg4[%mul3A_94] : memref<320000xi32, #tpu.memory_space<hbm>> -> memref<128xi32, #tpu.memory_space<hbm>>
          tpu.wait_dma2 semaphore(%run_scoped3A : memref<!tpu.dma_semaphore, #tpu.memory_space<semaphore_mem>>) src(%dma_wait3A_105 : memref<128xi32, #tpu.memory_space<hbm>>) dst(%arg8 : memref<128xi32, #tpu.memory_space<vmem>>)
          tpu.yield
        }) : () -> ()
        %dma_start3A = arith.constant 0 : i32
        %dma_start3A_95 = tpu.memref_slice %arg3[%mul3A_94, %dma_start3A] : memref<320000x128xf32, #tpu.memory_space<hbm>> -> memref<128x128xf32, #tpu.memory_space<hbm>>
        %dma_start3A_96 = arith.constant 0 : i32
        %dma_start3A_97 = tpu.memref_slice %arg3[%mul3A_94, %dma_start3A_96] : memref<320000x128xf32, #tpu.memory_space<hbm>> -> memref<128x128xf32, #tpu.memory_space<hbm>>
        tpu.enqueue_dma source(%dma_start3A_97 : memref<128x128xf32, #tpu.memory_space<hbm>>) target(%arg9 : memref<128x128xf32, #tpu.memory_space<vmem>>) target_semaphore(%arg12 : memref<!tpu.dma_semaphore, #tpu.memory_space<semaphore_mem>>)
        %dma_wait3A = arith.constant 0 : i32
        %dma_wait3A_98 = tpu.memref_slice %arg3[%mul3A_94, %dma_wait3A] : memref<320000x128xf32, #tpu.memory_space<hbm>> -> memref<128x128xf32, #tpu.memory_space<hbm>>
        %dma_wait3A_99 = arith.constant 0 : i32
        %dma_wait3A_100 = tpu.memref_slice %arg3[%mul3A_94, %dma_wait3A_99] : memref<320000x128xf32, #tpu.memory_space<hbm>> -> memref<128x128xf32, #tpu.memory_space<hbm>>
        tpu.wait_dma2 semaphore(%arg12 : memref<!tpu.dma_semaphore, #tpu.memory_space<semaphore_mem>>) src(%dma_wait3A_100 : memref<128x128xf32, #tpu.memory_space<hbm>>) dst(%arg9 : memref<128x128xf32, #tpu.memory_space<vmem>>)
        "tpu.region"() ({
          %run_scoped3A = tpu.sem_alloc : memref<!tpu.dma_semaphore, #tpu.memory_space<semaphore_mem>>
          %dma_start3A_102 = arith.constant 0 : i32
          %dma_start3A_103 = arith.constant 0 : i32
          %dma_start3A_104 = tpu.memref_slice %arg11[%dma_start3A_102, %dma_start3A_103] : memref<10240x128xf32, #tpu.memory_space<vmem_shared>> -> memref<10240x128xf32, #tpu.memory_space<vmem_shared>>
          tpu.enqueue_indirect_dma source(%arg9 : memref<128x128xf32, #tpu.memory_space<vmem>>) target(%dma_start3A_104 : memref<10240x128xf32, #tpu.memory_space<vmem_shared>>) offsets(%arg8 : memref<128xi32, #tpu.memory_space<vmem>>) semaphore(%run_scoped3A : memref<!tpu.dma_semaphore, #tpu.memory_space<semaphore_mem>>) {add = true}
          %dma_wait3A_105 = arith.constant 0 : i32
          %dma_wait3A_106 = arith.constant 0 : i32
          %dma_wait3A_107 = tpu.memref_slice %arg11[%dma_wait3A_105, %dma_wait3A_106] : memref<10240x128xf32, #tpu.memory_space<vmem_shared>> -> memref<10240x128xf32, #tpu.memory_space<vmem_shared>>
          tpu.wait_indirect_dma semaphore(%run_scoped3A : memref<!tpu.dma_semaphore, #tpu.memory_space<semaphore_mem>>) src(%arg9 : memref<128x128xf32, #tpu.memory_space<vmem>>) dst(%dma_wait3A_107 : memref<10240x128xf32, #tpu.memory_space<vmem_shared>>)
          tpu.yield
        }) : () -> ()
        %scan3A_101 = arith.constant 0 : i32
        scf.yield %scan3A_101 : i32
      }
      %scan3A_83 = arith.constant 156 : i32
      %lt3A = arith.constant 4 : i32
      %lt3A_84 = arith.cmpi slt, %arg1, %lt3A : i32
      %convert_element_type3A_85 = arith.extui %lt3A_84 : i1 to i32
      %cond3A_86 = arith.constant 0 : i32
      %cond3A_87 = arith.cmpi ne, %convert_element_type3A_85, %cond3A_86 : i32
      scf.if %cond3A_87 {
        %add3A_88 = arith.constant 2496 : i32
        %add3A_89 = arith.addi %add3A_88, %arg1 : i32
        %mul3A_90 = arith.constant 128 : i32
        %mul3A_91 = arith.muli %add3A_89, %mul3A_90 : i32
        "tpu.region"() ({
          %run_scoped3A = tpu.sem_alloc : memref<!tpu.dma_semaphore, #tpu.memory_space<semaphore_mem>>
          %dma_start3A_98 = tpu.memref_slice %arg4[%mul3A_91] : memref<320000xi32, #tpu.memory_space<hbm>> -> memref<128xi32, #tpu.memory_space<hbm>>
          %dma_start3A_99 = tpu.memref_slice %arg4[%mul3A_91] : memref<320000xi32, #tpu.memory_space<hbm>> -> memref<128xi32, #tpu.memory_space<hbm>>
          tpu.enqueue_dma source(%dma_start3A_99 : memref<128xi32, #tpu.memory_space<hbm>>) target(%arg8 : memref<128xi32, #tpu.memory_space<vmem>>) target_semaphore(%run_scoped3A : memref<!tpu.dma_semaphore, #tpu.memory_space<semaphore_mem>>)
          %dma_wait3A_100 = tpu.memref_slice %arg4[%mul3A_91] : memref<320000xi32, #tpu.memory_space<hbm>> -> memref<128xi32, #tpu.memory_space<hbm>>
          %dma_wait3A_101 = tpu.memref_slice %arg4[%mul3A_91] : memref<320000xi32, #tpu.memory_space<hbm>> -> memref<128xi32, #tpu.memory_space<hbm>>
          tpu.wait_dma2 semaphore(%run_scoped3A : memref<!tpu.dma_semaphore, #tpu.memory_space<semaphore_mem>>) src(%dma_wait3A_101 : memref<128xi32, #tpu.memory_space<hbm>>) dst(%arg8 : memref<128xi32, #tpu.memory_space<vmem>>)
          tpu.yield
        }) : () -> ()
        %dma_start3A = arith.constant 0 : i32
        %dma_start3A_92 = tpu.memref_slice %arg3[%mul3A_91, %dma_start3A] : memref<320000x128xf32, #tpu.memory_space<hbm>> -> memref<128x128xf32, #tpu.memory_space<hbm>>
        %dma_start3A_93 = arith.constant 0 : i32
        %dma_start3A_94 = tpu.memref_slice %arg3[%mul3A_91, %dma_start3A_93] : memref<320000x128xf32, #tpu.memory_space<hbm>> -> memref<128x128xf32, #tpu.memory_space<hbm>>
        tpu.enqueue_dma source(%dma_start3A_94 : memref<128x128xf32, #tpu.memory_space<hbm>>) target(%arg9 : memref<128x128xf32, #tpu.memory_space<vmem>>) target_semaphore(%arg12 : memref<!tpu.dma_semaphore, #tpu.memory_space<semaphore_mem>>)
        %dma_wait3A = arith.constant 0 : i32
        %dma_wait3A_95 = tpu.memref_slice %arg3[%mul3A_91, %dma_wait3A] : memref<320000x128xf32, #tpu.memory_space<hbm>> -> memref<128x128xf32, #tpu.memory_space<hbm>>
        %dma_wait3A_96 = arith.constant 0 : i32
        %dma_wait3A_97 = tpu.memref_slice %arg3[%mul3A_91, %dma_wait3A_96] : memref<320000x128xf32, #tpu.memory_space<hbm>> -> memref<128x128xf32, #tpu.memory_space<hbm>>
        tpu.wait_dma2 semaphore(%arg12 : memref<!tpu.dma_semaphore, #tpu.memory_space<semaphore_mem>>) src(%dma_wait3A_97 : memref<128x128xf32, #tpu.memory_space<hbm>>) dst(%arg9 : memref<128x128xf32, #tpu.memory_space<vmem>>)
        "tpu.region"() ({
          %run_scoped3A = tpu.sem_alloc : memref<!tpu.dma_semaphore, #tpu.memory_space<semaphore_mem>>
          %dma_start3A_98 = arith.constant 0 : i32
          %dma_start3A_99 = arith.constant 0 : i32
          %dma_start3A_100 = tpu.memref_slice %arg11[%dma_start3A_98, %dma_start3A_99] : memref<10240x128xf32, #tpu.memory_space<vmem_shared>> -> memref<10240x128xf32, #tpu.memory_space<vmem_shared>>
          tpu.enqueue_indirect_dma source(%arg9 : memref<128x128xf32, #tpu.memory_space<vmem>>) target(%dma_start3A_100 : memref<10240x128xf32, #tpu.memory_space<vmem_shared>>) offsets(%arg8 : memref<128xi32, #tpu.memory_space<vmem>>) semaphore(%run_scoped3A : memref<!tpu.dma_semaphore, #tpu.memory_space<semaphore_mem>>) {add = true}
          %dma_wait3A_101 = arith.constant 0 : i32
          %dma_wait3A_102 = arith.constant 0 : i32
          %dma_wait3A_103 = tpu.memref_slice %arg11[%dma_wait3A_101, %dma_wait3A_102] : memref<10240x128xf32, #tpu.memory_space<vmem_shared>> -> memref<10240x128xf32, #tpu.memory_space<vmem_shared>>
          tpu.wait_indirect_dma semaphore(%run_scoped3A : memref<!tpu.dma_semaphore, #tpu.memory_space<semaphore_mem>>) src(%arg9 : memref<128x128xf32, #tpu.memory_space<vmem>>) dst(%dma_wait3A_103 : memref<10240x128xf32, #tpu.memory_space<vmem_shared>>)
          tpu.yield
        }) : () -> ()
      } else {
      }
    } else {
    }
    %barrier3A_17 = arith.constant 0 : index
    tpu.barrier barrier_id(%barrier3A_17)
    %add3A_18 = arith.constant 0 : i32
    %add3A_19 = arith.addi %mul3A_0, %add3A_18 : i32
    "tpu.region"() ({
      %run_scoped3A = tpu.sem_alloc : memref<!tpu.dma_semaphore, #tpu.memory_space<semaphore_mem>>
      %dma_start3A = arith.constant 0 : i32
      %dma_start3A_78 = tpu.memref_slice %arg11[%add3A_19, %dma_start3A] : memref<10240x128xf32, #tpu.memory_space<vmem_shared>> -> memref<128x128xf32, #tpu.memory_space<vmem_shared>>
      %dma_start3A_79 = arith.constant 0 : i32
      %dma_start3A_80 = tpu.memref_slice %arg11[%add3A_19, %dma_start3A_79] : memref<10240x128xf32, #tpu.memory_space<vmem_shared>> -> memref<128x128xf32, #tpu.memory_space<vmem_shared>>
      tpu.enqueue_dma source(%dma_start3A_80 : memref<128x128xf32, #tpu.memory_space<vmem_shared>>) target(%arg10 : memref<128x128xf32, #tpu.memory_space<vmem>>) target_semaphore(%run_scoped3A : memref<!tpu.dma_semaphore, #tpu.memory_space<semaphore_mem>>)
      %dma_wait3A = arith.constant 0 : i32
      %dma_wait3A_81 = tpu.memref_slice %arg11[%add3A_19, %dma_wait3A] : memref<10240x128xf32, #tpu.memory_space<vmem_shared>> -> memref<128x128xf32, #tpu.memory_space<vmem_shared>>
      %dma_wait3A_82 = arith.constant 0 : i32
      %dma_wait3A_83 = tpu.memref_slice %arg11[%add3A_19, %dma_wait3A_82] : memref<10240x128xf32, #tpu.memory_space<vmem_shared>> -> memref<128x128xf32, #tpu.memory_space<vmem_shared>>
      tpu.wait_dma2 semaphore(%run_scoped3A : memref<!tpu.dma_semaphore, #tpu.memory_space<semaphore_mem>>) src(%dma_wait3A_83 : memref<128x128xf32, #tpu.memory_space<vmem_shared>>) dst(%arg10 : memref<128x128xf32, #tpu.memory_space<vmem>>)
      tpu.yield
    }) : () -> ()
    %eq3A_20 = arith.constant 0 : i32
    %eq3A_21 = arith.cmpi eq, %arg0, %eq3A_20 : i32
    %convert_element_type3A_22 = arith.extui %eq3A_21 : i1 to i32
    %cond3A_23 = arith.constant 0 : i32
    %cond3A_24 = arith.cmpi ne, %convert_element_type3A_22, %cond3A_23 : i32
    scf.if %cond3A_24 {
      %add3A_78 = arith.constant 0 : i32
      %add3A_79 = arith.addi %mul3A_0, %add3A_78 : i32
      "tpu.region"() ({
        %run_scoped3A = tpu.sem_alloc : memref<!tpu.dma_semaphore, #tpu.memory_space<semaphore_mem>>
        %dma_start3A = arith.constant 0 : i32
        %dma_start3A_80 = tpu.memref_slice %arg6[%add3A_79, %dma_start3A] : memref<10240x128xf32, #tpu.memory_space<hbm>> -> memref<128x128xf32, #tpu.memory_space<hbm>>
        %dma_start3A_81 = arith.constant 0 : i32
        %dma_start3A_82 = tpu.memref_slice %arg6[%add3A_79, %dma_start3A_81] : memref<10240x128xf32, #tpu.memory_space<hbm>> -> memref<128x128xf32, #tpu.memory_space<hbm>>
        tpu.enqueue_dma source(%arg10 : memref<128x128xf32, #tpu.memory_space<vmem>>) target(%dma_start3A_82 : memref<128x128xf32, #tpu.memory_space<hbm>>) target_semaphore(%run_scoped3A : memref<!tpu.dma_semaphore, #tpu.memory_space<semaphore_mem>>)
        %dma_wait3A = arith.constant 0 : i32
        %dma_wait3A_83 = tpu.memref_slice %arg6[%add3A_79, %dma_wait3A] : memref<10240x128xf32, #tpu.memory_space<hbm>> -> memref<128x128xf32, #tpu.memory_space<hbm>>
        %dma_wait3A_84 = arith.constant 0 : i32
        %dma_wait3A_85 = tpu.memref_slice %arg6[%add3A_79, %dma_wait3A_84] : memref<10240x128xf32, #tpu.memory_space<hbm>> -> memref<128x128xf32, #tpu.memory_space<hbm>>
        tpu.wait_dma2 semaphore(%run_scoped3A : memref<!tpu.dma_semaphore, #tpu.memory_space<semaphore_mem>>) src(%arg10 : memref<128x128xf32, #tpu.memory_space<vmem>>) dst(%dma_wait3A_85 : memref<128x128xf32, #tpu.memory_space<hbm>>)
        tpu.yield
      }) : () -> ()
    } else {
    }
    %eq3A_25 = arith.constant 1 : i32
    %eq3A_26 = arith.cmpi eq, %arg0, %eq3A_25 : i32
    %convert_element_type3A_27 = arith.extui %eq3A_26 : i1 to i32
    %cond3A_28 = arith.constant 0 : i32
    %cond3A_29 = arith.cmpi ne, %convert_element_type3A_27, %cond3A_28 : i32
    scf.if %cond3A_29 {
      %add3A_78 = arith.constant 0 : i32
      %add3A_79 = arith.addi %mul3A_0, %add3A_78 : i32
      "tpu.region"() ({
        %run_scoped3A = tpu.sem_alloc : memref<!tpu.dma_semaphore, #tpu.memory_space<semaphore_mem>>
        %dma_start3A = arith.constant 0 : i32
        %dma_start3A_80 = tpu.memref_slice %arg7[%add3A_79, %dma_start3A] : memref<10240x128xf32, #tpu.memory_space<hbm>> -> memref<128x128xf32, #tpu.memory_space<hbm>>
        %dma_start3A_81 = arith.constant 0 : i32
        %dma_start3A_82 = tpu.memref_slice %arg7[%add3A_79, %dma_start3A_81] : memref<10240x128xf32, #tpu.memory_space<hbm>> -> memref<128x128xf32, #tpu.memory_space<hbm>>
        tpu.enqueue_dma source(%arg10 : memref<128x128xf32, #tpu.memory_space<vmem>>) target(%dma_start3A_82 : memref<128x128xf32, #tpu.memory_space<hbm>>) target_semaphore(%run_scoped3A : memref<!tpu.dma_semaphore, #tpu.memory_space<semaphore_mem>>)
        %dma_wait3A = arith.constant 0 : i32
        %dma_wait3A_83 = tpu.memref_slice %arg7[%add3A_79, %dma_wait3A] : memref<10240x128xf32, #tpu.memory_space<hbm>> -> memref<128x128xf32, #tpu.memory_space<hbm>>
        %dma_wait3A_84 = arith.constant 0 : i32
        %dma_wait3A_85 = tpu.memref_slice %arg7[%add3A_79, %dma_wait3A_84] : memref<10240x128xf32, #tpu.memory_space<hbm>> -> memref<128x128xf32, #tpu.memory_space<hbm>>
        tpu.wait_dma2 semaphore(%run_scoped3A : memref<!tpu.dma_semaphore, #tpu.memory_space<semaphore_mem>>) src(%arg10 : memref<128x128xf32, #tpu.memory_space<vmem>>) dst(%dma_wait3A_85 : memref<128x128xf32, #tpu.memory_space<hbm>>)
        tpu.yield
      }) : () -> ()
    } else {
    }
    %add3A_30 = arith.constant 128 : i32
    %add3A_31 = arith.addi %mul3A_0, %add3A_30 : i32
    "tpu.region"() ({
      %run_scoped3A = tpu.sem_alloc : memref<!tpu.dma_semaphore, #tpu.memory_space<semaphore_mem>>
      %dma_start3A = arith.constant 0 : i32
      %dma_start3A_78 = tpu.memref_slice %arg11[%add3A_31, %dma_start3A] : memref<10240x128xf32, #tpu.memory_space<vmem_shared>> -> memref<128x128xf32, #tpu.memory_space<vmem_shared>>
      %dma_start3A_79 = arith.constant 0 : i32
      %dma_start3A_80 = tpu.memref_slice %arg11[%add3A_31, %dma_start3A_79] : memref<10240x128xf32, #tpu.memory_space<vmem_shared>> -> memref<128x128xf32, #tpu.memory_space<vmem_shared>>
      tpu.enqueue_dma source(%dma_start3A_80 : memref<128x128xf32, #tpu.memory_space<vmem_shared>>) target(%arg10 : memref<128x128xf32, #tpu.memory_space<vmem>>) target_semaphore(%run_scoped3A : memref<!tpu.dma_semaphore, #tpu.memory_space<semaphore_mem>>)
      %dma_wait3A = arith.constant 0 : i32
      %dma_wait3A_81 = tpu.memref_slice %arg11[%add3A_31, %dma_wait3A] : memref<10240x128xf32, #tpu.memory_space<vmem_shared>> -> memref<128x128xf32, #tpu.memory_space<vmem_shared>>
      %dma_wait3A_82 = arith.constant 0 : i32
      %dma_wait3A_83 = tpu.memref_slice %arg11[%add3A_31, %dma_wait3A_82] : memref<10240x128xf32, #tpu.memory_space<vmem_shared>> -> memref<128x128xf32, #tpu.memory_space<vmem_shared>>
      tpu.wait_dma2 semaphore(%run_scoped3A : memref<!tpu.dma_semaphore, #tpu.memory_space<semaphore_mem>>) src(%dma_wait3A_83 : memref<128x128xf32, #tpu.memory_space<vmem_shared>>) dst(%arg10 : memref<128x128xf32, #tpu.memory_space<vmem>>)
      tpu.yield
    }) : () -> ()
    %eq3A_32 = arith.constant 0 : i32
    %eq3A_33 = arith.cmpi eq, %arg0, %eq3A_32 : i32
    %convert_element_type3A_34 = arith.extui %eq3A_33 : i1 to i32
    %cond3A_35 = arith.constant 0 : i32
    %cond3A_36 = arith.cmpi ne, %convert_element_type3A_34, %cond3A_35 : i32
    scf.if %cond3A_36 {
      %add3A_78 = arith.constant 128 : i32
      %add3A_79 = arith.addi %mul3A_0, %add3A_78 : i32
      "tpu.region"() ({
        %run_scoped3A = tpu.sem_alloc : memref<!tpu.dma_semaphore, #tpu.memory_space<semaphore_mem>>
        %dma_start3A = arith.constant 0 : i32
        %dma_start3A_80 = tpu.memref_slice %arg6[%add3A_79, %dma_start3A] : memref<10240x128xf32, #tpu.memory_space<hbm>> -> memref<128x128xf32, #tpu.memory_space<hbm>>
        %dma_start3A_81 = arith.constant 0 : i32
        %dma_start3A_82 = tpu.memref_slice %arg6[%add3A_79, %dma_start3A_81] : memref<10240x128xf32, #tpu.memory_space<hbm>> -> memref<128x128xf32, #tpu.memory_space<hbm>>
        tpu.enqueue_dma source(%arg10 : memref<128x128xf32, #tpu.memory_space<vmem>>) target(%dma_start3A_82 : memref<128x128xf32, #tpu.memory_space<hbm>>) target_semaphore(%run_scoped3A : memref<!tpu.dma_semaphore, #tpu.memory_space<semaphore_mem>>)
        %dma_wait3A = arith.constant 0 : i32
        %dma_wait3A_83 = tpu.memref_slice %arg6[%add3A_79, %dma_wait3A] : memref<10240x128xf32, #tpu.memory_space<hbm>> -> memref<128x128xf32, #tpu.memory_space<hbm>>
        %dma_wait3A_84 = arith.constant 0 : i32
        %dma_wait3A_85 = tpu.memref_slice %arg6[%add3A_79, %dma_wait3A_84] : memref<10240x128xf32, #tpu.memory_space<hbm>> -> memref<128x128xf32, #tpu.memory_space<hbm>>
        tpu.wait_dma2 semaphore(%run_scoped3A : memref<!tpu.dma_semaphore, #tpu.memory_space<semaphore_mem>>) src(%arg10 : memref<128x128xf32, #tpu.memory_space<vmem>>) dst(%dma_wait3A_85 : memref<128x128xf32, #tpu.memory_space<hbm>>)
        tpu.yield
      }) : () -> ()
    } else {
    }
    %eq3A_37 = arith.constant 1 : i32
    %eq3A_38 = arith.cmpi eq, %arg0, %eq3A_37 : i32
    %convert_element_type3A_39 = arith.extui %eq3A_38 : i1 to i32
    %cond3A_40 = arith.constant 0 : i32
    %cond3A_41 = arith.cmpi ne, %convert_element_type3A_39, %cond3A_40 : i32
    scf.if %cond3A_41 {
      %add3A_78 = arith.constant 128 : i32
      %add3A_79 = arith.addi %mul3A_0, %add3A_78 : i32
      "tpu.region"() ({
        %run_scoped3A = tpu.sem_alloc : memref<!tpu.dma_semaphore, #tpu.memory_space<semaphore_mem>>
        %dma_start3A = arith.constant 0 : i32
        %dma_start3A_80 = tpu.memref_slice %arg7[%add3A_79, %dma_start3A] : memref<10240x128xf32, #tpu.memory_space<hbm>> -> memref<128x128xf32, #tpu.memory_space<hbm>>
        %dma_start3A_81 = arith.constant 0 : i32
        %dma_start3A_82 = tpu.memref_slice %arg7[%add3A_79, %dma_start3A_81] : memref<10240x128xf32, #tpu.memory_space<hbm>> -> memref<128x128xf32, #tpu.memory_space<hbm>>
        tpu.enqueue_dma source(%arg10 : memref<128x128xf32, #tpu.memory_space<vmem>>) target(%dma_start3A_82 : memref<128x128xf32, #tpu.memory_space<hbm>>) target_semaphore(%run_scoped3A : memref<!tpu.dma_semaphore, #tpu.memory_space<semaphore_mem>>)
        %dma_wait3A = arith.constant 0 : i32
        %dma_wait3A_83 = tpu.memref_slice %arg7[%add3A_79, %dma_wait3A] : memref<10240x128xf32, #tpu.memory_space<hbm>> -> memref<128x128xf32, #tpu.memory_space<hbm>>
        %dma_wait3A_84 = arith.constant 0 : i32
        %dma_wait3A_85 = tpu.memref_slice %arg7[%add3A_79, %dma_wait3A_84] : memref<10240x128xf32, #tpu.memory_space<hbm>> -> memref<128x128xf32, #tpu.memory_space<hbm>>
        tpu.wait_dma2 semaphore(%run_scoped3A : memref<!tpu.dma_semaphore, #tpu.memory_space<semaphore_mem>>) src(%arg10 : memref<128x128xf32, #tpu.memory_space<vmem>>) dst(%dma_wait3A_85 : memref<128x128xf32, #tpu.memory_space<hbm>>)
        tpu.yield
      }) : () -> ()
    } else {
    }
    %add3A_42 = arith.constant 256 : i32
    %add3A_43 = arith.addi %mul3A_0, %add3A_42 : i32
    "tpu.region"() ({
      %run_scoped3A = tpu.sem_alloc : memref<!tpu.dma_semaphore, #tpu.memory_space<semaphore_mem>>
      %dma_start3A = arith.constant 0 : i32
      %dma_start3A_78 = tpu.memref_slice %arg11[%add3A_43, %dma_start3A] : memref<10240x128xf32, #tpu.memory_space<vmem_shared>> -> memref<128x128xf32, #tpu.memory_space<vmem_shared>>
      %dma_start3A_79 = arith.constant 0 : i32
      %dma_start3A_80 = tpu.memref_slice %arg11[%add3A_43, %dma_start3A_79] : memref<10240x128xf32, #tpu.memory_space<vmem_shared>> -> memref<128x128xf32, #tpu.memory_space<vmem_shared>>
      tpu.enqueue_dma source(%dma_start3A_80 : memref<128x128xf32, #tpu.memory_space<vmem_shared>>) target(%arg10 : memref<128x128xf32, #tpu.memory_space<vmem>>) target_semaphore(%run_scoped3A : memref<!tpu.dma_semaphore, #tpu.memory_space<semaphore_mem>>)
      %dma_wait3A = arith.constant 0 : i32
      %dma_wait3A_81 = tpu.memref_slice %arg11[%add3A_43, %dma_wait3A] : memref<10240x128xf32, #tpu.memory_space<vmem_shared>> -> memref<128x128xf32, #tpu.memory_space<vmem_shared>>
      %dma_wait3A_82 = arith.constant 0 : i32
      %dma_wait3A_83 = tpu.memref_slice %arg11[%add3A_43, %dma_wait3A_82] : memref<10240x128xf32, #tpu.memory_space<vmem_shared>> -> memref<128x128xf32, #tpu.memory_space<vmem_shared>>
      tpu.wait_dma2 semaphore(%run_scoped3A : memref<!tpu.dma_semaphore, #tpu.memory_space<semaphore_mem>>) src(%dma_wait3A_83 : memref<128x128xf32, #tpu.memory_space<vmem_shared>>) dst(%arg10 : memref<128x128xf32, #tpu.memory_space<vmem>>)
      tpu.yield
    }) : () -> ()
    %eq3A_44 = arith.constant 0 : i32
    %eq3A_45 = arith.cmpi eq, %arg0, %eq3A_44 : i32
    %convert_element_type3A_46 = arith.extui %eq3A_45 : i1 to i32
    %cond3A_47 = arith.constant 0 : i32
    %cond3A_48 = arith.cmpi ne, %convert_element_type3A_46, %cond3A_47 : i32
    scf.if %cond3A_48 {
      %add3A_78 = arith.constant 256 : i32
      %add3A_79 = arith.addi %mul3A_0, %add3A_78 : i32
      "tpu.region"() ({
        %run_scoped3A = tpu.sem_alloc : memref<!tpu.dma_semaphore, #tpu.memory_space<semaphore_mem>>
        %dma_start3A = arith.constant 0 : i32
        %dma_start3A_80 = tpu.memref_slice %arg6[%add3A_79, %dma_start3A] : memref<10240x128xf32, #tpu.memory_space<hbm>> -> memref<128x128xf32, #tpu.memory_space<hbm>>
        %dma_start3A_81 = arith.constant 0 : i32
        %dma_start3A_82 = tpu.memref_slice %arg6[%add3A_79, %dma_start3A_81] : memref<10240x128xf32, #tpu.memory_space<hbm>> -> memref<128x128xf32, #tpu.memory_space<hbm>>
        tpu.enqueue_dma source(%arg10 : memref<128x128xf32, #tpu.memory_space<vmem>>) target(%dma_start3A_82 : memref<128x128xf32, #tpu.memory_space<hbm>>) target_semaphore(%run_scoped3A : memref<!tpu.dma_semaphore, #tpu.memory_space<semaphore_mem>>)
        %dma_wait3A = arith.constant 0 : i32
        %dma_wait3A_83 = tpu.memref_slice %arg6[%add3A_79, %dma_wait3A] : memref<10240x128xf32, #tpu.memory_space<hbm>> -> memref<128x128xf32, #tpu.memory_space<hbm>>
        %dma_wait3A_84 = arith.constant 0 : i32
        %dma_wait3A_85 = tpu.memref_slice %arg6[%add3A_79, %dma_wait3A_84] : memref<10240x128xf32, #tpu.memory_space<hbm>> -> memref<128x128xf32, #tpu.memory_space<hbm>>
        tpu.wait_dma2 semaphore(%run_scoped3A : memref<!tpu.dma_semaphore, #tpu.memory_space<semaphore_mem>>) src(%arg10 : memref<128x128xf32, #tpu.memory_space<vmem>>) dst(%dma_wait3A_85 : memref<128x128xf32, #tpu.memory_space<hbm>>)
        tpu.yield
      }) : () -> ()
    } else {
    }
    %eq3A_49 = arith.constant 1 : i32
    %eq3A_50 = arith.cmpi eq, %arg0, %eq3A_49 : i32
    %convert_element_type3A_51 = arith.extui %eq3A_50 : i1 to i32
    %cond3A_52 = arith.constant 0 : i32
    %cond3A_53 = arith.cmpi ne, %convert_element_type3A_51, %cond3A_52 : i32
    scf.if %cond3A_53 {
      %add3A_78 = arith.constant 256 : i32
      %add3A_79 = arith.addi %mul3A_0, %add3A_78 : i32
      "tpu.region"() ({
        %run_scoped3A = tpu.sem_alloc : memref<!tpu.dma_semaphore, #tpu.memory_space<semaphore_mem>>
        %dma_start3A = arith.constant 0 : i32
        %dma_start3A_80 = tpu.memref_slice %arg7[%add3A_79, %dma_start3A] : memref<10240x128xf32, #tpu.memory_space<hbm>> -> memref<128x128xf32, #tpu.memory_space<hbm>>
        %dma_start3A_81 = arith.constant 0 : i32
        %dma_start3A_82 = tpu.memref_slice %arg7[%add3A_79, %dma_start3A_81] : memref<10240x128xf32, #tpu.memory_space<hbm>> -> memref<128x128xf32, #tpu.memory_space<hbm>>
        tpu.enqueue_dma source(%arg10 : memref<128x128xf32, #tpu.memory_space<vmem>>) target(%dma_start3A_82 : memref<128x128xf32, #tpu.memory_space<hbm>>) target_semaphore(%run_scoped3A : memref<!tpu.dma_semaphore, #tpu.memory_space<semaphore_mem>>)
        %dma_wait3A = arith.constant 0 : i32
        %dma_wait3A_83 = tpu.memref_slice %arg7[%add3A_79, %dma_wait3A] : memref<10240x128xf32, #tpu.memory_space<hbm>> -> memref<128x128xf32, #tpu.memory_space<hbm>>
        %dma_wait3A_84 = arith.constant 0 : i32
        %dma_wait3A_85 = tpu.memref_slice %arg7[%add3A_79, %dma_wait3A_84] : memref<10240x128xf32, #tpu.memory_space<hbm>> -> memref<128x128xf32, #tpu.memory_space<hbm>>
        tpu.wait_dma2 semaphore(%run_scoped3A : memref<!tpu.dma_semaphore, #tpu.memory_space<semaphore_mem>>) src(%arg10 : memref<128x128xf32, #tpu.memory_space<vmem>>) dst(%dma_wait3A_85 : memref<128x128xf32, #tpu.memory_space<hbm>>)
        tpu.yield
      }) : () -> ()
    } else {
    }
    %add3A_54 = arith.constant 384 : i32
    %add3A_55 = arith.addi %mul3A_0, %add3A_54 : i32
    "tpu.region"() ({
      %run_scoped3A = tpu.sem_alloc : memref<!tpu.dma_semaphore, #tpu.memory_space<semaphore_mem>>
      %dma_start3A = arith.constant 0 : i32
      %dma_start3A_78 = tpu.memref_slice %arg11[%add3A_55, %dma_start3A] : memref<10240x128xf32, #tpu.memory_space<vmem_shared>> -> memref<128x128xf32, #tpu.memory_space<vmem_shared>>
      %dma_start3A_79 = arith.constant 0 : i32
      %dma_start3A_80 = tpu.memref_slice %arg11[%add3A_55, %dma_start3A_79] : memref<10240x128xf32, #tpu.memory_space<vmem_shared>> -> memref<128x128xf32, #tpu.memory_space<vmem_shared>>
      tpu.enqueue_dma source(%dma_start3A_80 : memref<128x128xf32, #tpu.memory_space<vmem_shared>>) target(%arg10 : memref<128x128xf32, #tpu.memory_space<vmem>>) target_semaphore(%run_scoped3A : memref<!tpu.dma_semaphore, #tpu.memory_space<semaphore_mem>>)
      %dma_wait3A = arith.constant 0 : i32
      %dma_wait3A_81 = tpu.memref_slice %arg11[%add3A_55, %dma_wait3A] : memref<10240x128xf32, #tpu.memory_space<vmem_shared>> -> memref<128x128xf32, #tpu.memory_space<vmem_shared>>
      %dma_wait3A_82 = arith.constant 0 : i32
      %dma_wait3A_83 = tpu.memref_slice %arg11[%add3A_55, %dma_wait3A_82] : memref<10240x128xf32, #tpu.memory_space<vmem_shared>> -> memref<128x128xf32, #tpu.memory_space<vmem_shared>>
      tpu.wait_dma2 semaphore(%run_scoped3A : memref<!tpu.dma_semaphore, #tpu.memory_space<semaphore_mem>>) src(%dma_wait3A_83 : memref<128x128xf32, #tpu.memory_space<vmem_shared>>) dst(%arg10 : memref<128x128xf32, #tpu.memory_space<vmem>>)
      tpu.yield
    }) : () -> ()
    %eq3A_56 = arith.constant 0 : i32
    %eq3A_57 = arith.cmpi eq, %arg0, %eq3A_56 : i32
    %convert_element_type3A_58 = arith.extui %eq3A_57 : i1 to i32
    %cond3A_59 = arith.constant 0 : i32
    %cond3A_60 = arith.cmpi ne, %convert_element_type3A_58, %cond3A_59 : i32
    scf.if %cond3A_60 {
      %add3A_78 = arith.constant 384 : i32
      %add3A_79 = arith.addi %mul3A_0, %add3A_78 : i32
      "tpu.region"() ({
        %run_scoped3A = tpu.sem_alloc : memref<!tpu.dma_semaphore, #tpu.memory_space<semaphore_mem>>
        %dma_start3A = arith.constant 0 : i32
        %dma_start3A_80 = tpu.memref_slice %arg6[%add3A_79, %dma_start3A] : memref<10240x128xf32, #tpu.memory_space<hbm>> -> memref<128x128xf32, #tpu.memory_space<hbm>>
        %dma_start3A_81 = arith.constant 0 : i32
        %dma_start3A_82 = tpu.memref_slice %arg6[%add3A_79, %dma_start3A_81] : memref<10240x128xf32, #tpu.memory_space<hbm>> -> memref<128x128xf32, #tpu.memory_space<hbm>>
        tpu.enqueue_dma source(%arg10 : memref<128x128xf32, #tpu.memory_space<vmem>>) target(%dma_start3A_82 : memref<128x128xf32, #tpu.memory_space<hbm>>) target_semaphore(%run_scoped3A : memref<!tpu.dma_semaphore, #tpu.memory_space<semaphore_mem>>)
        %dma_wait3A = arith.constant 0 : i32
        %dma_wait3A_83 = tpu.memref_slice %arg6[%add3A_79, %dma_wait3A] : memref<10240x128xf32, #tpu.memory_space<hbm>> -> memref<128x128xf32, #tpu.memory_space<hbm>>
        %dma_wait3A_84 = arith.constant 0 : i32
        %dma_wait3A_85 = tpu.memref_slice %arg6[%add3A_79, %dma_wait3A_84] : memref<10240x128xf32, #tpu.memory_space<hbm>> -> memref<128x128xf32, #tpu.memory_space<hbm>>
        tpu.wait_dma2 semaphore(%run_scoped3A : memref<!tpu.dma_semaphore, #tpu.memory_space<semaphore_mem>>) src(%arg10 : memref<128x128xf32, #tpu.memory_space<vmem>>) dst(%dma_wait3A_85 : memref<128x128xf32, #tpu.memory_space<hbm>>)
        tpu.yield
      }) : () -> ()
    } else {
    }
    %eq3A_61 = arith.constant 1 : i32
    %eq3A_62 = arith.cmpi eq, %arg0, %eq3A_61 : i32
    %convert_element_type3A_63 = arith.extui %eq3A_62 : i1 to i32
    %cond3A_64 = arith.constant 0 : i32
    %cond3A_65 = arith.cmpi ne, %convert_element_type3A_63, %cond3A_64 : i32
    scf.if %cond3A_65 {
      %add3A_78 = arith.constant 384 : i32
      %add3A_79 = arith.addi %mul3A_0, %add3A_78 : i32
      "tpu.region"() ({
        %run_scoped3A = tpu.sem_alloc : memref<!tpu.dma_semaphore, #tpu.memory_space<semaphore_mem>>
        %dma_start3A = arith.constant 0 : i32
        %dma_start3A_80 = tpu.memref_slice %arg7[%add3A_79, %dma_start3A] : memref<10240x128xf32, #tpu.memory_space<hbm>> -> memref<128x128xf32, #tpu.memory_space<hbm>>
        %dma_start3A_81 = arith.constant 0 : i32
        %dma_start3A_82 = tpu.memref_slice %arg7[%add3A_79, %dma_start3A_81] : memref<10240x128xf32, #tpu.memory_space<hbm>> -> memref<128x128xf32, #tpu.memory_space<hbm>>
        tpu.enqueue_dma source(%arg10 : memref<128x128xf32, #tpu.memory_space<vmem>>) target(%dma_start3A_82 : memref<128x128xf32, #tpu.memory_space<hbm>>) target_semaphore(%run_scoped3A : memref<!tpu.dma_semaphore, #tpu.memory_space<semaphore_mem>>)
        %dma_wait3A = arith.constant 0 : i32
        %dma_wait3A_83 = tpu.memref_slice %arg7[%add3A_79, %dma_wait3A] : memref<10240x128xf32, #tpu.memory_space<hbm>> -> memref<128x128xf32, #tpu.memory_space<hbm>>
        %dma_wait3A_84 = arith.constant 0 : i32
        %dma_wait3A_85 = tpu.memref_slice %arg7[%add3A_79, %dma_wait3A_84] : memref<10240x128xf32, #tpu.memory_space<hbm>> -> memref<128x128xf32, #tpu.memory_space<hbm>>
        tpu.wait_dma2 semaphore(%run_scoped3A : memref<!tpu.dma_semaphore, #tpu.memory_space<semaphore_mem>>) src(%arg10 : memref<128x128xf32, #tpu.memory_space<vmem>>) dst(%dma_wait3A_85 : memref<128x128xf32, #tpu.memory_space<hbm>>)
        tpu.yield
      }) : () -> ()
    } else {
    }
    %add3A_66 = arith.constant 512 : i32
    %add3A_67 = arith.addi %mul3A_0, %add3A_66 : i32
    "tpu.region"() ({
      %run_scoped3A = tpu.sem_alloc : memref<!tpu.dma_semaphore, #tpu.memory_space<semaphore_mem>>
      %dma_start3A = arith.constant 0 : i32
      %dma_start3A_78 = tpu.memref_slice %arg11[%add3A_67, %dma_start3A] : memref<10240x128xf32, #tpu.memory_space<vmem_shared>> -> memref<128x128xf32, #tpu.memory_space<vmem_shared>>
      %dma_start3A_79 = arith.constant 0 : i32
      %dma_start3A_80 = tpu.memref_slice %arg11[%add3A_67, %dma_start3A_79] : memref<10240x128xf32, #tpu.memory_space<vmem_shared>> -> memref<128x128xf32, #tpu.memory_space<vmem_shared>>
      tpu.enqueue_dma source(%dma_start3A_80 : memref<128x128xf32, #tpu.memory_space<vmem_shared>>) target(%arg10 : memref<128x128xf32, #tpu.memory_space<vmem>>) target_semaphore(%run_scoped3A : memref<!tpu.dma_semaphore, #tpu.memory_space<semaphore_mem>>)
      %dma_wait3A = arith.constant 0 : i32
      %dma_wait3A_81 = tpu.memref_slice %arg11[%add3A_67, %dma_wait3A] : memref<10240x128xf32, #tpu.memory_space<vmem_shared>> -> memref<128x128xf32, #tpu.memory_space<vmem_shared>>
      %dma_wait3A_82 = arith.constant 0 : i32
      %dma_wait3A_83 = tpu.memref_slice %arg11[%add3A_67, %dma_wait3A_82] : memref<10240x128xf32, #tpu.memory_space<vmem_shared>> -> memref<128x128xf32, #tpu.memory_space<vmem_shared>>
      tpu.wait_dma2 semaphore(%run_scoped3A : memref<!tpu.dma_semaphore, #tpu.memory_space<semaphore_mem>>) src(%dma_wait3A_83 : memref<128x128xf32, #tpu.memory_space<vmem_shared>>) dst(%arg10 : memref<128x128xf32, #tpu.memory_space<vmem>>)
      tpu.yield
    }) : () -> ()
    %eq3A_68 = arith.constant 0 : i32
    %eq3A_69 = arith.cmpi eq, %arg0, %eq3A_68 : i32
    %convert_element_type3A_70 = arith.extui %eq3A_69 : i1 to i32
    %cond3A_71 = arith.constant 0 : i32
    %cond3A_72 = arith.cmpi ne, %convert_element_type3A_70, %cond3A_71 : i32
    scf.if %cond3A_72 {
      %add3A_78 = arith.constant 512 : i32
      %add3A_79 = arith.addi %mul3A_0, %add3A_78 : i32
      "tpu.region"() ({
        %run_scoped3A = tpu.sem_alloc : memref<!tpu.dma_semaphore, #tpu.memory_space<semaphore_mem>>
        %dma_start3A = arith.constant 0 : i32
        %dma_start3A_80 = tpu.memref_slice %arg6[%add3A_79, %dma_start3A] : memref<10240x128xf32, #tpu.memory_space<hbm>> -> memref<128x128xf32, #tpu.memory_space<hbm>>
        %dma_start3A_81 = arith.constant 0 : i32
        %dma_start3A_82 = tpu.memref_slice %arg6[%add3A_79, %dma_start3A_81] : memref<10240x128xf32, #tpu.memory_space<hbm>> -> memref<128x128xf32, #tpu.memory_space<hbm>>
        tpu.enqueue_dma source(%arg10 : memref<128x128xf32, #tpu.memory_space<vmem>>) target(%dma_start3A_82 : memref<128x128xf32, #tpu.memory_space<hbm>>) target_semaphore(%run_scoped3A : memref<!tpu.dma_semaphore, #tpu.memory_space<semaphore_mem>>)
        %dma_wait3A = arith.constant 0 : i32
        %dma_wait3A_83 = tpu.memref_slice %arg6[%add3A_79, %dma_wait3A] : memref<10240x128xf32, #tpu.memory_space<hbm>> -> memref<128x128xf32, #tpu.memory_space<hbm>>
        %dma_wait3A_84 = arith.constant 0 : i32
        %dma_wait3A_85 = tpu.memref_slice %arg6[%add3A_79, %dma_wait3A_84] : memref<10240x128xf32, #tpu.memory_space<hbm>> -> memref<128x128xf32, #tpu.memory_space<hbm>>
        tpu.wait_dma2 semaphore(%run_scoped3A : memref<!tpu.dma_semaphore, #tpu.memory_space<semaphore_mem>>) src(%arg10 : memref<128x128xf32, #tpu.memory_space<vmem>>) dst(%dma_wait3A_85 : memref<128x128xf32, #tpu.memory_space<hbm>>)
        tpu.yield
      }) : () -> ()
    } else {
    }
    %eq3A_73 = arith.constant 1 : i32
    %eq3A_74 = arith.cmpi eq, %arg0, %eq3A_73 : i32
    %convert_element_type3A_75 = arith.extui %eq3A_74 : i1 to i32
    %cond3A_76 = arith.constant 0 : i32
    %cond3A_77 = arith.cmpi ne, %convert_element_type3A_75, %cond3A_76 : i32
    scf.if %cond3A_77 {
      %add3A_78 = arith.constant 512 : i32
      %add3A_79 = arith.addi %mul3A_0, %add3A_78 : i32
      "tpu.region"() ({
        %run_scoped3A = tpu.sem_alloc : memref<!tpu.dma_semaphore, #tpu.memory_space<semaphore_mem>>
        %dma_start3A = arith.constant 0 : i32
        %dma_start3A_80 = tpu.memref_slice %arg7[%add3A_79, %dma_start3A] : memref<10240x128xf32, #tpu.memory_space<hbm>> -> memref<128x128xf32, #tpu.memory_space<hbm>>
        %dma_start3A_81 = arith.constant 0 : i32
        %dma_start3A_82 = tpu.memref_slice %arg7[%add3A_79, %dma_start3A_81] : memref<10240x128xf32, #tpu.memory_space<hbm>> -> memref<128x128xf32, #tpu.memory_space<hbm>>
        tpu.enqueue_dma source(%arg10 : memref<128x128xf32, #tpu.memory_space<vmem>>) target(%dma_start3A_82 : memref<128x128xf32, #tpu.memory_space<hbm>>) target_semaphore(%run_scoped3A : memref<!tpu.dma_semaphore, #tpu.memory_space<semaphore_mem>>)
        %dma_wait3A = arith.constant 0 : i32
        %dma_wait3A_83 = tpu.memref_slice %arg7[%add3A_79, %dma_wait3A] : memref<10240x128xf32, #tpu.memory_space<hbm>> -> memref<128x128xf32, #tpu.memory_space<hbm>>
        %dma_wait3A_84 = arith.constant 0 : i32
        %dma_wait3A_85 = tpu.memref_slice %arg7[%add3A_79, %dma_wait3A_84] : memref<10240x128xf32, #tpu.memory_space<hbm>> -> memref<128x128xf32, #tpu.memory_space<hbm>>
        tpu.wait_dma2 semaphore(%run_scoped3A : memref<!tpu.dma_semaphore, #tpu.memory_space<semaphore_mem>>) src(%arg10 : memref<128x128xf32, #tpu.memory_space<vmem>>) dst(%dma_wait3A_85 : memref<128x128xf32, #tpu.memory_space<hbm>>)
        tpu.yield
      }) : () -> ()
    } else {
    }
    return
  }
}

#map = affine_map<(d0, d1) -> (0, 0)>
#map1 = affine_map<(d0, d1) -> (0)>
module attributes {stable_mosaic.version = 14 : i64} {
  func.func @_scatter_sc(%arg0: i32, %arg1: i32, %arg2: memref<320000x128xf32, #tpu.memory_space<hbm>>, %arg3: memref<320000x128xf32, #tpu.memory_space<hbm>>, %arg4: memref<320000xi32, #tpu.memory_space<hbm>>, %arg5: memref<128x128xf32, #tpu.memory_space<hbm>>, %arg6: memref<10240x128xf32, #tpu.memory_space<hbm>>, %arg7: memref<10240x128xf32, #tpu.memory_space<hbm>>, %arg8: memref<128xi32, #tpu.memory_space<vmem>>, %arg9: memref<128x128xf32, #tpu.memory_space<vmem>>, %arg10: memref<128x128xf32, #tpu.memory_space<vmem>>, %arg11: memref<10240x128xf32, #tpu.memory_space<vmem_shared>>, %arg12: memref<!tpu.dma_semaphore, #tpu.memory_space<semaphore_mem>>) attributes {dimension_semantics = [#tpu.dimension_semantics<core_parallel>, #tpu.dimension_semantics<subcore_parallel>], iteration_bounds = array<i64: 2, 16>, scalar_prefetch = 0 : i64, scratch_operands = 5 : i64, tpu.core_type = #tpu.core_type<sc_vector_subcore>, window_params = [{transform_indices = #map}, {transform_indices = #map}, {transform_indices = #map1}, {transform_indices = #map}, {transform_indices = #map}, {transform_indices = #map}]} {
    %mul3A = arith.constant 640 : i32
    %mul3A_0 = arith.muli %arg1, %mul3A : i32
    "tpu.region"() ({
      %run_scoped3A = tpu.sem_alloc : memref<!tpu.dma_semaphore, #tpu.memory_space<semaphore_mem>>
      tpu.enqueue_dma source(%arg5 : memref<128x128xf32, #tpu.memory_space<hbm>>) target(%arg10 : memref<128x128xf32, #tpu.memory_space<vmem>>) target_semaphore(%run_scoped3A : memref<!tpu.dma_semaphore, #tpu.memory_space<semaphore_mem>>)
      tpu.wait_dma2 semaphore(%run_scoped3A : memref<!tpu.dma_semaphore, #tpu.memory_space<semaphore_mem>>) src(%arg5 : memref<128x128xf32, #tpu.memory_space<hbm>>) dst(%arg10 : memref<128x128xf32, #tpu.memory_space<vmem>>)
      tpu.yield
    }) : () -> ()
    %add3A = arith.constant 0 : i32
    %add3A_1 = arith.addi %mul3A_0, %add3A : i32
    "tpu.region"() ({
      %run_scoped3A = tpu.sem_alloc : memref<!tpu.dma_semaphore, #tpu.memory_space<semaphore_mem>>
      %dma_start3A = arith.constant 0 : i32
      %dma_start3A_78 = tpu.memref_slice %arg11[%add3A_1, %dma_start3A] : memref<10240x128xf32, #tpu.memory_space<vmem_shared>> -> memref<128x128xf32, #tpu.memory_space<vmem_shared>>
      %dma_start3A_79 = arith.constant 0 : i32
      %dma_start3A_80 = tpu.memref_slice %arg11[%add3A_1, %dma_start3A_79] : memref<10240x128xf32, #tpu.memory_space<vmem_shared>> -> memref<128x128xf32, #tpu.memory_space<vmem_shared>>
      tpu.enqueue_dma source(%arg10 : memref<128x128xf32, #tpu.memory_space<vmem>>) target(%dma_start3A_80 : memref<128x128xf32, #tpu.memory_space<vmem_shared>>) target_semaphore(%run_scoped3A : memref<!tpu.dma_semaphore, #tpu.memory_space<semaphore_mem>>)
      %dma_wait3A = arith.constant 0 : i32
      %dma_wait3A_81 = tpu.memref_slice %arg11[%add3A_1, %dma_wait3A] : memref<10240x128xf32, #tpu.memory_space<vmem_shared>> -> memref<128x128xf32, #tpu.memory_space<vmem_shared>>
      %dma_wait3A_82 = arith.constant 0 : i32
      %dma_wait3A_83 = tpu.memref_slice %arg11[%add3A_1, %dma_wait3A_82] : memref<10240x128xf32, #tpu.memory_space<vmem_shared>> -> memref<128x128xf32, #tpu.memory_space<vmem_shared>>
      tpu.wait_dma2 semaphore(%run_scoped3A : memref<!tpu.dma_semaphore, #tpu.memory_space<semaphore_mem>>) src(%arg10 : memref<128x128xf32, #tpu.memory_space<vmem>>) dst(%dma_wait3A_83 : memref<128x128xf32, #tpu.memory_space<vmem_shared>>)
      tpu.yield
    }) : () -> ()
    %add3A_2 = arith.constant 128 : i32
    %add3A_3 = arith.addi %mul3A_0, %add3A_2 : i32
    "tpu.region"() ({
      %run_scoped3A = tpu.sem_alloc : memref<!tpu.dma_semaphore, #tpu.memory_space<semaphore_mem>>
      %dma_start3A = arith.constant 0 : i32
      %dma_start3A_78 = tpu.memref_slice %arg11[%add3A_3, %dma_start3A] : memref<10240x128xf32, #tpu.memory_space<vmem_shared>> -> memref<128x128xf32, #tpu.memory_space<vmem_shared>>
      %dma_start3A_79 = arith.constant 0 : i32
      %dma_start3A_80 = tpu.memref_slice %arg11[%add3A_3, %dma_start3A_79] : memref<10240x128xf32, #tpu.memory_space<vmem_shared>> -> memref<128x128xf32, #tpu.memory_space<vmem_shared>>
      tpu.enqueue_dma source(%arg10 : memref<128x128xf32, #tpu.memory_space<vmem>>) target(%dma_start3A_80 : memref<128x128xf32, #tpu.memory_space<vmem_shared>>) target_semaphore(%run_scoped3A : memref<!tpu.dma_semaphore, #tpu.memory_space<semaphore_mem>>)
      %dma_wait3A = arith.constant 0 : i32
      %dma_wait3A_81 = tpu.memref_slice %arg11[%add3A_3, %dma_wait3A] : memref<10240x128xf32, #tpu.memory_space<vmem_shared>> -> memref<128x128xf32, #tpu.memory_space<vmem_shared>>
      %dma_wait3A_82 = arith.constant 0 : i32
      %dma_wait3A_83 = tpu.memref_slice %arg11[%add3A_3, %dma_wait3A_82] : memref<10240x128xf32, #tpu.memory_space<vmem_shared>> -> memref<128x128xf32, #tpu.memory_space<vmem_shared>>
      tpu.wait_dma2 semaphore(%run_scoped3A : memref<!tpu.dma_semaphore, #tpu.memory_space<semaphore_mem>>) src(%arg10 : memref<128x128xf32, #tpu.memory_space<vmem>>) dst(%dma_wait3A_83 : memref<128x128xf32, #tpu.memory_space<vmem_shared>>)
      tpu.yield
    }) : () -> ()
    %add3A_4 = arith.constant 256 : i32
    %add3A_5 = arith.addi %mul3A_0, %add3A_4 : i32
    "tpu.region"() ({
      %run_scoped3A = tpu.sem_alloc : memref<!tpu.dma_semaphore, #tpu.memory_space<semaphore_mem>>
      %dma_start3A = arith.constant 0 : i32
      %dma_start3A_78 = tpu.memref_slice %arg11[%add3A_5, %dma_start3A] : memref<10240x128xf32, #tpu.memory_space<vmem_shared>> -> memref<128x128xf32, #tpu.memory_space<vmem_shared>>
      %dma_start3A_79 = arith.constant 0 : i32
      %dma_start3A_80 = tpu.memref_slice %arg11[%add3A_5, %dma_start3A_79] : memref<10240x128xf32, #tpu.memory_space<vmem_shared>> -> memref<128x128xf32, #tpu.memory_space<vmem_shared>>
      tpu.enqueue_dma source(%arg10 : memref<128x128xf32, #tpu.memory_space<vmem>>) target(%dma_start3A_80 : memref<128x128xf32, #tpu.memory_space<vmem_shared>>) target_semaphore(%run_scoped3A : memref<!tpu.dma_semaphore, #tpu.memory_space<semaphore_mem>>)
      %dma_wait3A = arith.constant 0 : i32
      %dma_wait3A_81 = tpu.memref_slice %arg11[%add3A_5, %dma_wait3A] : memref<10240x128xf32, #tpu.memory_space<vmem_shared>> -> memref<128x128xf32, #tpu.memory_space<vmem_shared>>
      %dma_wait3A_82 = arith.constant 0 : i32
      %dma_wait3A_83 = tpu.memref_slice %arg11[%add3A_5, %dma_wait3A_82] : memref<10240x128xf32, #tpu.memory_space<vmem_shared>> -> memref<128x128xf32, #tpu.memory_space<vmem_shared>>
      tpu.wait_dma2 semaphore(%run_scoped3A : memref<!tpu.dma_semaphore, #tpu.memory_space<semaphore_mem>>) src(%arg10 : memref<128x128xf32, #tpu.memory_space<vmem>>) dst(%dma_wait3A_83 : memref<128x128xf32, #tpu.memory_space<vmem_shared>>)
      tpu.yield
    }) : () -> ()
    %add3A_6 = arith.constant 384 : i32
    %add3A_7 = arith.addi %mul3A_0, %add3A_6 : i32
    "tpu.region"() ({
      %run_scoped3A = tpu.sem_alloc : memref<!tpu.dma_semaphore, #tpu.memory_space<semaphore_mem>>
      %dma_start3A = arith.constant 0 : i32
      %dma_start3A_78 = tpu.memref_slice %arg11[%add3A_7, %dma_start3A] : memref<10240x128xf32, #tpu.memory_space<vmem_shared>> -> memref<128x128xf32, #tpu.memory_space<vmem_shared>>
      %dma_start3A_79 = arith.constant 0 : i32
      %dma_start3A_80 = tpu.memref_slice %arg11[%add3A_7, %dma_start3A_79] : memref<10240x128xf32, #tpu.memory_space<vmem_shared>> -> memref<128x128xf32, #tpu.memory_space<vmem_shared>>
      tpu.enqueue_dma source(%arg10 : memref<128x128xf32, #tpu.memory_space<vmem>>) target(%dma_start3A_80 : memref<128x128xf32, #tpu.memory_space<vmem_shared>>) target_semaphore(%run_scoped3A : memref<!tpu.dma_semaphore, #tpu.memory_space<semaphore_mem>>)
      %dma_wait3A = arith.constant 0 : i32
      %dma_wait3A_81 = tpu.memref_slice %arg11[%add3A_7, %dma_wait3A] : memref<10240x128xf32, #tpu.memory_space<vmem_shared>> -> memref<128x128xf32, #tpu.memory_space<vmem_shared>>
      %dma_wait3A_82 = arith.constant 0 : i32
      %dma_wait3A_83 = tpu.memref_slice %arg11[%add3A_7, %dma_wait3A_82] : memref<10240x128xf32, #tpu.memory_space<vmem_shared>> -> memref<128x128xf32, #tpu.memory_space<vmem_shared>>
      tpu.wait_dma2 semaphore(%run_scoped3A : memref<!tpu.dma_semaphore, #tpu.memory_space<semaphore_mem>>) src(%arg10 : memref<128x128xf32, #tpu.memory_space<vmem>>) dst(%dma_wait3A_83 : memref<128x128xf32, #tpu.memory_space<vmem_shared>>)
      tpu.yield
    }) : () -> ()
    %add3A_8 = arith.constant 512 : i32
    %add3A_9 = arith.addi %mul3A_0, %add3A_8 : i32
    "tpu.region"() ({
      %run_scoped3A = tpu.sem_alloc : memref<!tpu.dma_semaphore, #tpu.memory_space<semaphore_mem>>
      %dma_start3A = arith.constant 0 : i32
      %dma_start3A_78 = tpu.memref_slice %arg11[%add3A_9, %dma_start3A] : memref<10240x128xf32, #tpu.memory_space<vmem_shared>> -> memref<128x128xf32, #tpu.memory_space<vmem_shared>>
      %dma_start3A_79 = arith.constant 0 : i32
      %dma_start3A_80 = tpu.memref_slice %arg11[%add3A_9, %dma_start3A_79] : memref<10240x128xf32, #tpu.memory_space<vmem_shared>> -> memref<128x128xf32, #tpu.memory_space<vmem_shared>>
      tpu.enqueue_dma source(%arg10 : memref<128x128xf32, #tpu.memory_space<vmem>>) target(%dma_start3A_80 : memref<128x128xf32, #tpu.memory_space<vmem_shared>>) target_semaphore(%run_scoped3A : memref<!tpu.dma_semaphore, #tpu.memory_space<semaphore_mem>>)
      %dma_wait3A = arith.constant 0 : i32
      %dma_wait3A_81 = tpu.memref_slice %arg11[%add3A_9, %dma_wait3A] : memref<10240x128xf32, #tpu.memory_space<vmem_shared>> -> memref<128x128xf32, #tpu.memory_space<vmem_shared>>
      %dma_wait3A_82 = arith.constant 0 : i32
      %dma_wait3A_83 = tpu.memref_slice %arg11[%add3A_9, %dma_wait3A_82] : memref<10240x128xf32, #tpu.memory_space<vmem_shared>> -> memref<128x128xf32, #tpu.memory_space<vmem_shared>>
      tpu.wait_dma2 semaphore(%run_scoped3A : memref<!tpu.dma_semaphore, #tpu.memory_space<semaphore_mem>>) src(%arg10 : memref<128x128xf32, #tpu.memory_space<vmem>>) dst(%dma_wait3A_83 : memref<128x128xf32, #tpu.memory_space<vmem_shared>>)
      tpu.yield
    }) : () -> ()
    %barrier3A = arith.constant 0 : index
    tpu.barrier barrier_id(%barrier3A)
    %eq3A = arith.constant 0 : i32
    %eq3A_10 = arith.cmpi eq, %arg0, %eq3A : i32
    %convert_element_type3A = arith.extui %eq3A_10 : i1 to i32
    %cond3A = arith.constant 0 : i32
    %cond3A_11 = arith.cmpi ne, %convert_element_type3A, %cond3A : i32
    scf.if %cond3A_11 {
      %scan3A = arith.constant 0 : i32
      %scan3A_78 = arith.constant 0 : i32
      %scan3A_79 = arith.constant 156 : i32
      %scan3A_80 = arith.addi %scan3A_78, %scan3A_79 : i32
      %scan3A_81 = arith.constant 1 : i32
      %scan3A_82 = scf.for %scan3A_88 = %scan3A_78 to %scan3A_80 step %scan3A_81 iter_args(%scan3A_89 = %scan3A) -> (i32)  : i32 {
        %mul3A_90 = arith.constant 156 : i32
        %mul3A_91 = arith.muli %arg1, %mul3A_90 : i32
        %add3A_92 = arith.addi %mul3A_91, %scan3A_88 : i32
        %mul3A_93 = arith.constant 128 : i32
        %mul3A_94 = arith.muli %add3A_92, %mul3A_93 : i32
        "tpu.region"() ({
          %run_scoped3A = tpu.sem_alloc : memref<!tpu.dma_semaphore, #tpu.memory_space<semaphore_mem>>
          %dma_start3A_102 = tpu.memref_slice %arg4[%mul3A_94] : memref<320000xi32, #tpu.memory_space<hbm>> -> memref<128xi32, #tpu.memory_space<hbm>>
          %dma_start3A_103 = tpu.memref_slice %arg4[%mul3A_94] : memref<320000xi32, #tpu.memory_space<hbm>> -> memref<128xi32, #tpu.memory_space<hbm>>
          tpu.enqueue_dma source(%dma_start3A_103 : memref<128xi32, #tpu.memory_space<hbm>>) target(%arg8 : memref<128xi32, #tpu.memory_space<vmem>>) target_semaphore(%run_scoped3A : memref<!tpu.dma_semaphore, #tpu.memory_space<semaphore_mem>>)
          %dma_wait3A_104 = tpu.memref_slice %arg4[%mul3A_94] : memref<320000xi32, #tpu.memory_space<hbm>> -> memref<128xi32, #tpu.memory_space<hbm>>
          %dma_wait3A_105 = tpu.memref_slice %arg4[%mul3A_94] : memref<320000xi32, #tpu.memory_space<hbm>> -> memref<128xi32, #tpu.memory_space<hbm>>
          tpu.wait_dma2 semaphore(%run_scoped3A : memref<!tpu.dma_semaphore, #tpu.memory_space<semaphore_mem>>) src(%dma_wait3A_105 : memref<128xi32, #tpu.memory_space<hbm>>) dst(%arg8 : memref<128xi32, #tpu.memory_space<vmem>>)
          tpu.yield
        }) : () -> ()
        %dma_start3A = arith.constant 0 : i32
        %dma_start3A_95 = tpu.memref_slice %arg2[%mul3A_94, %dma_start3A] : memref<320000x128xf32, #tpu.memory_space<hbm>> -> memref<128x128xf32, #tpu.memory_space<hbm>>
        %dma_start3A_96 = arith.constant 0 : i32
        %dma_start3A_97 = tpu.memref_slice %arg2[%mul3A_94, %dma_start3A_96] : memref<320000x128xf32, #tpu.memory_space<hbm>> -> memref<128x128xf32, #tpu.memory_space<hbm>>
        tpu.enqueue_dma source(%dma_start3A_97 : memref<128x128xf32, #tpu.memory_space<hbm>>) target(%arg9 : memref<128x128xf32, #tpu.memory_space<vmem>>) target_semaphore(%arg12 : memref<!tpu.dma_semaphore, #tpu.memory_space<semaphore_mem>>)
        %dma_wait3A = arith.constant 0 : i32
        %dma_wait3A_98 = tpu.memref_slice %arg2[%mul3A_94, %dma_wait3A] : memref<320000x128xf32, #tpu.memory_space<hbm>> -> memref<128x128xf32, #tpu.memory_space<hbm>>
        %dma_wait3A_99 = arith.constant 0 : i32
        %dma_wait3A_100 = tpu.memref_slice %arg2[%mul3A_94, %dma_wait3A_99] : memref<320000x128xf32, #tpu.memory_space<hbm>> -> memref<128x128xf32, #tpu.memory_space<hbm>>
        tpu.wait_dma2 semaphore(%arg12 : memref<!tpu.dma_semaphore, #tpu.memory_space<semaphore_mem>>) src(%dma_wait3A_100 : memref<128x128xf32, #tpu.memory_space<hbm>>) dst(%arg9 : memref<128x128xf32, #tpu.memory_space<vmem>>)
        "tpu.region"() ({
          %run_scoped3A = tpu.sem_alloc : memref<!tpu.dma_semaphore, #tpu.memory_space<semaphore_mem>>
          %dma_start3A_102 = arith.constant 0 : i32
          %dma_start3A_103 = arith.constant 0 : i32
          %dma_start3A_104 = tpu.memref_slice %arg11[%dma_start3A_102, %dma_start3A_103] : memref<10240x128xf32, #tpu.memory_space<vmem_shared>> -> memref<10240x128xf32, #tpu.memory_space<vmem_shared>>
          tpu.enqueue_indirect_dma source(%arg9 : memref<128x128xf32, #tpu.memory_space<vmem>>) target(%dma_start3A_104 : memref<10240x128xf32, #tpu.memory_space<vmem_shared>>) offsets(%arg8 : memref<128xi32, #tpu.memory_space<vmem>>) semaphore(%run_scoped3A : memref<!tpu.dma_semaphore, #tpu.memory_space<semaphore_mem>>) {add = true}
          %dma_wait3A_105 = arith.constant 0 : i32
          %dma_wait3A_106 = arith.constant 0 : i32
          %dma_wait3A_107 = tpu.memref_slice %arg11[%dma_wait3A_105, %dma_wait3A_106] : memref<10240x128xf32, #tpu.memory_space<vmem_shared>> -> memref<10240x128xf32, #tpu.memory_space<vmem_shared>>
          tpu.wait_indirect_dma semaphore(%run_scoped3A : memref<!tpu.dma_semaphore, #tpu.memory_space<semaphore_mem>>) src(%arg9 : memref<128x128xf32, #tpu.memory_space<vmem>>) dst(%dma_wait3A_107 : memref<10240x128xf32, #tpu.memory_space<vmem_shared>>)
          tpu.yield
        }) : () -> ()
        %scan3A_101 = arith.constant 0 : i32
        scf.yield %scan3A_101 : i32
      }
      %scan3A_83 = arith.constant 156 : i32
      %lt3A = arith.constant 4 : i32
      %lt3A_84 = arith.cmpi slt, %arg1, %lt3A : i32
      %convert_element_type3A_85 = arith.extui %lt3A_84 : i1 to i32
      %cond3A_86 = arith.constant 0 : i32
      %cond3A_87 = arith.cmpi ne, %convert_element_type3A_85, %cond3A_86 : i32
      scf.if %cond3A_87 {
        %add3A_88 = arith.constant 2496 : i32
        %add3A_89 = arith.addi %add3A_88, %arg1 : i32
        %mul3A_90 = arith.constant 128 : i32
        %mul3A_91 = arith.muli %add3A_89, %mul3A_90 : i32
        "tpu.region"() ({
          %run_scoped3A = tpu.sem_alloc : memref<!tpu.dma_semaphore, #tpu.memory_space<semaphore_mem>>
          %dma_start3A_98 = tpu.memref_slice %arg4[%mul3A_91] : memref<320000xi32, #tpu.memory_space<hbm>> -> memref<128xi32, #tpu.memory_space<hbm>>
          %dma_start3A_99 = tpu.memref_slice %arg4[%mul3A_91] : memref<320000xi32, #tpu.memory_space<hbm>> -> memref<128xi32, #tpu.memory_space<hbm>>
          tpu.enqueue_dma source(%dma_start3A_99 : memref<128xi32, #tpu.memory_space<hbm>>) target(%arg8 : memref<128xi32, #tpu.memory_space<vmem>>) target_semaphore(%run_scoped3A : memref<!tpu.dma_semaphore, #tpu.memory_space<semaphore_mem>>)
          %dma_wait3A_100 = tpu.memref_slice %arg4[%mul3A_91] : memref<320000xi32, #tpu.memory_space<hbm>> -> memref<128xi32, #tpu.memory_space<hbm>>
          %dma_wait3A_101 = tpu.memref_slice %arg4[%mul3A_91] : memref<320000xi32, #tpu.memory_space<hbm>> -> memref<128xi32, #tpu.memory_space<hbm>>
          tpu.wait_dma2 semaphore(%run_scoped3A : memref<!tpu.dma_semaphore, #tpu.memory_space<semaphore_mem>>) src(%dma_wait3A_101 : memref<128xi32, #tpu.memory_space<hbm>>) dst(%arg8 : memref<128xi32, #tpu.memory_space<vmem>>)
          tpu.yield
        }) : () -> ()
        %dma_start3A = arith.constant 0 : i32
        %dma_start3A_92 = tpu.memref_slice %arg2[%mul3A_91, %dma_start3A] : memref<320000x128xf32, #tpu.memory_space<hbm>> -> memref<128x128xf32, #tpu.memory_space<hbm>>
        %dma_start3A_93 = arith.constant 0 : i32
        %dma_start3A_94 = tpu.memref_slice %arg2[%mul3A_91, %dma_start3A_93] : memref<320000x128xf32, #tpu.memory_space<hbm>> -> memref<128x128xf32, #tpu.memory_space<hbm>>
        tpu.enqueue_dma source(%dma_start3A_94 : memref<128x128xf32, #tpu.memory_space<hbm>>) target(%arg9 : memref<128x128xf32, #tpu.memory_space<vmem>>) target_semaphore(%arg12 : memref<!tpu.dma_semaphore, #tpu.memory_space<semaphore_mem>>)
        %dma_wait3A = arith.constant 0 : i32
        %dma_wait3A_95 = tpu.memref_slice %arg2[%mul3A_91, %dma_wait3A] : memref<320000x128xf32, #tpu.memory_space<hbm>> -> memref<128x128xf32, #tpu.memory_space<hbm>>
        %dma_wait3A_96 = arith.constant 0 : i32
        %dma_wait3A_97 = tpu.memref_slice %arg2[%mul3A_91, %dma_wait3A_96] : memref<320000x128xf32, #tpu.memory_space<hbm>> -> memref<128x128xf32, #tpu.memory_space<hbm>>
        tpu.wait_dma2 semaphore(%arg12 : memref<!tpu.dma_semaphore, #tpu.memory_space<semaphore_mem>>) src(%dma_wait3A_97 : memref<128x128xf32, #tpu.memory_space<hbm>>) dst(%arg9 : memref<128x128xf32, #tpu.memory_space<vmem>>)
        "tpu.region"() ({
          %run_scoped3A = tpu.sem_alloc : memref<!tpu.dma_semaphore, #tpu.memory_space<semaphore_mem>>
          %dma_start3A_98 = arith.constant 0 : i32
          %dma_start3A_99 = arith.constant 0 : i32
          %dma_start3A_100 = tpu.memref_slice %arg11[%dma_start3A_98, %dma_start3A_99] : memref<10240x128xf32, #tpu.memory_space<vmem_shared>> -> memref<10240x128xf32, #tpu.memory_space<vmem_shared>>
          tpu.enqueue_indirect_dma source(%arg9 : memref<128x128xf32, #tpu.memory_space<vmem>>) target(%dma_start3A_100 : memref<10240x128xf32, #tpu.memory_space<vmem_shared>>) offsets(%arg8 : memref<128xi32, #tpu.memory_space<vmem>>) semaphore(%run_scoped3A : memref<!tpu.dma_semaphore, #tpu.memory_space<semaphore_mem>>) {add = true}
          %dma_wait3A_101 = arith.constant 0 : i32
          %dma_wait3A_102 = arith.constant 0 : i32
          %dma_wait3A_103 = tpu.memref_slice %arg11[%dma_wait3A_101, %dma_wait3A_102] : memref<10240x128xf32, #tpu.memory_space<vmem_shared>> -> memref<10240x128xf32, #tpu.memory_space<vmem_shared>>
          tpu.wait_indirect_dma semaphore(%run_scoped3A : memref<!tpu.dma_semaphore, #tpu.memory_space<semaphore_mem>>) src(%arg9 : memref<128x128xf32, #tpu.memory_space<vmem>>) dst(%dma_wait3A_103 : memref<10240x128xf32, #tpu.memory_space<vmem_shared>>)
          tpu.yield
        }) : () -> ()
      } else {
      }
    } else {
    }
    %eq3A_12 = arith.constant 1 : i32
    %eq3A_13 = arith.cmpi eq, %arg0, %eq3A_12 : i32
    %convert_element_type3A_14 = arith.extui %eq3A_13 : i1 to i32
    %cond3A_15 = arith.constant 0 : i32
    %cond3A_16 = arith.cmpi ne, %convert_element_type3A_14, %cond3A_15 : i32
    scf.if %cond3A_16 {
      %scan3A = arith.constant 0 : i32
      %scan3A_78 = arith.constant 0 : i32
      %scan3A_79 = arith.constant 156 : i32
      %scan3A_80 = arith.addi %scan3A_78, %scan3A_79 : i32
      %scan3A_81 = arith.constant 1 : i32
      %scan3A_82 = scf.for %scan3A_88 = %scan3A_78 to %scan3A_80 step %scan3A_81 iter_args(%scan3A_89 = %scan3A) -> (i32)  : i32 {
        %mul3A_90 = arith.constant 156 : i32
        %mul3A_91 = arith.muli %arg1, %mul3A_90 : i32
        %add3A_92 = arith.addi %mul3A_91, %scan3A_88 : i32
        %mul3A_93 = arith.constant 128 : i32
        %mul3A_94 = arith.muli %add3A_92, %mul3A_93 : i32
        "tpu.region"() ({
          %run_scoped3A = tpu.sem_alloc : memref<!tpu.dma_semaphore, #tpu.memory_space<semaphore_mem>>
          %dma_start3A_102 = tpu.memref_slice %arg4[%mul3A_94] : memref<320000xi32, #tpu.memory_space<hbm>> -> memref<128xi32, #tpu.memory_space<hbm>>
          %dma_start3A_103 = tpu.memref_slice %arg4[%mul3A_94] : memref<320000xi32, #tpu.memory_space<hbm>> -> memref<128xi32, #tpu.memory_space<hbm>>
          tpu.enqueue_dma source(%dma_start3A_103 : memref<128xi32, #tpu.memory_space<hbm>>) target(%arg8 : memref<128xi32, #tpu.memory_space<vmem>>) target_semaphore(%run_scoped3A : memref<!tpu.dma_semaphore, #tpu.memory_space<semaphore_mem>>)
          %dma_wait3A_104 = tpu.memref_slice %arg4[%mul3A_94] : memref<320000xi32, #tpu.memory_space<hbm>> -> memref<128xi32, #tpu.memory_space<hbm>>
          %dma_wait3A_105 = tpu.memref_slice %arg4[%mul3A_94] : memref<320000xi32, #tpu.memory_space<hbm>> -> memref<128xi32, #tpu.memory_space<hbm>>
          tpu.wait_dma2 semaphore(%run_scoped3A : memref<!tpu.dma_semaphore, #tpu.memory_space<semaphore_mem>>) src(%dma_wait3A_105 : memref<128xi32, #tpu.memory_space<hbm>>) dst(%arg8 : memref<128xi32, #tpu.memory_space<vmem>>)
          tpu.yield
        }) : () -> ()
        %dma_start3A = arith.constant 0 : i32
        %dma_start3A_95 = tpu.memref_slice %arg3[%mul3A_94, %dma_start3A] : memref<320000x128xf32, #tpu.memory_space<hbm>> -> memref<128x128xf32, #tpu.memory_space<hbm>>
        %dma_start3A_96 = arith.constant 0 : i32
        %dma_start3A_97 = tpu.memref_slice %arg3[%mul3A_94, %dma_start3A_96] : memref<320000x128xf32, #tpu.memory_space<hbm>> -> memref<128x128xf32, #tpu.memory_space<hbm>>
        tpu.enqueue_dma source(%dma_start3A_97 : memref<128x128xf32, #tpu.memory_space<hbm>>) target(%arg9 : memref<128x128xf32, #tpu.memory_space<vmem>>) target_semaphore(%arg12 : memref<!tpu.dma_semaphore, #tpu.memory_space<semaphore_mem>>)
        %dma_wait3A = arith.constant 0 : i32
        %dma_wait3A_98 = tpu.memref_slice %arg3[%mul3A_94, %dma_wait3A] : memref<320000x128xf32, #tpu.memory_space<hbm>> -> memref<128x128xf32, #tpu.memory_space<hbm>>
        %dma_wait3A_99 = arith.constant 0 : i32
        %dma_wait3A_100 = tpu.memref_slice %arg3[%mul3A_94, %dma_wait3A_99] : memref<320000x128xf32, #tpu.memory_space<hbm>> -> memref<128x128xf32, #tpu.memory_space<hbm>>
        tpu.wait_dma2 semaphore(%arg12 : memref<!tpu.dma_semaphore, #tpu.memory_space<semaphore_mem>>) src(%dma_wait3A_100 : memref<128x128xf32, #tpu.memory_space<hbm>>) dst(%arg9 : memref<128x128xf32, #tpu.memory_space<vmem>>)
        "tpu.region"() ({
          %run_scoped3A = tpu.sem_alloc : memref<!tpu.dma_semaphore, #tpu.memory_space<semaphore_mem>>
          %dma_start3A_102 = arith.constant 0 : i32
          %dma_start3A_103 = arith.constant 0 : i32
          %dma_start3A_104 = tpu.memref_slice %arg11[%dma_start3A_102, %dma_start3A_103] : memref<10240x128xf32, #tpu.memory_space<vmem_shared>> -> memref<10240x128xf32, #tpu.memory_space<vmem_shared>>
          tpu.enqueue_indirect_dma source(%arg9 : memref<128x128xf32, #tpu.memory_space<vmem>>) target(%dma_start3A_104 : memref<10240x128xf32, #tpu.memory_space<vmem_shared>>) offsets(%arg8 : memref<128xi32, #tpu.memory_space<vmem>>) semaphore(%run_scoped3A : memref<!tpu.dma_semaphore, #tpu.memory_space<semaphore_mem>>) {add = true}
          %dma_wait3A_105 = arith.constant 0 : i32
          %dma_wait3A_106 = arith.constant 0 : i32
          %dma_wait3A_107 = tpu.memref_slice %arg11[%dma_wait3A_105, %dma_wait3A_106] : memref<10240x128xf32, #tpu.memory_space<vmem_shared>> -> memref<10240x128xf32, #tpu.memory_space<vmem_shared>>
          tpu.wait_indirect_dma semaphore(%run_scoped3A : memref<!tpu.dma_semaphore, #tpu.memory_space<semaphore_mem>>) src(%arg9 : memref<128x128xf32, #tpu.memory_space<vmem>>) dst(%dma_wait3A_107 : memref<10240x128xf32, #tpu.memory_space<vmem_shared>>)
          tpu.yield
        }) : () -> ()
        %scan3A_101 = arith.constant 0 : i32
        scf.yield %scan3A_101 : i32
      }
      %scan3A_83 = arith.constant 156 : i32
      %lt3A = arith.constant 4 : i32
      %lt3A_84 = arith.cmpi slt, %arg1, %lt3A : i32
      %convert_element_type3A_85 = arith.extui %lt3A_84 : i1 to i32
      %cond3A_86 = arith.constant 0 : i32
      %cond3A_87 = arith.cmpi ne, %convert_element_type3A_85, %cond3A_86 : i32
      scf.if %cond3A_87 {
        %add3A_88 = arith.constant 2496 : i32
        %add3A_89 = arith.addi %add3A_88, %arg1 : i32
        %mul3A_90 = arith.constant 128 : i32
        %mul3A_91 = arith.muli %add3A_89, %mul3A_90 : i32
        "tpu.region"() ({
          %run_scoped3A = tpu.sem_alloc : memref<!tpu.dma_semaphore, #tpu.memory_space<semaphore_mem>>
          %dma_start3A_98 = tpu.memref_slice %arg4[%mul3A_91] : memref<320000xi32, #tpu.memory_space<hbm>> -> memref<128xi32, #tpu.memory_space<hbm>>
          %dma_start3A_99 = tpu.memref_slice %arg4[%mul3A_91] : memref<320000xi32, #tpu.memory_space<hbm>> -> memref<128xi32, #tpu.memory_space<hbm>>
          tpu.enqueue_dma source(%dma_start3A_99 : memref<128xi32, #tpu.memory_space<hbm>>) target(%arg8 : memref<128xi32, #tpu.memory_space<vmem>>) target_semaphore(%run_scoped3A : memref<!tpu.dma_semaphore, #tpu.memory_space<semaphore_mem>>)
          %dma_wait3A_100 = tpu.memref_slice %arg4[%mul3A_91] : memref<320000xi32, #tpu.memory_space<hbm>> -> memref<128xi32, #tpu.memory_space<hbm>>
          %dma_wait3A_101 = tpu.memref_slice %arg4[%mul3A_91] : memref<320000xi32, #tpu.memory_space<hbm>> -> memref<128xi32, #tpu.memory_space<hbm>>
          tpu.wait_dma2 semaphore(%run_scoped3A : memref<!tpu.dma_semaphore, #tpu.memory_space<semaphore_mem>>) src(%dma_wait3A_101 : memref<128xi32, #tpu.memory_space<hbm>>) dst(%arg8 : memref<128xi32, #tpu.memory_space<vmem>>)
          tpu.yield
        }) : () -> ()
        %dma_start3A = arith.constant 0 : i32
        %dma_start3A_92 = tpu.memref_slice %arg3[%mul3A_91, %dma_start3A] : memref<320000x128xf32, #tpu.memory_space<hbm>> -> memref<128x128xf32, #tpu.memory_space<hbm>>
        %dma_start3A_93 = arith.constant 0 : i32
        %dma_start3A_94 = tpu.memref_slice %arg3[%mul3A_91, %dma_start3A_93] : memref<320000x128xf32, #tpu.memory_space<hbm>> -> memref<128x128xf32, #tpu.memory_space<hbm>>
        tpu.enqueue_dma source(%dma_start3A_94 : memref<128x128xf32, #tpu.memory_space<hbm>>) target(%arg9 : memref<128x128xf32, #tpu.memory_space<vmem>>) target_semaphore(%arg12 : memref<!tpu.dma_semaphore, #tpu.memory_space<semaphore_mem>>)
        %dma_wait3A = arith.constant 0 : i32
        %dma_wait3A_95 = tpu.memref_slice %arg3[%mul3A_91, %dma_wait3A] : memref<320000x128xf32, #tpu.memory_space<hbm>> -> memref<128x128xf32, #tpu.memory_space<hbm>>
        %dma_wait3A_96 = arith.constant 0 : i32
        %dma_wait3A_97 = tpu.memref_slice %arg3[%mul3A_91, %dma_wait3A_96] : memref<320000x128xf32, #tpu.memory_space<hbm>> -> memref<128x128xf32, #tpu.memory_space<hbm>>
        tpu.wait_dma2 semaphore(%arg12 : memref<!tpu.dma_semaphore, #tpu.memory_space<semaphore_mem>>) src(%dma_wait3A_97 : memref<128x128xf32, #tpu.memory_space<hbm>>) dst(%arg9 : memref<128x128xf32, #tpu.memory_space<vmem>>)
        "tpu.region"() ({
          %run_scoped3A = tpu.sem_alloc : memref<!tpu.dma_semaphore, #tpu.memory_space<semaphore_mem>>
          %dma_start3A_98 = arith.constant 0 : i32
          %dma_start3A_99 = arith.constant 0 : i32
          %dma_start3A_100 = tpu.memref_slice %arg11[%dma_start3A_98, %dma_start3A_99] : memref<10240x128xf32, #tpu.memory_space<vmem_shared>> -> memref<10240x128xf32, #tpu.memory_space<vmem_shared>>
          tpu.enqueue_indirect_dma source(%arg9 : memref<128x128xf32, #tpu.memory_space<vmem>>) target(%dma_start3A_100 : memref<10240x128xf32, #tpu.memory_space<vmem_shared>>) offsets(%arg8 : memref<128xi32, #tpu.memory_space<vmem>>) semaphore(%run_scoped3A : memref<!tpu.dma_semaphore, #tpu.memory_space<semaphore_mem>>) {add = true}
          %dma_wait3A_101 = arith.constant 0 : i32
          %dma_wait3A_102 = arith.constant 0 : i32
          %dma_wait3A_103 = tpu.memref_slice %arg11[%dma_wait3A_101, %dma_wait3A_102] : memref<10240x128xf32, #tpu.memory_space<vmem_shared>> -> memref<10240x128xf32, #tpu.memory_space<vmem_shared>>
          tpu.wait_indirect_dma semaphore(%run_scoped3A : memref<!tpu.dma_semaphore, #tpu.memory_space<semaphore_mem>>) src(%arg9 : memref<128x128xf32, #tpu.memory_space<vmem>>) dst(%dma_wait3A_103 : memref<10240x128xf32, #tpu.memory_space<vmem_shared>>)
          tpu.yield
        }) : () -> ()
      } else {
      }
    } else {
    }
    %barrier3A_17 = arith.constant 0 : index
    tpu.barrier barrier_id(%barrier3A_17)
    %add3A_18 = arith.constant 0 : i32
    %add3A_19 = arith.addi %mul3A_0, %add3A_18 : i32
    "tpu.region"() ({
      %run_scoped3A = tpu.sem_alloc : memref<!tpu.dma_semaphore, #tpu.memory_space<semaphore_mem>>
      %dma_start3A = arith.constant 0 : i32
      %dma_start3A_78 = tpu.memref_slice %arg11[%add3A_19, %dma_start3A] : memref<10240x128xf32, #tpu.memory_space<vmem_shared>> -> memref<128x128xf32, #tpu.memory_space<vmem_shared>>
      %dma_start3A_79 = arith.constant 0 : i32
      %dma_start3A_80 = tpu.memref_slice %arg11[%add3A_19, %dma_start3A_79] : memref<10240x128xf32, #tpu.memory_space<vmem_shared>> -> memref<128x128xf32, #tpu.memory_space<vmem_shared>>
      tpu.enqueue_dma source(%dma_start3A_80 : memref<128x128xf32, #tpu.memory_space<vmem_shared>>) target(%arg10 : memref<128x128xf32, #tpu.memory_space<vmem>>) target_semaphore(%run_scoped3A : memref<!tpu.dma_semaphore, #tpu.memory_space<semaphore_mem>>)
      %dma_wait3A = arith.constant 0 : i32
      %dma_wait3A_81 = tpu.memref_slice %arg11[%add3A_19, %dma_wait3A] : memref<10240x128xf32, #tpu.memory_space<vmem_shared>> -> memref<128x128xf32, #tpu.memory_space<vmem_shared>>
      %dma_wait3A_82 = arith.constant 0 : i32
      %dma_wait3A_83 = tpu.memref_slice %arg11[%add3A_19, %dma_wait3A_82] : memref<10240x128xf32, #tpu.memory_space<vmem_shared>> -> memref<128x128xf32, #tpu.memory_space<vmem_shared>>
      tpu.wait_dma2 semaphore(%run_scoped3A : memref<!tpu.dma_semaphore, #tpu.memory_space<semaphore_mem>>) src(%dma_wait3A_83 : memref<128x128xf32, #tpu.memory_space<vmem_shared>>) dst(%arg10 : memref<128x128xf32, #tpu.memory_space<vmem>>)
      tpu.yield
    }) : () -> ()
    %eq3A_20 = arith.constant 0 : i32
    %eq3A_21 = arith.cmpi eq, %arg0, %eq3A_20 : i32
    %convert_element_type3A_22 = arith.extui %eq3A_21 : i1 to i32
    %cond3A_23 = arith.constant 0 : i32
    %cond3A_24 = arith.cmpi ne, %convert_element_type3A_22, %cond3A_23 : i32
    scf.if %cond3A_24 {
      %add3A_78 = arith.constant 0 : i32
      %add3A_79 = arith.addi %mul3A_0, %add3A_78 : i32
      "tpu.region"() ({
        %run_scoped3A = tpu.sem_alloc : memref<!tpu.dma_semaphore, #tpu.memory_space<semaphore_mem>>
        %dma_start3A = arith.constant 0 : i32
        %dma_start3A_80 = tpu.memref_slice %arg6[%add3A_79, %dma_start3A] : memref<10240x128xf32, #tpu.memory_space<hbm>> -> memref<128x128xf32, #tpu.memory_space<hbm>>
        %dma_start3A_81 = arith.constant 0 : i32
        %dma_start3A_82 = tpu.memref_slice %arg6[%add3A_79, %dma_start3A_81] : memref<10240x128xf32, #tpu.memory_space<hbm>> -> memref<128x128xf32, #tpu.memory_space<hbm>>
        tpu.enqueue_dma source(%arg10 : memref<128x128xf32, #tpu.memory_space<vmem>>) target(%dma_start3A_82 : memref<128x128xf32, #tpu.memory_space<hbm>>) target_semaphore(%run_scoped3A : memref<!tpu.dma_semaphore, #tpu.memory_space<semaphore_mem>>)
        %dma_wait3A = arith.constant 0 : i32
        %dma_wait3A_83 = tpu.memref_slice %arg6[%add3A_79, %dma_wait3A] : memref<10240x128xf32, #tpu.memory_space<hbm>> -> memref<128x128xf32, #tpu.memory_space<hbm>>
        %dma_wait3A_84 = arith.constant 0 : i32
        %dma_wait3A_85 = tpu.memref_slice %arg6[%add3A_79, %dma_wait3A_84] : memref<10240x128xf32, #tpu.memory_space<hbm>> -> memref<128x128xf32, #tpu.memory_space<hbm>>
        tpu.wait_dma2 semaphore(%run_scoped3A : memref<!tpu.dma_semaphore, #tpu.memory_space<semaphore_mem>>) src(%arg10 : memref<128x128xf32, #tpu.memory_space<vmem>>) dst(%dma_wait3A_85 : memref<128x128xf32, #tpu.memory_space<hbm>>)
        tpu.yield
      }) : () -> ()
    } else {
    }
    %eq3A_25 = arith.constant 1 : i32
    %eq3A_26 = arith.cmpi eq, %arg0, %eq3A_25 : i32
    %convert_element_type3A_27 = arith.extui %eq3A_26 : i1 to i32
    %cond3A_28 = arith.constant 0 : i32
    %cond3A_29 = arith.cmpi ne, %convert_element_type3A_27, %cond3A_28 : i32
    scf.if %cond3A_29 {
      %add3A_78 = arith.constant 0 : i32
      %add3A_79 = arith.addi %mul3A_0, %add3A_78 : i32
      "tpu.region"() ({
        %run_scoped3A = tpu.sem_alloc : memref<!tpu.dma_semaphore, #tpu.memory_space<semaphore_mem>>
        %dma_start3A = arith.constant 0 : i32
        %dma_start3A_80 = tpu.memref_slice %arg7[%add3A_79, %dma_start3A] : memref<10240x128xf32, #tpu.memory_space<hbm>> -> memref<128x128xf32, #tpu.memory_space<hbm>>
        %dma_start3A_81 = arith.constant 0 : i32
        %dma_start3A_82 = tpu.memref_slice %arg7[%add3A_79, %dma_start3A_81] : memref<10240x128xf32, #tpu.memory_space<hbm>> -> memref<128x128xf32, #tpu.memory_space<hbm>>
        tpu.enqueue_dma source(%arg10 : memref<128x128xf32, #tpu.memory_space<vmem>>) target(%dma_start3A_82 : memref<128x128xf32, #tpu.memory_space<hbm>>) target_semaphore(%run_scoped3A : memref<!tpu.dma_semaphore, #tpu.memory_space<semaphore_mem>>)
        %dma_wait3A = arith.constant 0 : i32
        %dma_wait3A_83 = tpu.memref_slice %arg7[%add3A_79, %dma_wait3A] : memref<10240x128xf32, #tpu.memory_space<hbm>> -> memref<128x128xf32, #tpu.memory_space<hbm>>
        %dma_wait3A_84 = arith.constant 0 : i32
        %dma_wait3A_85 = tpu.memref_slice %arg7[%add3A_79, %dma_wait3A_84] : memref<10240x128xf32, #tpu.memory_space<hbm>> -> memref<128x128xf32, #tpu.memory_space<hbm>>
        tpu.wait_dma2 semaphore(%run_scoped3A : memref<!tpu.dma_semaphore, #tpu.memory_space<semaphore_mem>>) src(%arg10 : memref<128x128xf32, #tpu.memory_space<vmem>>) dst(%dma_wait3A_85 : memref<128x128xf32, #tpu.memory_space<hbm>>)
        tpu.yield
      }) : () -> ()
    } else {
    }
    %add3A_30 = arith.constant 128 : i32
    %add3A_31 = arith.addi %mul3A_0, %add3A_30 : i32
    "tpu.region"() ({
      %run_scoped3A = tpu.sem_alloc : memref<!tpu.dma_semaphore, #tpu.memory_space<semaphore_mem>>
      %dma_start3A = arith.constant 0 : i32
      %dma_start3A_78 = tpu.memref_slice %arg11[%add3A_31, %dma_start3A] : memref<10240x128xf32, #tpu.memory_space<vmem_shared>> -> memref<128x128xf32, #tpu.memory_space<vmem_shared>>
      %dma_start3A_79 = arith.constant 0 : i32
      %dma_start3A_80 = tpu.memref_slice %arg11[%add3A_31, %dma_start3A_79] : memref<10240x128xf32, #tpu.memory_space<vmem_shared>> -> memref<128x128xf32, #tpu.memory_space<vmem_shared>>
      tpu.enqueue_dma source(%dma_start3A_80 : memref<128x128xf32, #tpu.memory_space<vmem_shared>>) target(%arg10 : memref<128x128xf32, #tpu.memory_space<vmem>>) target_semaphore(%run_scoped3A : memref<!tpu.dma_semaphore, #tpu.memory_space<semaphore_mem>>)
      %dma_wait3A = arith.constant 0 : i32
      %dma_wait3A_81 = tpu.memref_slice %arg11[%add3A_31, %dma_wait3A] : memref<10240x128xf32, #tpu.memory_space<vmem_shared>> -> memref<128x128xf32, #tpu.memory_space<vmem_shared>>
      %dma_wait3A_82 = arith.constant 0 : i32
      %dma_wait3A_83 = tpu.memref_slice %arg11[%add3A_31, %dma_wait3A_82] : memref<10240x128xf32, #tpu.memory_space<vmem_shared>> -> memref<128x128xf32, #tpu.memory_space<vmem_shared>>
      tpu.wait_dma2 semaphore(%run_scoped3A : memref<!tpu.dma_semaphore, #tpu.memory_space<semaphore_mem>>) src(%dma_wait3A_83 : memref<128x128xf32, #tpu.memory_space<vmem_shared>>) dst(%arg10 : memref<128x128xf32, #tpu.memory_space<vmem>>)
      tpu.yield
    }) : () -> ()
    %eq3A_32 = arith.constant 0 : i32
    %eq3A_33 = arith.cmpi eq, %arg0, %eq3A_32 : i32
    %convert_element_type3A_34 = arith.extui %eq3A_33 : i1 to i32
    %cond3A_35 = arith.constant 0 : i32
    %cond3A_36 = arith.cmpi ne, %convert_element_type3A_34, %cond3A_35 : i32
    scf.if %cond3A_36 {
      %add3A_78 = arith.constant 128 : i32
      %add3A_79 = arith.addi %mul3A_0, %add3A_78 : i32
      "tpu.region"() ({
        %run_scoped3A = tpu.sem_alloc : memref<!tpu.dma_semaphore, #tpu.memory_space<semaphore_mem>>
        %dma_start3A = arith.constant 0 : i32
        %dma_start3A_80 = tpu.memref_slice %arg6[%add3A_79, %dma_start3A] : memref<10240x128xf32, #tpu.memory_space<hbm>> -> memref<128x128xf32, #tpu.memory_space<hbm>>
        %dma_start3A_81 = arith.constant 0 : i32
        %dma_start3A_82 = tpu.memref_slice %arg6[%add3A_79, %dma_start3A_81] : memref<10240x128xf32, #tpu.memory_space<hbm>> -> memref<128x128xf32, #tpu.memory_space<hbm>>
        tpu.enqueue_dma source(%arg10 : memref<128x128xf32, #tpu.memory_space<vmem>>) target(%dma_start3A_82 : memref<128x128xf32, #tpu.memory_space<hbm>>) target_semaphore(%run_scoped3A : memref<!tpu.dma_semaphore, #tpu.memory_space<semaphore_mem>>)
        %dma_wait3A = arith.constant 0 : i32
        %dma_wait3A_83 = tpu.memref_slice %arg6[%add3A_79, %dma_wait3A] : memref<10240x128xf32, #tpu.memory_space<hbm>> -> memref<128x128xf32, #tpu.memory_space<hbm>>
        %dma_wait3A_84 = arith.constant 0 : i32
        %dma_wait3A_85 = tpu.memref_slice %arg6[%add3A_79, %dma_wait3A_84] : memref<10240x128xf32, #tpu.memory_space<hbm>> -> memref<128x128xf32, #tpu.memory_space<hbm>>
        tpu.wait_dma2 semaphore(%run_scoped3A : memref<!tpu.dma_semaphore, #tpu.memory_space<semaphore_mem>>) src(%arg10 : memref<128x128xf32, #tpu.memory_space<vmem>>) dst(%dma_wait3A_85 : memref<128x128xf32, #tpu.memory_space<hbm>>)
        tpu.yield
      }) : () -> ()
    } else {
    }
    %eq3A_37 = arith.constant 1 : i32
    %eq3A_38 = arith.cmpi eq, %arg0, %eq3A_37 : i32
    %convert_element_type3A_39 = arith.extui %eq3A_38 : i1 to i32
    %cond3A_40 = arith.constant 0 : i32
    %cond3A_41 = arith.cmpi ne, %convert_element_type3A_39, %cond3A_40 : i32
    scf.if %cond3A_41 {
      %add3A_78 = arith.constant 128 : i32
      %add3A_79 = arith.addi %mul3A_0, %add3A_78 : i32
      "tpu.region"() ({
        %run_scoped3A = tpu.sem_alloc : memref<!tpu.dma_semaphore, #tpu.memory_space<semaphore_mem>>
        %dma_start3A = arith.constant 0 : i32
        %dma_start3A_80 = tpu.memref_slice %arg7[%add3A_79, %dma_start3A] : memref<10240x128xf32, #tpu.memory_space<hbm>> -> memref<128x128xf32, #tpu.memory_space<hbm>>
        %dma_start3A_81 = arith.constant 0 : i32
        %dma_start3A_82 = tpu.memref_slice %arg7[%add3A_79, %dma_start3A_81] : memref<10240x128xf32, #tpu.memory_space<hbm>> -> memref<128x128xf32, #tpu.memory_space<hbm>>
        tpu.enqueue_dma source(%arg10 : memref<128x128xf32, #tpu.memory_space<vmem>>) target(%dma_start3A_82 : memref<128x128xf32, #tpu.memory_space<hbm>>) target_semaphore(%run_scoped3A : memref<!tpu.dma_semaphore, #tpu.memory_space<semaphore_mem>>)
        %dma_wait3A = arith.constant 0 : i32
        %dma_wait3A_83 = tpu.memref_slice %arg7[%add3A_79, %dma_wait3A] : memref<10240x128xf32, #tpu.memory_space<hbm>> -> memref<128x128xf32, #tpu.memory_space<hbm>>
        %dma_wait3A_84 = arith.constant 0 : i32
        %dma_wait3A_85 = tpu.memref_slice %arg7[%add3A_79, %dma_wait3A_84] : memref<10240x128xf32, #tpu.memory_space<hbm>> -> memref<128x128xf32, #tpu.memory_space<hbm>>
        tpu.wait_dma2 semaphore(%run_scoped3A : memref<!tpu.dma_semaphore, #tpu.memory_space<semaphore_mem>>) src(%arg10 : memref<128x128xf32, #tpu.memory_space<vmem>>) dst(%dma_wait3A_85 : memref<128x128xf32, #tpu.memory_space<hbm>>)
        tpu.yield
      }) : () -> ()
    } else {
    }
    %add3A_42 = arith.constant 256 : i32
    %add3A_43 = arith.addi %mul3A_0, %add3A_42 : i32
    "tpu.region"() ({
      %run_scoped3A = tpu.sem_alloc : memref<!tpu.dma_semaphore, #tpu.memory_space<semaphore_mem>>
      %dma_start3A = arith.constant 0 : i32
      %dma_start3A_78 = tpu.memref_slice %arg11[%add3A_43, %dma_start3A] : memref<10240x128xf32, #tpu.memory_space<vmem_shared>> -> memref<128x128xf32, #tpu.memory_space<vmem_shared>>
      %dma_start3A_79 = arith.constant 0 : i32
      %dma_start3A_80 = tpu.memref_slice %arg11[%add3A_43, %dma_start3A_79] : memref<10240x128xf32, #tpu.memory_space<vmem_shared>> -> memref<128x128xf32, #tpu.memory_space<vmem_shared>>
      tpu.enqueue_dma source(%dma_start3A_80 : memref<128x128xf32, #tpu.memory_space<vmem_shared>>) target(%arg10 : memref<128x128xf32, #tpu.memory_space<vmem>>) target_semaphore(%run_scoped3A : memref<!tpu.dma_semaphore, #tpu.memory_space<semaphore_mem>>)
      %dma_wait3A = arith.constant 0 : i32
      %dma_wait3A_81 = tpu.memref_slice %arg11[%add3A_43, %dma_wait3A] : memref<10240x128xf32, #tpu.memory_space<vmem_shared>> -> memref<128x128xf32, #tpu.memory_space<vmem_shared>>
      %dma_wait3A_82 = arith.constant 0 : i32
      %dma_wait3A_83 = tpu.memref_slice %arg11[%add3A_43, %dma_wait3A_82] : memref<10240x128xf32, #tpu.memory_space<vmem_shared>> -> memref<128x128xf32, #tpu.memory_space<vmem_shared>>
      tpu.wait_dma2 semaphore(%run_scoped3A : memref<!tpu.dma_semaphore, #tpu.memory_space<semaphore_mem>>) src(%dma_wait3A_83 : memref<128x128xf32, #tpu.memory_space<vmem_shared>>) dst(%arg10 : memref<128x128xf32, #tpu.memory_space<vmem>>)
      tpu.yield
    }) : () -> ()
    %eq3A_44 = arith.constant 0 : i32
    %eq3A_45 = arith.cmpi eq, %arg0, %eq3A_44 : i32
    %convert_element_type3A_46 = arith.extui %eq3A_45 : i1 to i32
    %cond3A_47 = arith.constant 0 : i32
    %cond3A_48 = arith.cmpi ne, %convert_element_type3A_46, %cond3A_47 : i32
    scf.if %cond3A_48 {
      %add3A_78 = arith.constant 256 : i32
      %add3A_79 = arith.addi %mul3A_0, %add3A_78 : i32
      "tpu.region"() ({
        %run_scoped3A = tpu.sem_alloc : memref<!tpu.dma_semaphore, #tpu.memory_space<semaphore_mem>>
        %dma_start3A = arith.constant 0 : i32
        %dma_start3A_80 = tpu.memref_slice %arg6[%add3A_79, %dma_start3A] : memref<10240x128xf32, #tpu.memory_space<hbm>> -> memref<128x128xf32, #tpu.memory_space<hbm>>
        %dma_start3A_81 = arith.constant 0 : i32
        %dma_start3A_82 = tpu.memref_slice %arg6[%add3A_79, %dma_start3A_81] : memref<10240x128xf32, #tpu.memory_space<hbm>> -> memref<128x128xf32, #tpu.memory_space<hbm>>
        tpu.enqueue_dma source(%arg10 : memref<128x128xf32, #tpu.memory_space<vmem>>) target(%dma_start3A_82 : memref<128x128xf32, #tpu.memory_space<hbm>>) target_semaphore(%run_scoped3A : memref<!tpu.dma_semaphore, #tpu.memory_space<semaphore_mem>>)
        %dma_wait3A = arith.constant 0 : i32
        %dma_wait3A_83 = tpu.memref_slice %arg6[%add3A_79, %dma_wait3A] : memref<10240x128xf32, #tpu.memory_space<hbm>> -> memref<128x128xf32, #tpu.memory_space<hbm>>
        %dma_wait3A_84 = arith.constant 0 : i32
        %dma_wait3A_85 = tpu.memref_slice %arg6[%add3A_79, %dma_wait3A_84] : memref<10240x128xf32, #tpu.memory_space<hbm>> -> memref<128x128xf32, #tpu.memory_space<hbm>>
        tpu.wait_dma2 semaphore(%run_scoped3A : memref<!tpu.dma_semaphore, #tpu.memory_space<semaphore_mem>>) src(%arg10 : memref<128x128xf32, #tpu.memory_space<vmem>>) dst(%dma_wait3A_85 : memref<128x128xf32, #tpu.memory_space<hbm>>)
        tpu.yield
      }) : () -> ()
    } else {
    }
    %eq3A_49 = arith.constant 1 : i32
    %eq3A_50 = arith.cmpi eq, %arg0, %eq3A_49 : i32
    %convert_element_type3A_51 = arith.extui %eq3A_50 : i1 to i32
    %cond3A_52 = arith.constant 0 : i32
    %cond3A_53 = arith.cmpi ne, %convert_element_type3A_51, %cond3A_52 : i32
    scf.if %cond3A_53 {
      %add3A_78 = arith.constant 256 : i32
      %add3A_79 = arith.addi %mul3A_0, %add3A_78 : i32
      "tpu.region"() ({
        %run_scoped3A = tpu.sem_alloc : memref<!tpu.dma_semaphore, #tpu.memory_space<semaphore_mem>>
        %dma_start3A = arith.constant 0 : i32
        %dma_start3A_80 = tpu.memref_slice %arg7[%add3A_79, %dma_start3A] : memref<10240x128xf32, #tpu.memory_space<hbm>> -> memref<128x128xf32, #tpu.memory_space<hbm>>
        %dma_start3A_81 = arith.constant 0 : i32
        %dma_start3A_82 = tpu.memref_slice %arg7[%add3A_79, %dma_start3A_81] : memref<10240x128xf32, #tpu.memory_space<hbm>> -> memref<128x128xf32, #tpu.memory_space<hbm>>
        tpu.enqueue_dma source(%arg10 : memref<128x128xf32, #tpu.memory_space<vmem>>) target(%dma_start3A_82 : memref<128x128xf32, #tpu.memory_space<hbm>>) target_semaphore(%run_scoped3A : memref<!tpu.dma_semaphore, #tpu.memory_space<semaphore_mem>>)
        %dma_wait3A = arith.constant 0 : i32
        %dma_wait3A_83 = tpu.memref_slice %arg7[%add3A_79, %dma_wait3A] : memref<10240x128xf32, #tpu.memory_space<hbm>> -> memref<128x128xf32, #tpu.memory_space<hbm>>
        %dma_wait3A_84 = arith.constant 0 : i32
        %dma_wait3A_85 = tpu.memref_slice %arg7[%add3A_79, %dma_wait3A_84] : memref<10240x128xf32, #tpu.memory_space<hbm>> -> memref<128x128xf32, #tpu.memory_space<hbm>>
        tpu.wait_dma2 semaphore(%run_scoped3A : memref<!tpu.dma_semaphore, #tpu.memory_space<semaphore_mem>>) src(%arg10 : memref<128x128xf32, #tpu.memory_space<vmem>>) dst(%dma_wait3A_85 : memref<128x128xf32, #tpu.memory_space<hbm>>)
        tpu.yield
      }) : () -> ()
    } else {
    }
    %add3A_54 = arith.constant 384 : i32
    %add3A_55 = arith.addi %mul3A_0, %add3A_54 : i32
    "tpu.region"() ({
      %run_scoped3A = tpu.sem_alloc : memref<!tpu.dma_semaphore, #tpu.memory_space<semaphore_mem>>
      %dma_start3A = arith.constant 0 : i32
      %dma_start3A_78 = tpu.memref_slice %arg11[%add3A_55, %dma_start3A] : memref<10240x128xf32, #tpu.memory_space<vmem_shared>> -> memref<128x128xf32, #tpu.memory_space<vmem_shared>>
      %dma_start3A_79 = arith.constant 0 : i32
      %dma_start3A_80 = tpu.memref_slice %arg11[%add3A_55, %dma_start3A_79] : memref<10240x128xf32, #tpu.memory_space<vmem_shared>> -> memref<128x128xf32, #tpu.memory_space<vmem_shared>>
      tpu.enqueue_dma source(%dma_start3A_80 : memref<128x128xf32, #tpu.memory_space<vmem_shared>>) target(%arg10 : memref<128x128xf32, #tpu.memory_space<vmem>>) target_semaphore(%run_scoped3A : memref<!tpu.dma_semaphore, #tpu.memory_space<semaphore_mem>>)
      %dma_wait3A = arith.constant 0 : i32
      %dma_wait3A_81 = tpu.memref_slice %arg11[%add3A_55, %dma_wait3A] : memref<10240x128xf32, #tpu.memory_space<vmem_shared>> -> memref<128x128xf32, #tpu.memory_space<vmem_shared>>
      %dma_wait3A_82 = arith.constant 0 : i32
      %dma_wait3A_83 = tpu.memref_slice %arg11[%add3A_55, %dma_wait3A_82] : memref<10240x128xf32, #tpu.memory_space<vmem_shared>> -> memref<128x128xf32, #tpu.memory_space<vmem_shared>>
      tpu.wait_dma2 semaphore(%run_scoped3A : memref<!tpu.dma_semaphore, #tpu.memory_space<semaphore_mem>>) src(%dma_wait3A_83 : memref<128x128xf32, #tpu.memory_space<vmem_shared>>) dst(%arg10 : memref<128x128xf32, #tpu.memory_space<vmem>>)
      tpu.yield
    }) : () -> ()
    %eq3A_56 = arith.constant 0 : i32
    %eq3A_57 = arith.cmpi eq, %arg0, %eq3A_56 : i32
    %convert_element_type3A_58 = arith.extui %eq3A_57 : i1 to i32
    %cond3A_59 = arith.constant 0 : i32
    %cond3A_60 = arith.cmpi ne, %convert_element_type3A_58, %cond3A_59 : i32
    scf.if %cond3A_60 {
      %add3A_78 = arith.constant 384 : i32
      %add3A_79 = arith.addi %mul3A_0, %add3A_78 : i32
      "tpu.region"() ({
        %run_scoped3A = tpu.sem_alloc : memref<!tpu.dma_semaphore, #tpu.memory_space<semaphore_mem>>
        %dma_start3A = arith.constant 0 : i32
        %dma_start3A_80 = tpu.memref_slice %arg6[%add3A_79, %dma_start3A] : memref<10240x128xf32, #tpu.memory_space<hbm>> -> memref<128x128xf32, #tpu.memory_space<hbm>>
        %dma_start3A_81 = arith.constant 0 : i32
        %dma_start3A_82 = tpu.memref_slice %arg6[%add3A_79, %dma_start3A_81] : memref<10240x128xf32, #tpu.memory_space<hbm>> -> memref<128x128xf32, #tpu.memory_space<hbm>>
        tpu.enqueue_dma source(%arg10 : memref<128x128xf32, #tpu.memory_space<vmem>>) target(%dma_start3A_82 : memref<128x128xf32, #tpu.memory_space<hbm>>) target_semaphore(%run_scoped3A : memref<!tpu.dma_semaphore, #tpu.memory_space<semaphore_mem>>)
        %dma_wait3A = arith.constant 0 : i32
        %dma_wait3A_83 = tpu.memref_slice %arg6[%add3A_79, %dma_wait3A] : memref<10240x128xf32, #tpu.memory_space<hbm>> -> memref<128x128xf32, #tpu.memory_space<hbm>>
        %dma_wait3A_84 = arith.constant 0 : i32
        %dma_wait3A_85 = tpu.memref_slice %arg6[%add3A_79, %dma_wait3A_84] : memref<10240x128xf32, #tpu.memory_space<hbm>> -> memref<128x128xf32, #tpu.memory_space<hbm>>
        tpu.wait_dma2 semaphore(%run_scoped3A : memref<!tpu.dma_semaphore, #tpu.memory_space<semaphore_mem>>) src(%arg10 : memref<128x128xf32, #tpu.memory_space<vmem>>) dst(%dma_wait3A_85 : memref<128x128xf32, #tpu.memory_space<hbm>>)
        tpu.yield
      }) : () -> ()
    } else {
    }
    %eq3A_61 = arith.constant 1 : i32
    %eq3A_62 = arith.cmpi eq, %arg0, %eq3A_61 : i32
    %convert_element_type3A_63 = arith.extui %eq3A_62 : i1 to i32
    %cond3A_64 = arith.constant 0 : i32
    %cond3A_65 = arith.cmpi ne, %convert_element_type3A_63, %cond3A_64 : i32
    scf.if %cond3A_65 {
      %add3A_78 = arith.constant 384 : i32
      %add3A_79 = arith.addi %mul3A_0, %add3A_78 : i32
      "tpu.region"() ({
        %run_scoped3A = tpu.sem_alloc : memref<!tpu.dma_semaphore, #tpu.memory_space<semaphore_mem>>
        %dma_start3A = arith.constant 0 : i32
        %dma_start3A_80 = tpu.memref_slice %arg7[%add3A_79, %dma_start3A] : memref<10240x128xf32, #tpu.memory_space<hbm>> -> memref<128x128xf32, #tpu.memory_space<hbm>>
        %dma_start3A_81 = arith.constant 0 : i32
        %dma_start3A_82 = tpu.memref_slice %arg7[%add3A_79, %dma_start3A_81] : memref<10240x128xf32, #tpu.memory_space<hbm>> -> memref<128x128xf32, #tpu.memory_space<hbm>>
        tpu.enqueue_dma source(%arg10 : memref<128x128xf32, #tpu.memory_space<vmem>>) target(%dma_start3A_82 : memref<128x128xf32, #tpu.memory_space<hbm>>) target_semaphore(%run_scoped3A : memref<!tpu.dma_semaphore, #tpu.memory_space<semaphore_mem>>)
        %dma_wait3A = arith.constant 0 : i32
        %dma_wait3A_83 = tpu.memref_slice %arg7[%add3A_79, %dma_wait3A] : memref<10240x128xf32, #tpu.memory_space<hbm>> -> memref<128x128xf32, #tpu.memory_space<hbm>>
        %dma_wait3A_84 = arith.constant 0 : i32
        %dma_wait3A_85 = tpu.memref_slice %arg7[%add3A_79, %dma_wait3A_84] : memref<10240x128xf32, #tpu.memory_space<hbm>> -> memref<128x128xf32, #tpu.memory_space<hbm>>
        tpu.wait_dma2 semaphore(%run_scoped3A : memref<!tpu.dma_semaphore, #tpu.memory_space<semaphore_mem>>) src(%arg10 : memref<128x128xf32, #tpu.memory_space<vmem>>) dst(%dma_wait3A_85 : memref<128x128xf32, #tpu.memory_space<hbm>>)
        tpu.yield
      }) : () -> ()
    } else {
    }
    %add3A_66 = arith.constant 512 : i32
    %add3A_67 = arith.addi %mul3A_0, %add3A_66 : i32
    "tpu.region"() ({
      %run_scoped3A = tpu.sem_alloc : memref<!tpu.dma_semaphore, #tpu.memory_space<semaphore_mem>>
      %dma_start3A = arith.constant 0 : i32
      %dma_start3A_78 = tpu.memref_slice %arg11[%add3A_67, %dma_start3A] : memref<10240x128xf32, #tpu.memory_space<vmem_shared>> -> memref<128x128xf32, #tpu.memory_space<vmem_shared>>
      %dma_start3A_79 = arith.constant 0 : i32
      %dma_start3A_80 = tpu.memref_slice %arg11[%add3A_67, %dma_start3A_79] : memref<10240x128xf32, #tpu.memory_space<vmem_shared>> -> memref<128x128xf32, #tpu.memory_space<vmem_shared>>
      tpu.enqueue_dma source(%dma_start3A_80 : memref<128x128xf32, #tpu.memory_space<vmem_shared>>) target(%arg10 : memref<128x128xf32, #tpu.memory_space<vmem>>) target_semaphore(%run_scoped3A : memref<!tpu.dma_semaphore, #tpu.memory_space<semaphore_mem>>)
      %dma_wait3A = arith.constant 0 : i32
      %dma_wait3A_81 = tpu.memref_slice %arg11[%add3A_67, %dma_wait3A] : memref<10240x128xf32, #tpu.memory_space<vmem_shared>> -> memref<128x128xf32, #tpu.memory_space<vmem_shared>>
      %dma_wait3A_82 = arith.constant 0 : i32
      %dma_wait3A_83 = tpu.memref_slice %arg11[%add3A_67, %dma_wait3A_82] : memref<10240x128xf32, #tpu.memory_space<vmem_shared>> -> memref<128x128xf32, #tpu.memory_space<vmem_shared>>
      tpu.wait_dma2 semaphore(%run_scoped3A : memref<!tpu.dma_semaphore, #tpu.memory_space<semaphore_mem>>) src(%dma_wait3A_83 : memref<128x128xf32, #tpu.memory_space<vmem_shared>>) dst(%arg10 : memref<128x128xf32, #tpu.memory_space<vmem>>)
      tpu.yield
    }) : () -> ()
    %eq3A_68 = arith.constant 0 : i32
    %eq3A_69 = arith.cmpi eq, %arg0, %eq3A_68 : i32
    %convert_element_type3A_70 = arith.extui %eq3A_69 : i1 to i32
    %cond3A_71 = arith.constant 0 : i32
    %cond3A_72 = arith.cmpi ne, %convert_element_type3A_70, %cond3A_71 : i32
    scf.if %cond3A_72 {
      %add3A_78 = arith.constant 512 : i32
      %add3A_79 = arith.addi %mul3A_0, %add3A_78 : i32
      "tpu.region"() ({
        %run_scoped3A = tpu.sem_alloc : memref<!tpu.dma_semaphore, #tpu.memory_space<semaphore_mem>>
        %dma_start3A = arith.constant 0 : i32
        %dma_start3A_80 = tpu.memref_slice %arg6[%add3A_79, %dma_start3A] : memref<10240x128xf32, #tpu.memory_space<hbm>> -> memref<128x128xf32, #tpu.memory_space<hbm>>
        %dma_start3A_81 = arith.constant 0 : i32
        %dma_start3A_82 = tpu.memref_slice %arg6[%add3A_79, %dma_start3A_81] : memref<10240x128xf32, #tpu.memory_space<hbm>> -> memref<128x128xf32, #tpu.memory_space<hbm>>
        tpu.enqueue_dma source(%arg10 : memref<128x128xf32, #tpu.memory_space<vmem>>) target(%dma_start3A_82 : memref<128x128xf32, #tpu.memory_space<hbm>>) target_semaphore(%run_scoped3A : memref<!tpu.dma_semaphore, #tpu.memory_space<semaphore_mem>>)
        %dma_wait3A = arith.constant 0 : i32
        %dma_wait3A_83 = tpu.memref_slice %arg6[%add3A_79, %dma_wait3A] : memref<10240x128xf32, #tpu.memory_space<hbm>> -> memref<128x128xf32, #tpu.memory_space<hbm>>
        %dma_wait3A_84 = arith.constant 0 : i32
        %dma_wait3A_85 = tpu.memref_slice %arg6[%add3A_79, %dma_wait3A_84] : memref<10240x128xf32, #tpu.memory_space<hbm>> -> memref<128x128xf32, #tpu.memory_space<hbm>>
        tpu.wait_dma2 semaphore(%run_scoped3A : memref<!tpu.dma_semaphore, #tpu.memory_space<semaphore_mem>>) src(%arg10 : memref<128x128xf32, #tpu.memory_space<vmem>>) dst(%dma_wait3A_85 : memref<128x128xf32, #tpu.memory_space<hbm>>)
        tpu.yield
      }) : () -> ()
    } else {
    }
    %eq3A_73 = arith.constant 1 : i32
    %eq3A_74 = arith.cmpi eq, %arg0, %eq3A_73 : i32
    %convert_element_type3A_75 = arith.extui %eq3A_74 : i1 to i32
    %cond3A_76 = arith.constant 0 : i32
    %cond3A_77 = arith.cmpi ne, %convert_element_type3A_75, %cond3A_76 : i32
    scf.if %cond3A_77 {
      %add3A_78 = arith.constant 512 : i32
      %add3A_79 = arith.addi %mul3A_0, %add3A_78 : i32
      "tpu.region"() ({
        %run_scoped3A = tpu.sem_alloc : memref<!tpu.dma_semaphore, #tpu.memory_space<semaphore_mem>>
        %dma_start3A = arith.constant 0 : i32
        %dma_start3A_80 = tpu.memref_slice %arg7[%add3A_79, %dma_start3A] : memref<10240x128xf32, #tpu.memory_space<hbm>> -> memref<128x128xf32, #tpu.memory_space<hbm>>
        %dma_start3A_81 = arith.constant 0 : i32
        %dma_start3A_82 = tpu.memref_slice %arg7[%add3A_79, %dma_start3A_81] : memref<10240x128xf32, #tpu.memory_space<hbm>> -> memref<128x128xf32, #tpu.memory_space<hbm>>
        tpu.enqueue_dma source(%arg10 : memref<128x128xf32, #tpu.memory_space<vmem>>) target(%dma_start3A_82 : memref<128x128xf32, #tpu.memory_space<hbm>>) target_semaphore(%run_scoped3A : memref<!tpu.dma_semaphore, #tpu.memory_space<semaphore_mem>>)
        %dma_wait3A = arith.constant 0 : i32
        %dma_wait3A_83 = tpu.memref_slice %arg7[%add3A_79, %dma_wait3A] : memref<10240x128xf32, #tpu.memory_space<hbm>> -> memref<128x128xf32, #tpu.memory_space<hbm>>
        %dma_wait3A_84 = arith.constant 0 : i32
        %dma_wait3A_85 = tpu.memref_slice %arg7[%add3A_79, %dma_wait3A_84] : memref<10240x128xf32, #tpu.memory_space<hbm>> -> memref<128x128xf32, #tpu.memory_space<hbm>>
        tpu.wait_dma2 semaphore(%run_scoped3A : memref<!tpu.dma_semaphore, #tpu.memory_space<semaphore_mem>>) src(%arg10 : memref<128x128xf32, #tpu.memory_space<vmem>>) dst(%dma_wait3A_85 : memref<128x128xf32, #tpu.memory_space<hbm>>)
        tpu.yield
      }) : () -> ()
    } else {
    }
    return
  }
}

module attributes {stable_mosaic.version = 14 : i64} {
  func.func @_prep_body(%arg0: i32, %arg1: memref<1000x128xf32, #tpu.memory_space<vmem>>, %arg2: memref<128x128xf32, #tpu.memory_space<vmem>>, %arg3: memref<1000x128xf32, #tpu.memory_space<vmem>>) attributes {dimension_semantics = [#tpu.dimension_semantics<arbitrary>], iteration_bounds = array<i64: 10>, scalar_prefetch = 0 : i64, scratch_operands = 0 : i64, tpu.core_type = #tpu.core_type<tc>, window_params = [{transform_indices = @transform_0, window_bounds = array<i64: 1000, 128>}, {pipeline_mode = #tpu.pipeline_mode<synchronous>, transform_indices = @transform_1, window_bounds = array<i64: 128, 128>}, {transform_indices = @transform_2, window_bounds = array<i64: 1000, 128>}]} {
    %get3A = arith.constant 0 : index
    %get3A_0 = arith.constant 0 : index
    %get3A_1 = vector.load %arg1[%get3A, %get3A_0] : memref<1000x128xf32, #tpu.memory_space<vmem>>, vector<1000x128xf32>
    %get3A_2 = arith.constant 0 : index
    %get3A_3 = arith.constant 0 : index
    %get3A_4 = vector.load %arg2[%get3A_2, %get3A_3] : memref<128x128xf32, #tpu.memory_space<vmem>>, vector<128x128xf32>
    %dot_general3A = arith.constant dense<0.000000e+00> : vector<1000x128xf32>
    %dot_general3A_5 = tpu.matmul %get3A_1, %get3A_4, %dot_general3A {dimension_numbers = #tpu.dot_dimension_numbers<[1], [0], [0], [1], [0, 0, 1, 1], [], []>, transpose_lhs_hint = false} : vector<1000x128xf32>, vector<128x128xf32>, vector<1000x128xf32> -> vector<1000x128xf32>
    %swap3A = arith.constant 0 : index
    %swap3A_6 = arith.constant 0 : index
    %swap3A_7 = vector.load %arg3[%swap3A, %swap3A_6] : memref<1000x128xf32, #tpu.memory_space<vmem>>, vector<1000x128xf32>
    tpu.vector_store %arg3[%swap3A, %swap3A_6], %dot_general3A_5 {strides = array<i32>} : memref<1000x128xf32, #tpu.memory_space<vmem>>, vector<1000x128xf32>,
    return
  }
  func.func @transform_0(%arg0: i32) -> (i32, i32) {
    %c0_i32 = arith.constant 0 : i32
    %c0_i32_0 = arith.constant 0 : i32
    return %arg0, %c0_i32 : i32, i32
  }
  func.func @transform_1(%arg0: i32) -> (i32, i32) {
    %c0_i32 = arith.constant 0 : i32
    %c0_i32_0 = arith.constant 0 : i32
    %c0_i32_1 = arith.constant 0 : i32
    return %c0_i32, %c0_i32_0 : i32, i32
  }
  func.func @transform_2(%arg0: i32) -> (i32, i32) {
    %c0_i32 = arith.constant 0 : i32
    %c0_i32_0 = arith.constant 0 : i32
    return %arg0, %c0_i32 : i32, i32
  }
}

module attributes {stable_mosaic.version = 14 : i64} {
  func.func @_edge_body(%arg0: i32, %arg1: memref<3200x128xf32, #tpu.memory_space<vmem>>, %arg2: memref<3200x128xf32, #tpu.memory_space<vmem>>, %arg3: memref<128x16xf32, #tpu.memory_space<vmem>>, %arg4: memref<16x128xf32, #tpu.memory_space<vmem>>, %arg5: memref<128x16xf32, #tpu.memory_space<vmem>>, %arg6: memref<128x16xf32, #tpu.memory_space<vmem>>, %arg7: memref<3200x128xf32, #tpu.memory_space<vmem>>, %arg8: memref<3200x128xf32, #tpu.memory_space<vmem>>) attributes {dimension_semantics = [#tpu.dimension_semantics<arbitrary>], iteration_bounds = array<i64: 100>, scalar_prefetch = 0 : i64, scratch_operands = 0 : i64, tpu.core_type = #tpu.core_type<tc>, window_params = [{transform_indices = @transform_0, window_bounds = array<i64: 3200, 128>}, {transform_indices = @transform_1, window_bounds = array<i64: 3200, 128>}, {pipeline_mode = #tpu.pipeline_mode<synchronous>, transform_indices = @transform_2, window_bounds = array<i64: 128, 16>}, {pipeline_mode = #tpu.pipeline_mode<synchronous>, transform_indices = @transform_3, window_bounds = array<i64: 16, 128>}, {pipeline_mode = #tpu.pipeline_mode<synchronous>, transform_indices = @transform_4, window_bounds = array<i64: 128, 16>}, {pipeline_mode = #tpu.pipeline_mode<synchronous>, transform_indices = @transform_5, window_bounds = array<i64: 128, 16>}, {transform_indices = @transform_6, window_bounds = array<i64: 3200, 128>}, {transform_indices = @transform_7, window_bounds = array<i64: 3200, 128>}]} {
    %get3A = arith.constant 0 : index
    %get3A_0 = arith.constant 0 : index
    %get3A_1 = vector.load %arg1[%get3A, %get3A_0] : memref<3200x128xf32, #tpu.memory_space<vmem>>, vector<3200x128xf32>
    %get3A_2 = arith.constant 0 : index
    %get3A_3 = arith.constant 0 : index
    %get3A_4 = vector.load %arg2[%get3A_2, %get3A_3] : memref<3200x128xf32, #tpu.memory_space<vmem>>, vector<3200x128xf32>
    %mul3A = arith.mulf %get3A_1, %get3A_4 : vector<3200x128xf32>
    %get3A_5 = arith.constant 0 : index
    %get3A_6 = arith.constant 0 : index
    %get3A_7 = vector.load %arg3[%get3A_5, %get3A_6] : memref<128x16xf32, #tpu.memory_space<vmem>>, vector<128x16xf32>
    %dot_general3A = arith.constant dense<0.000000e+00> : vector<3200x16xf32>
    %dot_general3A_8 = tpu.matmul %mul3A, %get3A_7, %dot_general3A {dimension_numbers = #tpu.dot_dimension_numbers<[1], [0], [0], [1], [0, 0, 1, 1], [], []>, transpose_lhs_hint = false} : vector<3200x128xf32>, vector<128x16xf32>, vector<3200x16xf32> -> vector<3200x16xf32>
    %get3A_9 = arith.constant 0 : index
    %get3A_10 = arith.constant 0 : index
    %get3A_11 = vector.load %arg5[%get3A_9, %get3A_10] : memref<128x16xf32, #tpu.memory_space<vmem>>, vector<128x16xf32>
    %dot_general3A_12 = arith.constant dense<0.000000e+00> : vector<3200x16xf32>
    %dot_general3A_13 = tpu.matmul %get3A_1, %get3A_11, %dot_general3A_12 {dimension_numbers = #tpu.dot_dimension_numbers<[1], [0], [0], [1], [0, 0, 1, 1], [], []>, transpose_lhs_hint = false} : vector<3200x128xf32>, vector<128x16xf32>, vector<3200x16xf32> -> vector<3200x16xf32>
    %get3A_14 = arith.constant 0 : index
    %get3A_15 = arith.constant 0 : index
    %get3A_16 = vector.load %arg6[%get3A_14, %get3A_15] : memref<128x16xf32, #tpu.memory_space<vmem>>, vector<128x16xf32>
    %dot_general3A_17 = arith.constant dense<0.000000e+00> : vector<3200x16xf32>
    %dot_general3A_18 = tpu.matmul %get3A_4, %get3A_16, %dot_general3A_17 {dimension_numbers = #tpu.dot_dimension_numbers<[1], [0], [0], [1], [0, 0, 1, 1], [], []>, transpose_lhs_hint = false} : vector<3200x128xf32>, vector<128x16xf32>, vector<3200x16xf32> -> vector<3200x16xf32>
    %add3A = arith.addf %dot_general3A_13, %dot_general3A_18 : vector<3200x16xf32>
    %logistic3A = arith.negf %dot_general3A_8 : vector<3200x16xf32>
    %logistic3A_19 = math.exp %logistic3A : vector<3200x16xf32>
    %logistic3A_20 = arith.constant 1.000000e+00 : f32
    %logistic3A_21 = vector.broadcast %logistic3A_20 : f32 to vector<3200x16xf32>
    %logistic3A_22 = arith.addf %logistic3A_21, %logistic3A_19 : vector<3200x16xf32>
    %logistic3A_23 = arith.divf %logistic3A_21, %logistic3A_22 : vector<3200x16xf32>
    %mul3A_24 = arith.mulf %add3A, %logistic3A_23 : vector<3200x16xf32>
    %ge3A = arith.constant 0.000000e+00 : f32
    %ge3A_25 = vector.broadcast %ge3A : f32 to vector<3200x16xf32>
    %ge3A_26 = arith.cmpf oge, %mul3A_24, %ge3A_25 : vector<3200x16xf32>
    %mul3A_27 = arith.constant 2.000000e-01 : f32
    %mul3A_28 = vector.broadcast %mul3A_27 : f32 to vector<3200x16xf32>
    %mul3A_29 = arith.mulf %mul3A_28, %mul3A_24 : vector<3200x16xf32>
    %select_n3A = arith.select %ge3A_26, %mul3A_24, %mul3A_29 : vector<3200x16xi1>, vector<3200x16xf32>
    %exp3A = math.exp %select_n3A : vector<3200x16xf32>
    %get3A_30 = arith.constant 0 : index
    %get3A_31 = arith.constant 0 : index
    %get3A_32 = vector.load %arg4[%get3A_30, %get3A_31] : memref<16x128xf32, #tpu.memory_space<vmem>>, vector<16x128xf32>
    %dot_general3A_33 = arith.constant dense<0.000000e+00> : vector<3200x128xf32>
    %dot_general3A_34 = tpu.matmul %exp3A, %get3A_32, %dot_general3A_33 {dimension_numbers = #tpu.dot_dimension_numbers<[1], [0], [0], [1], [0, 0, 1, 1], [], []>, transpose_lhs_hint = false} : vector<3200x16xf32>, vector<16x128xf32>, vector<3200x128xf32> -> vector<3200x128xf32>
    %swap3A = arith.constant 0 : index
    %swap3A_35 = arith.constant 0 : index
    %swap3A_36 = vector.load %arg8[%swap3A, %swap3A_35] : memref<3200x128xf32, #tpu.memory_space<vmem>>, vector<3200x128xf32>
    tpu.vector_store %arg8[%swap3A, %swap3A_35], %dot_general3A_34 {strides = array<i32>} : memref<3200x128xf32, #tpu.memory_space<vmem>>, vector<3200x128xf32>,
    %mul3A_37 = arith.mulf %get3A_1, %dot_general3A_34 : vector<3200x128xf32>
    %swap3A_38 = arith.constant 0 : index
    %swap3A_39 = arith.constant 0 : index
    %swap3A_40 = vector.load %arg7[%swap3A_38, %swap3A_39] : memref<3200x128xf32, #tpu.memory_space<vmem>>, vector<3200x128xf32>
    tpu.vector_store %arg7[%swap3A_38, %swap3A_39], %mul3A_37 {strides = array<i32>} : memref<3200x128xf32, #tpu.memory_space<vmem>>, vector<3200x128xf32>,
    return
  }
  func.func @transform_0(%arg0: i32) -> (i32, i32) {
    %c0_i32 = arith.constant 0 : i32
    %c0_i32_0 = arith.constant 0 : i32
    return %arg0, %c0_i32 : i32, i32
  }
  func.func @transform_1(%arg0: i32) -> (i32, i32) {
    %c0_i32 = arith.constant 0 : i32
    %c0_i32_0 = arith.constant 0 : i32
    return %arg0, %c0_i32 : i32, i32
  }
  func.func @transform_2(%arg0: i32) -> (i32, i32) {
    %c0_i32 = arith.constant 0 : i32
    %c0_i32_0 = arith.constant 0 : i32
    %c0_i32_1 = arith.constant 0 : i32
    return %c0_i32, %c0_i32_0 : i32, i32
  }
  func.func @transform_3(%arg0: i32) -> (i32, i32) {
    %c0_i32 = arith.constant 0 : i32
    %c0_i32_0 = arith.constant 0 : i32
    %c0_i32_1 = arith.constant 0 : i32
    return %c0_i32, %c0_i32_0 : i32, i32
  }
  func.func @transform_4(%arg0: i32) -> (i32, i32) {
    %c0_i32 = arith.constant 0 : i32
    %c0_i32_0 = arith.constant 0 : i32
    %c0_i32_1 = arith.constant 0 : i32
    return %c0_i32, %c0_i32_0 : i32, i32
  }
  func.func @transform_5(%arg0: i32) -> (i32, i32) {
    %c0_i32 = arith.constant 0 : i32
    %c0_i32_0 = arith.constant 0 : i32
    %c0_i32_1 = arith.constant 0 : i32
    return %c0_i32, %c0_i32_0 : i32, i32
  }
  func.func @transform_6(%arg0: i32) -> (i32, i32) {
    %c0_i32 = arith.constant 0 : i32
    %c0_i32_0 = arith.constant 0 : i32
    return %arg0, %c0_i32 : i32, i32
  }
  func.func @transform_7(%arg0: i32) -> (i32, i32) {
    %c0_i32 = arith.constant 0 : i32
    %c0_i32_0 = arith.constant 0 : i32
    return %arg0, %c0_i32 : i32, i32
  }
}

module attributes {stable_mosaic.version = 14 : i64} {
  func.func @_combine_body(%arg0: i32, %arg1: memref<1000x128xf32, #tpu.memory_space<vmem>>, %arg2: memref<1000x128xf32, #tpu.memory_space<vmem>>, %arg3: memref<1x128xf32, #tpu.memory_space<vmem>>, %arg4: memref<128x128xf32, #tpu.memory_space<vmem>>, %arg5: memref<1000x128xf32, #tpu.memory_space<vmem>>) attributes {dimension_semantics = [#tpu.dimension_semantics<arbitrary>], iteration_bounds = array<i64: 10>, scalar_prefetch = 0 : i64, scratch_operands = 0 : i64, tpu.core_type = #tpu.core_type<tc>, window_params = [{transform_indices = @transform_0, window_bounds = array<i64: 1000, 128>}, {transform_indices = @transform_1, window_bounds = array<i64: 1000, 128>}, {pipeline_mode = #tpu.pipeline_mode<synchronous>, transform_indices = @transform_2, window_bounds = array<i64: 1, 128>}, {pipeline_mode = #tpu.pipeline_mode<synchronous>, transform_indices = @transform_3, window_bounds = array<i64: 128, 128>}, {transform_indices = @transform_4, window_bounds = array<i64: 1000, 128>}]} {
    %get3A = arith.constant 0 : index
    %get3A_0 = arith.constant 0 : index
    %get3A_1 = vector.load %arg1[%get3A, %get3A_0] : memref<1000x128xf32, #tpu.memory_space<vmem>>, vector<1000x128xf32>
    %get3A_2 = arith.constant 0 : index
    %get3A_3 = arith.constant 0 : index
    %get3A_4 = vector.load %arg2[%get3A_2, %get3A_3] : memref<1000x128xf32, #tpu.memory_space<vmem>>, vector<1000x128xf32>
    %add3A = arith.constant 1.000000e-16 : f32
    %add3A_5 = vector.broadcast %add3A : f32 to vector<1000x128xf32>
    %add3A_6 = arith.addf %get3A_4, %add3A_5 : vector<1000x128xf32>
    %div3A = arith.divf %get3A_1, %add3A_6 : vector<1000x128xf32>
    %get3A_7 = arith.constant 0 : index
    %get3A_8 = arith.constant 0 : index
    %get3A_9 = vector.load %arg3[%get3A_7, %get3A_8] : memref<1x128xf32, #tpu.memory_space<vmem>>, vector<1x128xf32>
    %add3A_10 = vector.broadcast %get3A_9 : vector<1x128xf32> to vector<1000x128xf32>
    %add3A_11 = arith.addf %div3A, %add3A_10 : vector<1000x128xf32>
    %mul3A = arith.constant 5.000000e-01 : f32
    %mul3A_12 = vector.broadcast %mul3A : f32 to vector<1000x128xf32>
    %mul3A_13 = arith.mulf %mul3A_12, %add3A_11 : vector<1000x128xf32>
    %mul3A_14 = arith.constant 0.707106769 : f32
    %mul3A_15 = vector.broadcast %mul3A_14 : f32 to vector<1000x128xf32>
    %mul3A_16 = arith.mulf %add3A_11, %mul3A_15 : vector<1000x128xf32>
    %erf3A = math.erf %mul3A_16 : vector<1000x128xf32>
    %add3A_17 = arith.constant 1.000000e+00 : f32
    %add3A_18 = vector.broadcast %add3A_17 : f32 to vector<1000x128xf32>
    %add3A_19 = arith.addf %add3A_18, %erf3A : vector<1000x128xf32>
    %mul3A_20 = arith.mulf %mul3A_13, %add3A_19 : vector<1000x128xf32>
    %get3A_21 = arith.constant 0 : index
    %get3A_22 = arith.constant 0 : index
    %get3A_23 = vector.load %arg4[%get3A_21, %get3A_22] : memref<128x128xf32, #tpu.memory_space<vmem>>, vector<128x128xf32>
    %dot_general3A = arith.constant dense<0.000000e+00> : vector<1000x128xf32>
    %dot_general3A_24 = tpu.matmul %mul3A_20, %get3A_23, %dot_general3A {dimension_numbers = #tpu.dot_dimension_numbers<[1], [0], [0], [1], [0, 0, 1, 1], [], []>, transpose_lhs_hint = false} : vector<1000x128xf32>, vector<128x128xf32>, vector<1000x128xf32> -> vector<1000x128xf32>
    %swap3A = arith.constant 0 : index
    %swap3A_25 = arith.constant 0 : index
    %swap3A_26 = vector.load %arg5[%swap3A, %swap3A_25] : memref<1000x128xf32, #tpu.memory_space<vmem>>, vector<1000x128xf32>
    tpu.vector_store %arg5[%swap3A, %swap3A_25], %dot_general3A_24 {strides = array<i32>} : memref<1000x128xf32, #tpu.memory_space<vmem>>, vector<1000x128xf32>,
    return
  }
  func.func @transform_0(%arg0: i32) -> (i32, i32) {
    %c0_i32 = arith.constant 0 : i32
    %c0_i32_0 = arith.constant 0 : i32
    return %arg0, %c0_i32 : i32, i32
  }
  func.func @transform_1(%arg0: i32) -> (i32, i32) {
    %c0_i32 = arith.constant 0 : i32
    %c0_i32_0 = arith.constant 0 : i32
    return %arg0, %c0_i32 : i32, i32
  }
  func.func @transform_2(%arg0: i32) -> (i32, i32) {
    %c0_i32 = arith.constant 0 : i32
    %c0_i32_0 = arith.constant 0 : i32
    %c0_i32_1 = arith.constant 0 : i32
    return %c0_i32, %c0_i32_0 : i32, i32
  }
  func.func @transform_3(%arg0: i32) -> (i32, i32) {
    %c0_i32 = arith.constant 0 : i32
    %c0_i32_0 = arith.constant 0 : i32
    %c0_i32_1 = arith.constant 0 : i32
    return %c0_i32, %c0_i32_0 : i32, i32
  }
  func.func @transform_4(%arg0: i32) -> (i32, i32) {
    %c0_i32 = arith.constant 0 : i32
    %c0_i32_0 = arith.constant 0 : i32
    return %arg0, %c0_i32 : i32, i32
  }
}

module attributes {stable_mosaic.version = 14 : i64} {
  func.func @_final_body(%arg0: i32, %arg1: memref<1000x128xf32, #tpu.memory_space<vmem>>, %arg2: memref<1000x128xf32, #tpu.memory_space<vmem>>, %arg3: memref<1x128xf32, #tpu.memory_space<vmem>>, %arg4: memref<128x1xf32, #tpu.memory_space<vmem>>, %arg5: memref<1x1xf32, #tpu.memory_space<vmem>>, %arg6: memref<1000x1xf32, #tpu.memory_space<vmem>>) attributes {dimension_semantics = [#tpu.dimension_semantics<arbitrary>], iteration_bounds = array<i64: 10>, scalar_prefetch = 0 : i64, scratch_operands = 0 : i64, tpu.core_type = #tpu.core_type<tc>, window_params = [{transform_indices = @transform_0, window_bounds = array<i64: 1000, 128>}, {transform_indices = @transform_1, window_bounds = array<i64: 1000, 128>}, {pipeline_mode = #tpu.pipeline_mode<synchronous>, transform_indices = @transform_2, window_bounds = array<i64: 1, 128>}, {pipeline_mode = #tpu.pipeline_mode<synchronous>, transform_indices = @transform_3, window_bounds = array<i64: 128, 1>}, {pipeline_mode = #tpu.pipeline_mode<synchronous>, transform_indices = @transform_4, window_bounds = array<i64: 1, 1>}, {transform_indices = @transform_5, window_bounds = array<i64: 1000, 1>}]} {
    %get3A = arith.constant 0 : index
    %get3A_0 = arith.constant 0 : index
    %get3A_1 = vector.load %arg1[%get3A, %get3A_0] : memref<1000x128xf32, #tpu.memory_space<vmem>>, vector<1000x128xf32>
    %get3A_2 = arith.constant 0 : index
    %get3A_3 = arith.constant 0 : index
    %get3A_4 = vector.load %arg2[%get3A_2, %get3A_3] : memref<1000x128xf32, #tpu.memory_space<vmem>>, vector<1000x128xf32>
    %add3A = arith.constant 1.000000e-16 : f32
    %add3A_5 = vector.broadcast %add3A : f32 to vector<1000x128xf32>
    %add3A_6 = arith.addf %get3A_4, %add3A_5 : vector<1000x128xf32>
    %div3A = arith.divf %get3A_1, %add3A_6 : vector<1000x128xf32>
    %get3A_7 = arith.constant 0 : index
    %get3A_8 = arith.constant 0 : index
    %get3A_9 = vector.load %arg3[%get3A_7, %get3A_8] : memref<1x128xf32, #tpu.memory_space<vmem>>, vector<1x128xf32>
    %add3A_10 = vector.broadcast %get3A_9 : vector<1x128xf32> to vector<1000x128xf32>
    %add3A_11 = arith.addf %div3A, %add3A_10 : vector<1000x128xf32>
    %mul3A = arith.constant 5.000000e-01 : f32
    %mul3A_12 = vector.broadcast %mul3A : f32 to vector<1000x128xf32>
    %mul3A_13 = arith.mulf %mul3A_12, %add3A_11 : vector<1000x128xf32>
    %mul3A_14 = arith.constant 0.707106769 : f32
    %mul3A_15 = vector.broadcast %mul3A_14 : f32 to vector<1000x128xf32>
    %mul3A_16 = arith.mulf %add3A_11, %mul3A_15 : vector<1000x128xf32>
    %erf3A = math.erf %mul3A_16 : vector<1000x128xf32>
    %add3A_17 = arith.constant 1.000000e+00 : f32
    %add3A_18 = vector.broadcast %add3A_17 : f32 to vector<1000x128xf32>
    %add3A_19 = arith.addf %add3A_18, %erf3A : vector<1000x128xf32>
    %mul3A_20 = arith.mulf %mul3A_13, %add3A_19 : vector<1000x128xf32>
    %get3A_21 = arith.constant 0 : index
    %get3A_22 = arith.constant 0 : index
    %get3A_23 = vector.load %arg4[%get3A_21, %get3A_22] : memref<128x1xf32, #tpu.memory_space<vmem>>, vector<128x1xf32>
    %dot_general3A = arith.constant dense<0.000000e+00> : vector<1000x1xf32>
    %dot_general3A_24 = tpu.matmul %mul3A_20, %get3A_23, %dot_general3A {dimension_numbers = #tpu.dot_dimension_numbers<[1], [0], [0], [1], [0, 0, 1, 1], [], []>, transpose_lhs_hint = false} : vector<1000x128xf32>, vector<128x1xf32>, vector<1000x1xf32> -> vector<1000x1xf32>
    %get3A_25 = arith.constant 0 : index
    %get3A_26 = arith.constant 0 : index
    %get3A_27 = vector.load %arg5[%get3A_25, %get3A_26] : memref<1x1xf32, #tpu.memory_space<vmem>>, vector<1x1xf32>
    %add3A_28 = vector.broadcast %get3A_27 : vector<1x1xf32> to vector<1000x1xf32>
    %add3A_29 = arith.addf %dot_general3A_24, %add3A_28 : vector<1000x1xf32>
    %swap3A = arith.constant 0 : index
    %swap3A_30 = arith.constant 0 : index
    %swap3A_31 = vector.load %arg6[%swap3A, %swap3A_30] : memref<1000x1xf32, #tpu.memory_space<vmem>>, vector<1000x1xf32>
    tpu.vector_store %arg6[%swap3A, %swap3A_30], %add3A_29 {strides = array<i32>} : memref<1000x1xf32, #tpu.memory_space<vmem>>, vector<1000x1xf32>,
    return
  }
  func.func @transform_0(%arg0: i32) -> (i32, i32) {
    %c0_i32 = arith.constant 0 : i32
    %c0_i32_0 = arith.constant 0 : i32
    return %arg0, %c0_i32 : i32, i32
  }
  func.func @transform_1(%arg0: i32) -> (i32, i32) {
    %c0_i32 = arith.constant 0 : i32
    %c0_i32_0 = arith.constant 0 : i32
    return %arg0, %c0_i32 : i32, i32
  }
  func.func @transform_2(%arg0: i32) -> (i32, i32) {
    %c0_i32 = arith.constant 0 : i32
    %c0_i32_0 = arith.constant 0 : i32
    %c0_i32_1 = arith.constant 0 : i32
    return %c0_i32, %c0_i32_0 : i32, i32
  }
  func.func @transform_3(%arg0: i32) -> (i32, i32) {
    %c0_i32 = arith.constant 0 : i32
    %c0_i32_0 = arith.constant 0 : i32
    %c0_i32_1 = arith.constant 0 : i32
    return %c0_i32, %c0_i32_0 : i32, i32
  }
  func.func @transform_4(%arg0: i32) -> (i32, i32) {
    %c0_i32 = arith.constant 0 : i32
    %c0_i32_0 = arith.constant 0 : i32
    %c0_i32_1 = arith.constant 0 : i32
    return %c0_i32, %c0_i32_0 : i32, i32
  }
  func.func @transform_5(%arg0: i32) -> (i32, i32) {
    %c0_i32 = arith.constant 0 : i32
    %c0_i32_0 = arith.constant 0 : i32
    return %arg0, %c0_i32 : i32, i32
  }
}

</mosaic_0001>

<sc_bundles>
// kernel: kernel.11.cloned.1.call-start
scs
__scs_entry_jumppad:
0x0: {  	(pc) =	sbr.rel $0x88, $3  }
0x1: {  	(tag) =	ssettag $0x0;
	lr =	simm.s32 $0x1  }
0x2: {  	[smem:$0x3F95] =	sst lr;
	_ =	strace $0xD0000000  }
0x3: {  	_ = 	snop  }
0x4: {  	_ = 	snop  }
0x5: {  	_ = 	snop  }
0x6: {  	_ = 	snop  }
0x7: {  	_ = 	snop  }
__scs_overlays_trampoline_lowered:
0x8: {  	[smem:$0x3FA4] =	sst s0  }
0x9: {  	[smem:$0x3FA5] =	sst s1  }
0xa: {  	[smem:$0x3FA6] =	sst s2  }
0xb: {  	[smem:$0x3FA7] =	sst s3  }
0xc: {  	[smem:$0x3FA8] =	sst s4  }
0xd: {  	[smem:$0x3FA9] =	sst s5  }
0xe: {  	[smem:$0x3FAA] =	sst s6  }
0xf: {  	[smem:$0x3FAB] =	sst s7  }
0x10: {  	[smem:$0x3FAC] =	sst s8  }
0x11: {  	[smem:$0x3FAD] =	sst s9;
	s0 =	simm.s32 @!p0 $0x0  }
0x12: {  	s1 =	sld [smem:$0x3F93];
	s0 =	simm.s32 @p0 $0x1  }
0x13: {  	[smem:$0x3FAE] =	sst s0;
	s0 =	simm.s32 @!p1 $0x0  }
0x14: {  	s2 =	sld [smem:$0x3F92];
	s0 =	simm.s32 @p1 $0x1  }
0x15: {  	[smem:$0x3FAF] =	sst s0;
	s0 =	simm.s32 @!p2 $0x0  }
0x16: {  	s3 =	sld [smem:$0x3FDB];
	s0 =	simm.s32 @p2 $0x1  }
0x17: {  	s4 =	simm.s32 $0x1BF5;
	[smem:$0x3FB1] =	sst s0  }
0x18: {  	s0 =	sld [smem:$0x3F94];
	_ =	swait.ge [sflag:s4], $0x0  }
0x19: {  	s7 =	sld [smem:$0x3F95]  }
0x1a: {  	s8 =	sadd.s32 $0xFFFFE003, lr  }
0x1b: {  	s9 =	sadd.s32 $0xFFFFFEF7, lr;
	s5 =	simm.s32 $0xFFFFFFFF;
	p2 =	slt.u32 s8, $0xFFFFF086  }
0x1c: {  	p1 =	slt.u32 s9, $0xF7A;
	s5 =	simm.s32 @!p2 $0x0  }
0x1d: {  	s5 =	simm.s32 @p1 $0x1;
	p0 =	seq.s32 s7, s2  }
0x1e: {  	s7 =	smul.u32 @!p0 $0xF7A, s2;
	p2 =	seq.s32 @!p0 s5, $0x0  }
0x1f: {  	s9 =	smul.u32 $0xF7A, s1;
	s8 =	simm.s32 @!p0 $0x1BF5;
	p2 =	por !p2, p0  }
0x20: {  	[sflag:s8] =	ssyncset.s32 @!p0 $0xFFFFF086;
	s6 =	sadd.s32 @!p0 s3, s7;
	s7 =	simm.s32 @!p0 $0x108  }
0x21: {  	s3 =	sadd.s32 s3, s9;
	s6 =	sadd.s32 @!p0 $0x88, s6;
	s7 =	simm.s32 @p2 $0x1082  }
0x22: {  	[simem:s7], [sflag:s8] =	dma.local @!p0 [hbm:s6], $0xF7A  }
0x23: {  	s9 =	sor.u32 $0xD0000000, s2;
	s6 =	simm.s32 $0x108;
	_ =	swait.ge @!p0 [sflag:s8], $0x0  }
0x24: {  	s3 =	sadd.s32 $0x88, s3;
	s6 =	simm.s32 @!p1 $0x1082;
	[sflag:s4] =	ssyncset.s32 $0xFFFFF086  }
0x25: {  	[simem:s6], [sflag:s4] =	dma.local [hbm:s3], $0xF7A  }
0x26: {  	[smem:$0x3F95] =	sst s1;
	(tag) =	ssettag s2;
	_ =	strace s9  }
0x27: {  	s1 =	sld [smem:$0x3FA5]  }
0x28: {  	s2 =	sld [smem:$0x3FA6]  }
0x29: {  	s4 =	sld [smem:$0x3FA8]  }
0x2a: {  	p0 =	seq.s32 s5, $0x0;
	s5 =	sld [smem:$0x3FA9]  }
0x2b: {  	s6 =	sld [smem:$0x3FAA]  }
0x2c: {  	s7 =	sld [smem:$0x3FAB]  }
0x2d: {  	s3 =	simm.s32 $0x108;
	s8 =	sld [smem:$0x3FAC]  }
0x2e: {  	s3 =	simm.s32 @!p0 $0x1082;
	s9 =	sld [smem:$0x3FAD]  }
0x2f: {  	lr =	sadd.s32 s0, s3;
	s0 =	sld [smem:$0x3FA4]  }
0x30: {  	s3 =	sld [smem:$0x3FA7]  }
0x31: {  	[smem:$0x3FB0] =	sst s10  }
0x32: {  	s10 =	sld [smem:$0x3FAE];
	_ =	sdelay $0x3  }
0x33: {  	p0 =	seq.s32 s10, $0x1;
	s10 =	sld [smem:$0x3FB0];
	_ =	sdelay $0x3  }
0x34: {  	[smem:$0x3FB0] =	sst s10  }
0x35: {  	s10 =	sld [smem:$0x3FAF];
	_ =	sdelay $0x3  }
0x36: {  	p1 =	seq.s32 s10, $0x1;
	s10 =	sld [smem:$0x3FB0];
	_ =	sdelay $0x3  }
0x37: {  	[smem:$0x3FB0] =	sst s10  }
0x38: {  	s10 =	sld [smem:$0x3FB1]  }
0x39: {  	_ = 	snop;
	(pc) =	sbr.ind lr, $3  }
0x3a: {  	_ = 	snop  }
0x3b: {  	_ = 	snop  }
0x3c: {  	p2 =	seq.s32 s10, $0x1;
	s10 =	sld [smem:$0x3FB0]  }
0x3d: {  	_ =	shalt  }
0x3e: {  	_ =	shalt  }
0x3f: {  	_ =	shalt  }
0x40: {  	_ =	shalt  }
0x41: {  	_ =	shalt  }
0x42: {  	_ =	shalt  }
0x43: {  	_ =	shalt  }
0x44: {  	_ =	shalt  }
0x45: {  	_ =	shalt  }
0x46: {  	_ =	shalt  }
0x47: {  	_ =	shalt  }
0x48: {  	_ =	shalt  }
0x49: {  	_ =	shalt  }
0x4a: {  	_ =	shalt  }
0x4b: {  	_ =	shalt  }
0x4c: {  	_ =	shalt  }
0x4d: {  	_ =	shalt  }
0x4e: {  	_ =	shalt  }
0x4f: {  	_ =	shalt  }
0x50: {  	_ =	shalt  }
0x51: {  	_ =	shalt  }
0x52: {  	_ =	shalt  }
0x53: {  	_ =	shalt  }
0x54: {  	_ =	shalt  }
0x55: {  	_ =	shalt  }
0x56: {  	_ =	shalt  }
0x57: {  	_ =	shalt  }
0x58: {  	_ =	shalt  }
0x59: {  	_ =	shalt  }
0x5a: {  	_ =	shalt  }
0x5b: {  	_ =	shalt  }
0x5c: {  	_ =	shalt  }
0x5d: {  	_ =	shalt  }
0x5e: {  	_ =	shalt  }
0x5f: {  	_ =	shalt  }
0x60: {  	_ =	shalt  }
0x61: {  	_ =	shalt  }
0x62: {  	_ =	shalt  }
0x63: {  	_ =	shalt  }
0x64: {  	_ =	shalt  }
0x65: {  	_ =	shalt  }
0x66: {  	_ =	shalt  }
0x67: {  	_ =	shalt  }
0x68: {  	_ =	shalt  }
0x69: {  	_ =	shalt  }
0x6a: {  	_ =	shalt  }
0x6b: {  	_ =	shalt  }
0x6c: {  	_ =	shalt  }
0x6d: {  	_ =	shalt  }
0x6e: {  	_ =	shalt  }
0x6f: {  	_ =	shalt  }
0x70: {  	_ =	shalt  }
0x71: {  	_ =	shalt  }
0x72: {  	_ =	shalt  }
0x73: {  	_ =	shalt  }
0x74: {  	_ =	shalt  }
0x75: {  	_ =	shalt  }
0x76: {  	_ =	shalt  }
0x77: {  	_ =	shalt  }
0x78: {  	_ =	shalt  }
0x79: {  	_ =	shalt  }
0x7a: {  	_ =	shalt  }
0x7b: {  	_ =	shalt  }
0x7c: {  	_ =	shalt  }
0x7d: {  	_ =	shalt  }
0x7e: {  	_ =	shalt  }
0x7f: {  	_ =	shalt  }
0x80: {  	_ =	shalt  }
0x81: {  	_ =	shalt  }
0x82: {  	_ =	shalt  }
0x83: {  	_ =	shalt  }
0x84: {  	_ =	shalt  }
0x85: {  	_ =	shalt  }
0x86: {  	_ =	shalt  }
0x87: {  	_ =	shalt  }
.Lfunc_end0:
.L_simem_size_0:
called_computation_lowered:
.L_overlay_start_0:
0x88: {  	s2 =	sld [smem:$0x3FD9]  }
0x89: {  	s3 =	sld [smem:$0x3FFE];
	_ =	sdelay $0x1  }
0x8a: {  	s1 =	srdreg.scid  }
0x8b: {  	s0 =	sand.u32 $0x1, s1  }
0x8c: {  	s16 =	sshll.u32 s0, $0xA;
	s2 =	sadd.s32 s3, s2  }
0x8d: {  	s2 =	sadd.s32 s2, s16  }
0x8e: {  	[smem:$0x3FBC] =	sst s2  }
0x8f: {  	_ = 	snop  }
0x90: {  	(tm) =	ssettm $0x1  }
0x91: {  	s17 =	sld [smem:$0x3FFB];
	_ =	sdelay $0x3  }
0x92: {  	_ =	strace s17  }
0x93: {  	s2 =	sld [smem:$0x3FFC];
	_ =	sdelay $0x3  }
0x94: {  	_ =	strace s2  }
0x95: {  	s2 =	sld [smem:$0x3FFD];
	_ =	sdelay $0x3  }
0x96: {  	_ =	strace s2  }
0x97: {  	_ =	strace $0x8FFFFFFF  }
0x98: {  	s18 =	sld [smem:$0x3FDB];
	_ =	sdelay $0x1  }
0x99: {  	s19 =	simm.s32 $_scs_section_size  }
0x9a: {  	s4 =	simm.s32 $_size__tile_overlayer_lowered;
	s5 =	simm.s32 $_tile_overlayer_lowered  }
0x9b: {  	s22 =	simm.s32 $0x1BFF;
	s21 =	sshll.u32 s5, $0x1;
	s2 =	sadd.s32 s19, s18  }
0x9c: {  	s6 =	simm.s32 $0x0;
	s20 =	sshll.u32 s4, $0x1;
	s4 =	sadd.s32 s21, s2  }
0x9d: {  	[timem:s6], [sflag:s22] =	dma.local [hbm:s4], s20  }
0x9e: {  	_ =	swait.ge [sflag:s22], s20  }
0x9f: {  	s3 =	ssub.s32 $0x0, s20;
	[sflag:s22] =	ssyncset.done $0x0  }
0xa0: {  	[sflag:s22] =	ssyncadd.s32 s3;
	_ =	sdelay $0x1  }
0xa1: {  	s23 =	simm.s32 $0x1B8B  }
0xa2: {  	_ =	swait.ge [sflag:s23], $0x1  }
0xa3: {  	[sflag:s23] =	ssyncset.done $0x0  }
0xa4: {  	s25 =	simm.s32 $0x1B8E;
	s24 =	sld [smem:$0x3FFE];
	[sflag:s23] =	ssyncadd.s32 $0xFFFFFFFF  }
0xa5: {  	s26 =	simm.s32 $execute0_lowered;
	[smem:$0x3FD2] =	sst s25  }
0xa6: {  	s4 =	sshll.u32 s26, $0x1;
	_ =	strace $0x80000046;
	[dreg:$0x1] =	wrdreg $0xFFFFFFFF  }
0xa7: {  	s28 =	simm.s32 $_size_execute0_lowered;
	s2 =	sadd.s32 s2, s4;
	[dreg:$0x0] =	wrdreg $0x0  }
0xa8: {  	s4 =	sshll.u32 s28, $0x1;
	[dreg:$0x2] =	wrdreg s2  }
0xa9: {  	[dreg:$0x3] =	wrdreg s4  }
0xaa: {  	[dreg:$0x4] =	wrdreg $0xC0  }
0xab: {  	_ =	task [dreg:s6], $0x5FFFF  }
0xac: {  	[dreg:$0x1] =	wrdreg $0xFFFFFFFF  }
0xad: {  	[dreg:$0x0] =	wrdreg $0x60  }
0xae: {  	[dreg:$0x2] =	wrdreg s24  }
0xaf: {  	[dreg:$0x3] =	wrdreg $0x9  }
0xb0: {  	_ =	task.clear_ibuf [dreg:s6], $0x4FFFF;
	_ =	strace $0x90000046  }
0xb1: {  	s29 =	simm.s32 $0x9;
	_ =	strace $0x80000048  }
0xb2: {  	_ =	swait.ge [sflag:s29], $0x1  }
0xb3: {  	[sflag:s29] =	ssyncadd.s32 $0xFFFFFFFF  }
0xb4: {  	_ =	strace $0x90000048  }
0xb5: {  	_ =	sfence  }
0xb6: {  	s30 =	sld [smem:$0x0];
	_ =	sdelay $0x2  }
0xb7: {  	s31 =	sshll.u32 s1, $0xD;
	s1 =	sshrl.u32 s1, $0x2  }
0xb8: {  	s3 =	sand.u32 $0x4000, s31;
	s1 =	sadd.s32 s1, s30  }
0xb9: {  	s0 =	sor.u32 s3, s0;
	s1 =	sshll.u32 s1, $0x11  }
0xba: {  	s0 =	sor.u32 s1, s0  }
0xbb: {  	s0 =	sadd.s32 $0x8F2B, s0  }
0xbc: {  	[sflag:s0] =	ssyncadd.remote.s32 $0x1  }
0xbd: {  	_ =	sfence.sel $0xFFFF  }
0xbe: {  	[dreg:$0x0] =	wrdreg $0xFFFFFFFF;
	(pc) =	sbr.abs _section_cstart, $3  }
0xbf: {  	[dreg:$0x1] =	wrdreg $0xFFFFFFFF  }
0xc0: {  	_ =	task.clear_ibuf [dreg:s6], $0x2FFFF;
	_ =	strace $0x9FFFFFFF  }
0xc1: {  	(tm) =	ssettm $0x7FFFFFFF  }
tec
execute0_lowered:
.L_overlay_start_1:
0x0: {  	(tag) =	ssettag $0x1  }
0x1: {  	s7 =	rddreg [dreg:$0x0]  }
0x2: {  	s0 =	rddreg [dreg:$0x1]  }
0x3: {  	s2 =	simm.s32 $0x0;
	s3 =	srdreg.scid;
	s1 =	stileid.u32  }
0x4: {  	s12 =	simm.s32 $0x100;
	s13 =	simm.s32 $0x4100;
	s14 =	simm.s32 $0x1  }
0x5: {  	s15 =	simm.s32 $0x0;
	[smem:$0x7FF] =	sst s2;
	s5 =	sand.u32 $0x1, s3  }
0x6: {  	s3 =	sadd.s32 $0x18600, s7;
	s9 =	smul.u32 $0x4E20, s1;
	s4 =	sadd.s32 $0x4A00, s7  }
0x7: {  	s6 =	sadd.s32 $0x3F800, s7;
	s8 =	ssub.s32 $0x2, s5;
	s11 =	smul.u32 $0x2710, s5  }
0x8: {  	_ =	strace $0x80000047;
	s5 =	sadd.s32 $0xE800, s7;
	s10 =	sshrl.u32 s8, $0x1  }
0x9: {  	s7 =	sadd.s32 $0x521800, s7;
	s8 =	ssub.s32 s8, s10;
	s9 =	sadd.s32 s11, s9  }
0xa: {  	s10 =	simm.s32 $0x2;
	s11 =	simm.s32 $0x80;
	s8 =	smax.u32 s8, $0x1  }
.LBB2_1:
0xb: {  	s16 =	sadd.s32 $0x0, s9  }
0xc: {  	p0 =	slt.s32 s16, $0x4E180  }
0xd: {  	s16 =	simm.s32 @!p0 $0x4E180  }
0xe: {  	s17 =	sshrl.u32 s16, $0x3  }
0xf: {  	s18 =	sadd.s32 s4, s17  }
0x10: {  	[tilespmem:s2], [sflag:$0x2] =	stream.linear.gather [hbm4b:s18+s2], $0x80, $0x38;
	[tilespmem:$0x8100] =	vst v63  }
0x11: {  	_ =	swait.ge [sflag:s10], $0x80  }
0x12: {  	[sflag:s10] =	ssyncset.done $0x0  }
0x13: {  	s17 =	sadd.s32 s5, s17;
	[sflag:s10] =	ssyncadd.s32 $0xFFFFFF80  }
0x14: {  	[tilespmem:s11], [sflag:$0x2] =	stream.linear.gather [hbm4b:s17+s2], $0x80, $0x38;
	[tilespmem:$0x8100] =	vst v63  }
0x15: {  	_ =	swait.ge [sflag:s10], $0x80  }
0x16: {  	[sflag:s10] =	ssyncset.done $0x0  }
0x17: {  	[sflag:s10] =	ssyncadd.s32 $0xFFFFFF80  }
0x18: {  	[tilespmem:s12], [sflag:$0x1] =	stream.indirect.gather [hbm4b:s3+s11], $0x80, s2, s11, $0xb8;
	[tilespmem:$0x8100] =	vst v63  }
0x19: {  	_ = 	snop  }
0x1a: {  	[tilespmem:s13], [sflag:$0x1] =	stream.indirect.gather [hbm4b:s3+s11], $0x80, s11, s11, $0xb8;
	[tilespmem:$0x8100] =	vst v63  }
0x1b: {  	_ =	swait.ge [sflag:s14], $0x4000  }
0x1c: {  	[sflag:s14] =	ssyncset.done $0x0  }
0x1d: {  	[sflag:s14] =	ssyncadd.s32 $0xFFFFC000  }
0x1e: {  	_ =	swait.ge [sflag:s14], $0x4000  }
0x1f: {  	s31 =	sshll.u32 s16, $0x4;
	[sflag:s14] =	ssyncset.done $0x0  }
0x20: {  	s16 =	sadd.s32 s6, s31;
	[sflag:s14] =	ssyncadd.s32 $0xFFFFC000  }
0x21: {  	[hbm4b:s16+s2] =	stream.linear.scatter [tilespmem:s12], [sflag:$0x2], $0x4000, $0x38;
	[tilespmem:$0x8100] =	vst v63  }
0x22: {  	_ =	swait.ge [sflag:s10], $0x4000  }
0x23: {  	[sflag:s10] =	ssyncset.done $0x0  }
0x24: {  	s17 =	sadd.s32 s7, s31;
	s16 =	sadd.s32 $0x80, s9;
	[sflag:s10] =	ssyncadd.s32 $0xFFFFC000  }
0x25: {  	[hbm4b:s17+s2] =	stream.linear.scatter [tilespmem:s13], [sflag:$0x2], $0x4000, $0x38;
	[tilespmem:$0x8100] =	vst v63  }
0x26: {  	p0 =	slt.s32 s16, $0x4E180;
	_ =	swait.ge [sflag:s10], $0x4000  }
0x27: {  	s16 =	simm.s32 @!p0 $0x4E180;
	s17 =	simm.s32 $0x100;
	[sflag:s10] =	ssyncset.done $0x0  }
.LBB2_2:
0x28: {  	s18 =	sshrl.u32 s16, $0x3  }
0x29: {  	[sflag:s10] =	ssyncadd.s32 $0xFFFFC000;
	s19 =	smov.u32 s17;
	s20 =	sadd.s32 $0x80, s17  }
0x2a: {  	p0 =	sne.s32 s17, $0x2700;
	s17 =	sadd.s32 s4, s18  }
0x2b: {  	[tilespmem:s2], [sflag:$0x2] =	stream.linear.gather [hbm4b:s17+s2], $0x80, $0x38;
	[tilespmem:$0x8100] =	vst v63  }
0x2c: {  	_ =	swait.ge [sflag:s10], $0x80  }
0x2d: {  	[sflag:s10] =	ssyncset.done $0x0  }
0x2e: {  	s17 =	sadd.s32 s5, s18;
	[sflag:s10] =	ssyncadd.s32 $0xFFFFFF80  }
0x2f: {  	[tilespmem:s11], [sflag:$0x2] =	stream.linear.gather [hbm4b:s17+s2], $0x80, $0x38;
	[tilespmem:$0x8100] =	vst v63  }
0x30: {  	_ =	swait.ge [sflag:s10], $0x80  }
0x31: {  	[sflag:s10] =	ssyncset.done $0x0  }
0x32: {  	[sflag:s10] =	ssyncadd.s32 $0xFFFFFF80  }
0x33: {  	[tilespmem:s12], [sflag:$0x1] =	stream.indirect.gather [hbm4b:s3+s11], $0x80, s2, s11, $0xb8;
	[tilespmem:$0x8100] =	vst v63  }
0x34: {  	_ = 	snop  }
0x35: {  	[tilespmem:s13], [sflag:$0x1] =	stream.indirect.gather [hbm4b:s3+s11], $0x80, s11, s11, $0xb8;
	[tilespmem:$0x8100] =	vst v63  }
0x36: {  	_ =	swait.ge [sflag:s14], $0x4000  }
0x37: {  	[sflag:s14] =	ssyncset.done $0x0  }
0x38: {  	[sflag:s14] =	ssyncadd.s32 $0xFFFFC000  }
0x39: {  	_ =	swait.ge [sflag:s14], $0x4000  }
0x3a: {  	s17 =	sshll.u32 s16, $0x4;
	[sflag:s14] =	ssyncset.done $0x0  }
0x3b: {  	s16 =	sadd.s32 s6, s17;
	[sflag:s14] =	ssyncadd.s32 $0xFFFFC000  }
0x3c: {  	[hbm4b:s16+s2] =	stream.linear.scatter [tilespmem:s12], [sflag:$0x2], $0x4000, $0x38;
	[tilespmem:$0x8100] =	vst v63  }
0x3d: {  	_ =	swait.ge [sflag:s10], $0x4000  }
.Ltmp0:
0x3e: {  	[sflag:s10] =	ssyncset.done $0x0;
	(pc) =	sbr.rel @p0 .LBB2_2-.Ltmp0, $4  }
0x3f: {  	s17 =	sadd.s32 s7, s17;
	s16 =	sadd.s32 s19, s9;
	[sflag:s10] =	ssyncadd.s32 $0xFFFFC000  }
0x40: {  	[hbm4b:s17+s2] =	stream.linear.scatter [tilespmem:s13], [sflag:$0x2], $0x4000, $0x38;
	[tilespmem:$0x8100] =	vst v63  }
0x41: {  	p1 =	slt.s32 s16, $0x4E180;
	_ =	swait.ge [sflag:s10], $0x4000  }
0x42: {  	s16 =	simm.s32 @!p1 $0x4E180;
	s17 =	smov.u32 s20;
	[sflag:s10] =	ssyncset.done $0x0  }
0x43: {  	s17 =	sshrl.u32 s16, $0x3  }
0x44: {  	[sflag:s10] =	ssyncadd.s32 $0xFFFFC000;
	s18 =	sadd.s32 s4, s17  }
0x45: {  	[tilespmem:s2], [sflag:$0x2] =	stream.linear.gather [hbm4b:s18+s2], $0x80, $0x38;
	[tilespmem:$0x8100] =	vst v63  }
0x46: {  	_ =	swait.ge [sflag:s10], $0x80  }
0x47: {  	[sflag:s10] =	ssyncset.done $0x0  }
0x48: {  	s17 =	sadd.s32 s5, s17;
	[sflag:s10] =	ssyncadd.s32 $0xFFFFFF80  }
0x49: {  	[tilespmem:s11], [sflag:$0x2] =	stream.linear.gather [hbm4b:s17+s2], $0x80, $0x38;
	[tilespmem:$0x8100] =	vst v63  }
0x4a: {  	_ =	swait.ge [sflag:s10], $0x80  }
0x4b: {  	[sflag:s10] =	ssyncset.done $0x0  }
0x4c: {  	[sflag:s10] =	ssyncadd.s32 $0xFFFFFF80  }
0x4d: {  	[tilespmem:s12], [sflag:$0x1] =	stream.indirect.gather [hbm4b:s3+s11], $0x80, s2, s11, $0xb8;
	[tilespmem:$0x8100] =	vst v63  }
0x4e: {  	_ = 	snop  }
0x4f: {  	[tilespmem:s13], [sflag:$0x1] =	stream.indirect.gather [hbm4b:s3+s11], $0x80, s11, s11, $0xb8;
	[tilespmem:$0x8100] =	vst v63  }
0x50: {  	_ =	swait.ge [sflag:s14], $0x4000  }
0x51: {  	[sflag:s14] =	ssyncset.done $0x0  }
0x52: {  	[sflag:s14] =	ssyncadd.s32 $0xFFFFC000  }
0x53: {  	_ =	swait.ge [sflag:s14], $0x4000  }
0x54: {  	s30 =	sshll.u32 s16, $0x4;
	[sflag:s14] =	ssyncset.done $0x0  }
0x55: {  	s31 =	sadd.s32 s6, s30;
	[sflag:s14] =	ssyncadd.s32 $0xFFFFC000  }
0x56: {  	[hbm4b:s31+s2] =	stream.linear.scatter [tilespmem:s12], [sflag:$0x2], $0x4000, $0x38;
	[tilespmem:$0x8100] =	vst v63  }
0x57: {  	s15 =	sadd.s32 $0x1, s15;
	_ =	swait.ge [sflag:s10], $0x4000  }
0x58: {  	p0 =	sne.s32 s15, s8;
	[sflag:s10] =	ssyncset.done $0x0  }
.Ltmp1:
0x59: {  	s16 =	sadd.s32 s7, s30;
	[sflag:s10] =	ssyncadd.s32 $0xFFFFC000;
	(pc) =	sbr.rel @p0 .LBB2_1-.Ltmp1, $4  }
0x5a: {  	[hbm4b:s16+s2] =	stream.linear.scatter [tilespmem:s13], [sflag:$0x2], $0x4000, $0x38;
	[tilespmem:$0x8100] =	vst v63  }
0x5b: {  	_ =	swait.ge [sflag:s10], $0x4000  }
0x5c: {  	[sflag:s10] =	ssyncset.done $0x0  }
0x5d: {  	[sflag:s10] =	ssyncadd.s32 $0xFFFFC000  }
0x5e: {  	_ =	sfence.sel $0x180000  }
0x5f: {  	[bflag:$0x0] =	sbarrier.arrive $0xFFFF  }
0x60: {  	p0 =	sne.s32 s1, $0x0;
	_ =	strace $0x90000047  }
0x61: {  	s0 =	sadd.s32 @!p0 $0x100000, s0;
	[bflag:$0x2] =	sbarrier.arrive $0xFFFF  }
0x62: {  	[sflag:s0] =	ssyncadd.tile.s32 @!p0 $0x1;
	_ =	shalt  }
.Lfunc_end2:
_tile_overlayer_lowered:
.L_overlay_start_2:
0x63: {  	(tag) =	ssettag $0x2  }
0x64: {  	s0 =	rddreg [dreg:$0x0];
	s2 =	stileid.u32  }
0x65: {  	s1 =	rddreg [dreg:$0x1];
	p0 =	sne.s32 s2, $0x0  }
0x66: {  	s3 =	rddreg [dreg:$0x2];
	[bflag:$0x3] =	sbarrier.arrive $0xFFFF;
	s2 =	simm.s32 @!p0 $0x1C02  }
0x67: {  	[timem:s3], [sflag:s2] =	dma.local @!p0 [hbm:s0], s1  }
0x68: {  	s0 =	simm.s32 @!p0 $0x2  }
0x69: {  	_ =	swait.ge @!p0 [sflag:s0], s1  }
0x6a: {  	s1 =	ssub.s32 @!p0 $0x0, s1;
	[sflag:s0] =	ssyncset.done @!p0 $0x0  }
0x6b: {  	[sflag:s0] =	ssyncadd.s32 @!p0 s1  }
0x6c: {  	[bflag:$0x3] =	sbarrier.arrive $0xFFFF  }
0x6d: {  	_ =	shalt  }

// kernel: kernel.14.cloned.1.call-start
scs
__scs_entry_jumppad:
0x0: {  	(pc) =	sbr.rel $0x88, $3  }
0x1: {  	(tag) =	ssettag $0x0;
	lr =	simm.s32 $0x1  }
0x2: {  	[smem:$0x3F95] =	sst lr;
	_ =	strace $0xD0000000  }
0x3: {  	_ = 	snop  }
0x4: {  	_ = 	snop  }
0x5: {  	_ = 	snop  }
0x6: {  	_ = 	snop  }
0x7: {  	_ = 	snop  }
__scs_overlays_trampoline_lowered:
0x8: {  	[smem:$0x3FA4] =	sst s0  }
0x9: {  	[smem:$0x3FA5] =	sst s1  }
0xa: {  	[smem:$0x3FA6] =	sst s2  }
0xb: {  	[smem:$0x3FA7] =	sst s3  }
0xc: {  	[smem:$0x3FA8] =	sst s4  }
0xd: {  	[smem:$0x3FA9] =	sst s5  }
0xe: {  	[smem:$0x3FAA] =	sst s6  }
0xf: {  	[smem:$0x3FAB] =	sst s7  }
0x10: {  	[smem:$0x3FAC] =	sst s8  }
0x11: {  	[smem:$0x3FAD] =	sst s9;
	s0 =	simm.s32 @!p0 $0x0  }
0x12: {  	s1 =	sld [smem:$0x3F93];
	s0 =	simm.s32 @p0 $0x1  }
0x13: {  	[smem:$0x3FAE] =	sst s0;
	s0 =	simm.s32 @!p1 $0x0  }
0x14: {  	s2 =	sld [smem:$0x3F92];
	s0 =	simm.s32 @p1 $0x1  }
0x15: {  	[smem:$0x3FAF] =	sst s0;
	s0 =	simm.s32 @!p2 $0x0  }
0x16: {  	s3 =	sld [smem:$0x3FDB];
	s0 =	simm.s32 @p2 $0x1  }
0x17: {  	s4 =	simm.s32 $0x1BF5;
	[smem:$0x3FB1] =	sst s0  }
0x18: {  	s0 =	sld [smem:$0x3F94];
	_ =	swait.ge [sflag:s4], $0x0  }
0x19: {  	s7 =	sld [smem:$0x3F95]  }
0x1a: {  	s8 =	sadd.s32 $0xFFFFE003, lr  }
0x1b: {  	s9 =	sadd.s32 $0xFFFFFEF7, lr;
	s5 =	simm.s32 $0xFFFFFFFF;
	p2 =	slt.u32 s8, $0xFFFFF086  }
0x1c: {  	p1 =	slt.u32 s9, $0xF7A;
	s5 =	simm.s32 @!p2 $0x0  }
0x1d: {  	s5 =	simm.s32 @p1 $0x1;
	p0 =	seq.s32 s7, s2  }
0x1e: {  	s7 =	smul.u32 @!p0 $0xF7A, s2;
	p2 =	seq.s32 @!p0 s5, $0x0  }
0x1f: {  	s9 =	smul.u32 $0xF7A, s1;
	s8 =	simm.s32 @!p0 $0x1BF5;
	p2 =	por !p2, p0  }
0x20: {  	[sflag:s8] =	ssyncset.s32 @!p0 $0xFFFFF086;
	s6 =	sadd.s32 @!p0 s3, s7;
	s7 =	simm.s32 @!p0 $0x108  }
0x21: {  	s3 =	sadd.s32 s3, s9;
	s6 =	sadd.s32 @!p0 $0x88, s6;
	s7 =	simm.s32 @p2 $0x1082  }
0x22: {  	[simem:s7], [sflag:s8] =	dma.local @!p0 [hbm:s6], $0xF7A  }
0x23: {  	s9 =	sor.u32 $0xD0000000, s2;
	s6 =	simm.s32 $0x108;
	_ =	swait.ge @!p0 [sflag:s8], $0x0  }
0x24: {  	s3 =	sadd.s32 $0x88, s3;
	s6 =	simm.s32 @!p1 $0x1082;
	[sflag:s4] =	ssyncset.s32 $0xFFFFF086  }
0x25: {  	[simem:s6], [sflag:s4] =	dma.local [hbm:s3], $0xF7A  }
0x26: {  	[smem:$0x3F95] =	sst s1;
	(tag) =	ssettag s2;
	_ =	strace s9  }
0x27: {  	s1 =	sld [smem:$0x3FA5]  }
0x28: {  	s2 =	sld [smem:$0x3FA6]  }
0x29: {  	s4 =	sld [smem:$0x3FA8]  }
0x2a: {  	p0 =	seq.s32 s5, $0x0;
	s5 =	sld [smem:$0x3FA9]  }
0x2b: {  	s6 =	sld [smem:$0x3FAA]  }
0x2c: {  	s7 =	sld [smem:$0x3FAB]  }
0x2d: {  	s3 =	simm.s32 $0x108;
	s8 =	sld [smem:$0x3FAC]  }
0x2e: {  	s3 =	simm.s32 @!p0 $0x1082;
	s9 =	sld [smem:$0x3FAD]  }
0x2f: {  	lr =	sadd.s32 s0, s3;
	s0 =	sld [smem:$0x3FA4]  }
0x30: {  	s3 =	sld [smem:$0x3FA7]  }
0x31: {  	[smem:$0x3FB0] =	sst s10  }
0x32: {  	s10 =	sld [smem:$0x3FAE];
	_ =	sdelay $0x3  }
0x33: {  	p0 =	seq.s32 s10, $0x1;
	s10 =	sld [smem:$0x3FB0];
	_ =	sdelay $0x3  }
0x34: {  	[smem:$0x3FB0] =	sst s10  }
0x35: {  	s10 =	sld [smem:$0x3FAF];
	_ =	sdelay $0x3  }
0x36: {  	p1 =	seq.s32 s10, $0x1;
	s10 =	sld [smem:$0x3FB0];
	_ =	sdelay $0x3  }
0x37: {  	[smem:$0x3FB0] =	sst s10  }
0x38: {  	s10 =	sld [smem:$0x3FB1]  }
0x39: {  	_ = 	snop;
	(pc) =	sbr.ind lr, $3  }
0x3a: {  	_ = 	snop  }
0x3b: {  	_ = 	snop  }
0x3c: {  	p2 =	seq.s32 s10, $0x1;
	s10 =	sld [smem:$0x3FB0]  }
0x3d: {  	_ =	shalt  }
0x3e: {  	_ =	shalt  }
0x3f: {  	_ =	shalt  }
0x40: {  	_ =	shalt  }
0x41: {  	_ =	shalt  }
0x42: {  	_ =	shalt  }
0x43: {  	_ =	shalt  }
0x44: {  	_ =	shalt  }
0x45: {  	_ =	shalt  }
0x46: {  	_ =	shalt  }
0x47: {  	_ =	shalt  }
0x48: {  	_ =	shalt  }
0x49: {  	_ =	shalt  }
0x4a: {  	_ =	shalt  }
0x4b: {  	_ =	shalt  }
0x4c: {  	_ =	shalt  }
0x4d: {  	_ =	shalt  }
0x4e: {  	_ =	shalt  }
0x4f: {  	_ =	shalt  }
0x50: {  	_ =	shalt  }
0x51: {  	_ =	shalt  }
0x52: {  	_ =	shalt  }
0x53: {  	_ =	shalt  }
0x54: {  	_ =	shalt  }
0x55: {  	_ =	shalt  }
0x56: {  	_ =	shalt  }
0x57: {  	_ =	shalt  }
0x58: {  	_ =	shalt  }
0x59: {  	_ =	shalt  }
0x5a: {  	_ =	shalt  }
0x5b: {  	_ =	shalt  }
0x5c: {  	_ =	shalt  }
0x5d: {  	_ =	shalt  }
0x5e: {  	_ =	shalt  }
0x5f: {  	_ =	shalt  }
0x60: {  	_ =	shalt  }
0x61: {  	_ =	shalt  }
0x62: {  	_ =	shalt  }
0x63: {  	_ =	shalt  }
0x64: {  	_ =	shalt  }
0x65: {  	_ =	shalt  }
0x66: {  	_ =	shalt  }
0x67: {  	_ =	shalt  }
0x68: {  	_ =	shalt  }
0x69: {  	_ =	shalt  }
0x6a: {  	_ =	shalt  }
0x6b: {  	_ =	shalt  }
0x6c: {  	_ =	shalt  }
0x6d: {  	_ =	shalt  }
0x6e: {  	_ =	shalt  }
0x6f: {  	_ =	shalt  }
0x70: {  	_ =	shalt  }
0x71: {  	_ =	shalt  }
0x72: {  	_ =	shalt  }
0x73: {  	_ =	shalt  }
0x74: {  	_ =	shalt  }
0x75: {  	_ =	shalt  }
0x76: {  	_ =	shalt  }
0x77: {  	_ =	shalt  }
0x78: {  	_ =	shalt  }
0x79: {  	_ =	shalt  }
0x7a: {  	_ =	shalt  }
0x7b: {  	_ =	shalt  }
0x7c: {  	_ =	shalt  }
0x7d: {  	_ =	shalt  }
0x7e: {  	_ =	shalt  }
0x7f: {  	_ =	shalt  }
0x80: {  	_ =	shalt  }
0x81: {  	_ =	shalt  }
0x82: {  	_ =	shalt  }
0x83: {  	_ =	shalt  }
0x84: {  	_ =	shalt  }
0x85: {  	_ =	shalt  }
0x86: {  	_ =	shalt  }
0x87: {  	_ =	shalt  }
.Lfunc_end0:
.L_simem_size_0:
called_computation.1_lowered:
.L_overlay_start_0:
0x88: {  	s2 =	sld [smem:$0x3FD9]  }
0x89: {  	s3 =	sld [smem:$0x3FFE];
	_ =	sdelay $0x1  }
0x8a: {  	s1 =	srdreg.scid  }
0x8b: {  	s0 =	sand.u32 $0x1, s1  }
0x8c: {  	s16 =	sshll.u32 s0, $0xA;
	s2 =	sadd.s32 s3, s2  }
0x8d: {  	s2 =	sadd.s32 s2, s16  }
0x8e: {  	[smem:$0x3FBC] =	sst s2  }
0x8f: {  	_ = 	snop  }
0x90: {  	(tm) =	ssettm $0x1  }
0x91: {  	s17 =	sld [smem:$0x3FFB];
	_ =	sdelay $0x3  }
0x92: {  	_ =	strace s17  }
0x93: {  	s2 =	sld [smem:$0x3FFC];
	_ =	sdelay $0x3  }
0x94: {  	_ =	strace s2  }
0x95: {  	s2 =	sld [smem:$0x3FFD];
	_ =	sdelay $0x3  }
0x96: {  	_ =	strace s2  }
0x97: {  	_ =	strace $0x8FFFFFFF  }
0x98: {  	s18 =	sld [smem:$0x3FDB];
	_ =	sdelay $0x1  }
0x99: {  	s19 =	simm.s32 $_scs_section_size  }
0x9a: {  	s4 =	simm.s32 $_size__tile_overlayer_lowered;
	s5 =	simm.s32 $_tile_overlayer_lowered  }
0x9b: {  	s22 =	simm.s32 $0x1BFF;
	s21 =	sshll.u32 s5, $0x1;
	s2 =	sadd.s32 s19, s18  }
0x9c: {  	s6 =	simm.s32 $0x0;
	s20 =	sshll.u32 s4, $0x1;
	s4 =	sadd.s32 s21, s2  }
0x9d: {  	[timem:s6], [sflag:s22] =	dma.local [hbm:s4], s20  }
0x9e: {  	_ =	swait.ge [sflag:s22], s20  }
0x9f: {  	s3 =	ssub.s32 $0x0, s20;
	[sflag:s22] =	ssyncset.done $0x0  }
0xa0: {  	[sflag:s22] =	ssyncadd.s32 s3;
	_ =	sdelay $0x1  }
0xa1: {  	s23 =	simm.s32 $0x1B8B  }
0xa2: {  	_ =	swait.ge [sflag:s23], $0x1  }
0xa3: {  	[sflag:s23] =	ssyncset.done $0x0  }
0xa4: {  	s25 =	simm.s32 $0x1B8E;
	s24 =	sld [smem:$0x3FFE];
	[sflag:s23] =	ssyncadd.s32 $0xFFFFFFFF  }
0xa5: {  	s26 =	simm.s32 $execute0_lowered;
	[smem:$0x3FD2] =	sst s25  }
0xa6: {  	s4 =	sshll.u32 s26, $0x1;
	_ =	strace $0x80000049;
	[dreg:$0x1] =	wrdreg $0xFFFFFFFF  }
0xa7: {  	s28 =	simm.s32 $_size_execute0_lowered;
	s2 =	sadd.s32 s2, s4;
	[dreg:$0x0] =	wrdreg $0x0  }
0xa8: {  	s4 =	sshll.u32 s28, $0x1;
	[dreg:$0x2] =	wrdreg s2  }
0xa9: {  	[dreg:$0x3] =	wrdreg s4  }
0xaa: {  	[dreg:$0x4] =	wrdreg $0xC0  }
0xab: {  	_ =	task [dreg:s6], $0x5FFFF  }
0xac: {  	[dreg:$0x1] =	wrdreg $0xFFFFFFFF  }
0xad: {  	[dreg:$0x0] =	wrdreg $0x60  }
0xae: {  	[dreg:$0x2] =	wrdreg s24  }
0xaf: {  	[dreg:$0x3] =	wrdreg $0x80800  }
0xb0: {  	[dreg:$0x4] =	wrdreg $0x9  }
0xb1: {  	_ =	task.clear_ibuf [dreg:s6], $0x5FFFF;
	_ =	strace $0x90000049  }
0xb2: {  	s29 =	simm.s32 $0x9;
	_ =	strace $0x8000004B  }
0xb3: {  	_ =	swait.ge [sflag:s29], $0x1  }
0xb4: {  	[sflag:s29] =	ssyncadd.s32 $0xFFFFFFFF  }
0xb5: {  	_ =	strace $0x9000004B  }
0xb6: {  	_ =	sfence  }
0xb7: {  	s30 =	sld [smem:$0x0];
	_ =	sdelay $0x2  }
0xb8: {  	s31 =	sshll.u32 s1, $0xD;
	s1 =	sshrl.u32 s1, $0x2  }
0xb9: {  	s3 =	sand.u32 $0x4000, s31;
	s1 =	sadd.s32 s1, s30  }
0xba: {  	s0 =	sor.u32 s3, s0;
	s1 =	sshll.u32 s1, $0x11  }
0xbb: {  	s0 =	sor.u32 s1, s0  }
0xbc: {  	s0 =	sadd.s32 $0x8F2B, s0  }
0xbd: {  	[sflag:s0] =	ssyncadd.remote.s32 $0x1  }
0xbe: {  	_ =	sfence.sel $0xFFFF  }
0xbf: {  	[dreg:$0x0] =	wrdreg $0xFFFFFFFF;
	(pc) =	sbr.abs _section_cstart, $3  }
0xc0: {  	[dreg:$0x1] =	wrdreg $0xFFFFFFFF  }
0xc1: {  	_ =	task.clear_ibuf [dreg:s6], $0x2FFFF;
	_ =	strace $0x9FFFFFFF  }
0xc2: {  	(tm) =	ssettm $0x7FFFFFFF  }
0xc3: {  	_ =	shalt  }
tec
execute0_lowered:
.L_overlay_start_1:
0x0: {  	(tag) =	ssettag $0x1  }
0x1: {  	s0 =	rddreg [dreg:$0x0]  }
0x2: {  	s1 =	rddreg [dreg:$0x1];
	s2 =	simm.s32 $0x0  }
0x3: {  	s6 =	srdreg.scid;
	s3 =	stileid.u32;
	s28 =	simm.s32 $0x1  }
0x4: {  	s29 =	simm.s32 $0x0;
	[smem:$0x7FF] =	sst s2;
	s4 =	sadd.s32 $0xA05000, s0  }
0x5: {  	s5 =	sadd.s32 $0xEE7000, s0;
	s22 =	sadd.s32 $0xE800, s0;
	s24 =	sand.u32 $0x1, s6  }
0x6: {  	s6 =	sadd.s32 $0x18600, s0;
	s8 =	smul.u32 $0x50000, s3;
	s17 =	sadd.s32 $0x18E00, s0  }
0x7: {  	s11 =	smul.u32 $0x280, s3;
	s0 =	sadd.s32 $0x40E00, s0;
	s30 =	sshll.u32 s3, $0x7  }
0x8: {  	s15 =	smul.u32 $0x2800, s3;
	p1 =	slt.u32 s3, $0x4;
	p2 =	sgt.u32 s3, $0x3  }
0x9: {  	_ =	strace $0x8000004A;
	s7 =	ssub.s32 $0x2, s24;
	s13 =	sor.u32 $0x4E000, s30  }
0xa: {  	p0 =	seq.s32 s24, $0x0;
	s9 =	sshrl.u32 s7, $0x1;
	s23 =	sshrl.u32 s8, $0x2  }
0xb: {  	s18 =	sadd.s32 $0x80, s11;
	s19 =	sadd.s32 $0x100, s11;
	s20 =	sadd.s32 $0x180, s11  }
0xc: {  	s21 =	sadd.s32 $0x200, s11;
	s31 =	sshrl.u32 s13, $0x3;
	s13 =	sshll.u32 s13, $0x4  }
0xd: {  	s14 =	sadd.s32 s0, s15;
	s15 =	sadd.s32 s17, s15;
	s0 =	smov.u32 @p0 s17  }
0xe: {  	p0 =	sne.s32 s24, $0x0;
	s24 =	simm.s32 $0x4080;
	s16 =	ssub.s32 s7, s9  }
0xf: {  	s7 =	sadd.s32 s23, s1;
	s25 =	sshll.u32 s18, $0x7;
	s26 =	sshll.u32 s19, $0x7  }
0x10: {  	s10 =	sshll.u32 s20, $0x7;
	s12 =	sshll.u32 s21, $0x7;
	s18 =	sshll.u32 s18, $0x4  }
0x11: {  	s19 =	sshll.u32 s19, $0x4;
	s20 =	sshll.u32 s20, $0x4;
	s21 =	sshll.u32 s21, $0x4  }
0x12: {  	s23 =	smul.u32 $0x4E000, s3;
	s8 =	sadd.s32 s25, s1;
	s9 =	sadd.s32 s26, s1  }
0x13: {  	s10 =	sadd.s32 s10, s1;
	s11 =	sadd.s32 s12, s1;
	s25 =	smul.u32 $0x9C0, s3  }
.Ltmp0:
0x14: {  	s12 =	sadd.s32 s22, s31;
	s16 =	smax.u32 s16, $0x1;
	(pc) =	sbr.rel .LBB2_1-.Ltmp0, $4  }
0x15: {  	s17 =	sadd.s32 s0, s18;
	s18 =	sadd.s32 s0, s19;
	s19 =	sadd.s32 s0, s20  }
0x16: {  	s20 =	sadd.s32 s0, s21;
	s26 =	simm.s32 $0x80;
	[dreg:$0x3] =	wrdreg s12  }
0x17: {  	s12 =	smov.u32 s5;
	s21 =	sadd.s32 s23, s5;
	s5 =	smov.u32 s4  }
0x18: {  	s23 =	sadd.s32 s23, s4;
	s22 =	sadd.s32 s25, s22;
	s25 =	simm.s32 $0x2  }
.LBB2_8:
0x19: {  	s3 =	rddreg [dreg:$0x3]  }
0x1a: {  	[tilespmem:s2], [sflag:$0x2] =	stream.linear.gather [hbm4b:s3+s2], $0x80, $0x38;
	[tilespmem:$0x1C080] =	vst v63  }
0x1b: {  	_ =	swait.ge [sflag:s25], $0x80  }
0x1c: {  	[sflag:s25] =	ssyncset.done $0x0  }
0x1d: {  	s0 =	sadd.s32 s0, s13;
	[sflag:s25] =	ssyncadd.s32 $0xFFFFFF80  }
0x1e: {  	[tilespmem:s26], [sflag:$0x1] =	stream.linear.gather [hbm4b:s0+s2], $0x4000, $0x38;
	[tilespmem:$0x1C080] =	vst v63  }
0x1f: {  	_ =	swait.ge [sflag:s28], $0x4000  }
0x20: {  	[sflag:s28] =	ssyncset.done $0x0  }
0x21: {  	[sflag:s28] =	ssyncadd.s32 $0xFFFFC000  }
0x22: {  	[spmem:s1] =	stream.indirect.scatter.add.f32 [tilespmem:s26], [sflag:$0x2], $0x80, s2, s26, $0xb8;
	[tilespmem:$0x1C080] =	vst v63  }
0x23: {  	_ =	swait.ge [sflag:s25], $0x4000  }
0x24: {  	[sflag:s25] =	ssyncset.done $0x0  }
0x25: {  	[sflag:s25] =	ssyncadd.s32 $0xFFFFC000  }
.LBB2_9:
0x26: {  	[bflag:$0x0] =	sbarrier.arrive $0xFFFF  }
0x27: {  	[tilespmem:s24], [sflag:$0x2] =	stream.linear.gather [spmem:s7], $0x4000, $0x38;
	[tilespmem:$0x1C080] =	vst v63  }
0x28: {  	_ =	swait.ge [sflag:s25], $0x4000  }
0x29: {  	[sflag:s25] =	ssyncset.done $0x0  }
0x2a: {  	[sflag:s25] =	ssyncadd.s32 $0xFFFFC000  }
0x2b: {  	[hbm4b:s30+s2] =	stream.linear.scatter [tilespmem:s24], [sflag:$0x2], $0x4000, $0x38;
	[tilespmem:$0x1C080] =	vst v63  }
0x2c: {  	_ =	swait.ge [sflag:s25], $0x4000  }
0x2d: {  	[sflag:s25] =	ssyncset.done $0x0  }
0x2e: {  	[sflag:s25] =	ssyncadd.s32 $0xFFFFC000  }
0x2f: {  	[tilespmem:s24], [sflag:$0x2] =	stream.linear.gather [spmem:s8], $0x4000, $0x38;
	[tilespmem:$0x1C080] =	vst v63  }
0x30: {  	_ =	swait.ge [sflag:s25], $0x4000  }
0x31: {  	[sflag:s25] =	ssyncset.done $0x0  }
0x32: {  	[sflag:s25] =	ssyncadd.s32 $0xFFFFC000  }
0x33: {  	[hbm4b:s17+s2] =	stream.linear.scatter [tilespmem:s24], [sflag:$0x2], $0x4000, $0x38;
	[tilespmem:$0x1C080] =	vst v63  }
0x34: {  	_ =	swait.ge [sflag:s25], $0x4000  }
0x35: {  	[sflag:s25] =	ssyncset.done $0x0  }
0x36: {  	[sflag:s25] =	ssyncadd.s32 $0xFFFFC000  }
0x37: {  	[tilespmem:s24], [sflag:$0x2] =	stream.linear.gather [spmem:s9], $0x4000, $0x38;
	[tilespmem:$0x1C080] =	vst v63  }
0x38: {  	_ =	swait.ge [sflag:s25], $0x4000  }
0x39: {  	[sflag:s25] =	ssyncset.done $0x0  }
0x3a: {  	[sflag:s25] =	ssyncadd.s32 $0xFFFFC000  }
0x3b: {  	[hbm4b:s18+s2] =	stream.linear.scatter [tilespmem:s24], [sflag:$0x2], $0x4000, $0x38;
	[tilespmem:$0x1C080] =	vst v63  }
0x3c: {  	_ =	swait.ge [sflag:s25], $0x4000  }
0x3d: {  	[sflag:s25] =	ssyncset.done $0x0  }
0x3e: {  	[sflag:s25] =	ssyncadd.s32 $0xFFFFC000  }
0x3f: {  	[tilespmem:s24], [sflag:$0x2] =	stream.linear.gather [spmem:s10], $0x4000, $0x38;
	[tilespmem:$0x1C080] =	vst v63  }
0x40: {  	_ =	swait.ge [sflag:s25], $0x4000  }
0x41: {  	[sflag:s25] =	ssyncset.done $0x0  }
0x42: {  	[sflag:s25] =	ssyncadd.s32 $0xFFFFC000  }
0x43: {  	[hbm4b:s19+s2] =	stream.linear.scatter [tilespmem:s24], [sflag:$0x2], $0x4000, $0x38;
	[tilespmem:$0x1C080] =	vst v63  }
0x44: {  	_ =	swait.ge [sflag:s25], $0x4000  }
0x45: {  	[sflag:s25] =	ssyncset.done $0x0  }
0x46: {  	[sflag:s25] =	ssyncadd.s32 $0xFFFFC000  }
0x47: {  	[tilespmem:s24], [sflag:$0x2] =	stream.linear.gather [spmem:s11], $0x4000, $0x38;
	[tilespmem:$0x1C080] =	vst v63  }
0x48: {  	s29 =	sadd.s32 $0x1, s29;
	_ =	swait.ge [sflag:s25], $0x4000  }
0x49: {  	p3 =	sne.s32 s29, s16;
	[sflag:s25] =	ssyncset.done $0x0  }
.Ltmp1:
0x4a: {  	[sflag:s25] =	ssyncadd.s32 $0xFFFFC000;
	(pc) =	sbr.rel @!p3 .LBB2_10-.Ltmp1, $4  }
0x4b: {  	[hbm4b:s20+s2] =	stream.linear.scatter [tilespmem:s24], [sflag:$0x2], $0x4000, $0x38;
	[tilespmem:$0x1C080] =	vst v63  }
0x4c: {  	_ =	swait.ge [sflag:s25], $0x4000  }
0x4d: {  	[sflag:s25] =	ssyncset.done $0x0  }
0x4e: {  	[sflag:s25] =	ssyncadd.s32 $0xFFFFC000  }
.LBB2_1:
0x4f: {  	[tilespmem:s24], [sflag:$0x2] =	stream.linear.gather [hbm4b:s6+s2], $0x4000, $0x38;
	[tilespmem:$0x1C080] =	vst v63  }
0x50: {  	_ =	swait.ge [sflag:s25], $0x4000  }
0x51: {  	[sflag:s25] =	ssyncset.done $0x0  }
0x52: {  	[sflag:s25] =	ssyncadd.s32 $0xFFFFC000  }
0x53: {  	[spmem:s7] =	stream.linear.scatter [tilespmem:s24], [sflag:$0x2], $0x4000, $0x38;
	[tilespmem:$0x1C080] =	vst v63  }
0x54: {  	_ =	swait.ge [sflag:s25], $0x4000  }
0x55: {  	[sflag:s25] =	ssyncset.done $0x0  }
0x56: {  	[sflag:s25] =	ssyncadd.s32 $0xFFFFC000  }
0x57: {  	[spmem:s8] =	stream.linear.scatter [tilespmem:s24], [sflag:$0x2], $0x4000, $0x38;
	[tilespmem:$0x1C080] =	vst v63  }
0x58: {  	_ =	swait.ge [sflag:s25], $0x4000  }
0x59: {  	[sflag:s25] =	ssyncset.done $0x0  }
0x5a: {  	[sflag:s25] =	ssyncadd.s32 $0xFFFFC000  }
0x5b: {  	[spmem:s9] =	stream.linear.scatter [tilespmem:s24], [sflag:$0x2], $0x4000, $0x38;
	[tilespmem:$0x1C080] =	vst v63  }
0x5c: {  	_ =	swait.ge [sflag:s25], $0x4000  }
0x5d: {  	[sflag:s25] =	ssyncset.done $0x0  }
0x5e: {  	[sflag:s25] =	ssyncadd.s32 $0xFFFFC000  }
0x5f: {  	[spmem:s10] =	stream.linear.scatter [tilespmem:s24], [sflag:$0x2], $0x4000, $0x38;
	[tilespmem:$0x1C080] =	vst v63  }
0x60: {  	_ =	swait.ge [sflag:s25], $0x4000  }
0x61: {  	[sflag:s25] =	ssyncset.done $0x0  }
0x62: {  	[sflag:s25] =	ssyncadd.s32 $0xFFFFC000  }
0x63: {  	[spmem:s11] =	stream.linear.scatter [tilespmem:s24], [sflag:$0x2], $0x4000, $0x38;
	[tilespmem:$0x1C080] =	vst v63  }
.Ltmp2:
0x64: {  	_ =	swait.ge [sflag:s25], $0x4000;
	(pc) =	sbr.rel @p0 .LBB2_5-.Ltmp2, $4  }
0x65: {  	[sflag:s25] =	ssyncset.done $0x0  }
0x66: {  	[sflag:s25] =	ssyncadd.s32 $0xFFFFC000  }
0x67: {  	[bflag:$0x0] =	sbarrier.arrive $0xFFFF  }
0x68: {  	s0 =	sadd.s32 $0x0, s22  }
0x69: {  	[tilespmem:s2], [sflag:$0x2] =	stream.linear.gather [hbm4b:s0+s2], $0x80, $0x38;
	[tilespmem:$0x1C080] =	vst v63  }
0x6a: {  	_ =	swait.ge [sflag:s25], $0x80  }
0x6b: {  	[sflag:s25] =	ssyncset.done $0x0  }
0x6c: {  	[sflag:s25] =	ssyncadd.s32 $0xFFFFFF80  }
0x6d: {  	[tilespmem:s26], [sflag:$0x1] =	stream.linear.gather [hbm4b:s23+s2], $0x4000, $0x38;
	[tilespmem:$0x1C080] =	vst v63  }
0x6e: {  	_ =	swait.ge [sflag:s28], $0x4000  }
0x6f: {  	[sflag:s28] =	ssyncset.done $0x0  }
0x70: {  	[sflag:s28] =	ssyncadd.s32 $0xFFFFC000  }
0x71: {  	[spmem:s1] =	stream.indirect.scatter.add.f32 [tilespmem:s26], [sflag:$0x2], $0x80, s2, s26, $0xb8;
	[tilespmem:$0x1C080] =	vst v63  }
0x72: {  	s31 =	simm.s32 $0x10;
	_ =	swait.ge [sflag:s25], $0x4000  }
0x73: {  	s0 =	simm.s32 $0x20;
	s30 =	sadd.s32 $0x800, s23;
	[sflag:s25] =	ssyncset.done $0x0  }
.LBB2_3:
0x74: {  	s3 =	sadd.s32 s31, s22  }
0x75: {  	[sflag:s25] =	ssyncadd.s32 $0xFFFFC000;
	s31 =	smov.u32 s0;
	s4 =	sadd.s32 $0x10, s0  }
0x76: {  	[tilespmem:s2], [sflag:$0x2] =	stream.linear.gather [hbm4b:s3+s2], $0x80, $0x38;
	[tilespmem:$0x1C080] =	vst v63  }
0x77: {  	p3 =	sne.s32 s0, $0x9B0;
	_ =	swait.ge [sflag:s25], $0x80  }
0x78: {  	[sflag:s25] =	ssyncset.done $0x0  }
0x79: {  	[sflag:s25] =	ssyncadd.s32 $0xFFFFFF80  }
0x7a: {  	[tilespmem:s26], [sflag:$0x1] =	stream.linear.gather [hbm4b:s30+s2], $0x4000, $0x38;
	[tilespmem:$0x1C080] =	vst v63  }
0x7b: {  	_ =	swait.ge [sflag:s28], $0x4000  }
.Ltmp3:
0x7c: {  	[sflag:s28] =	ssyncset.done $0x0;
	(pc) =	sbr.rel @p3 .LBB2_3-.Ltmp3, $4  }
0x7d: {  	[sflag:s28] =	ssyncadd.s32 $0xFFFFC000  }
0x7e: {  	[spmem:s1] =	stream.indirect.scatter.add.f32 [tilespmem:s26], [sflag:$0x2], $0x80, s2, s26, $0xb8;
	[tilespmem:$0x1C080] =	vst v63  }
0x7f: {  	_ =	swait.ge [sflag:s25], $0x4000  }
0x80: {  	s0 =	smov.u32 s4;
	s30 =	sadd.s32 $0x800, s30;
	[sflag:s25] =	ssyncset.done $0x0  }
0x81: {  	s0 =	sadd.s32 s31, s22;
	[sflag:s25] =	ssyncadd.s32 $0xFFFFC000  }
0x82: {  	[tilespmem:s2], [sflag:$0x2] =	stream.linear.gather [hbm4b:s0+s2], $0x80, $0x38;
	[tilespmem:$0x1C080] =	vst v63  }
0x83: {  	_ =	swait.ge [sflag:s25], $0x80  }
0x84: {  	[sflag:s25] =	ssyncset.done $0x0  }
0x85: {  	[sflag:s25] =	ssyncadd.s32 $0xFFFFFF80  }
0x86: {  	[tilespmem:s26], [sflag:$0x1] =	stream.linear.gather [hbm4b:s30+s2], $0x4000, $0x38;
	[tilespmem:$0x1C080] =	vst v63  }
0x87: {  	_ =	swait.ge [sflag:s28], $0x4000  }
0x88: {  	[sflag:s28] =	ssyncset.done $0x0  }
0x89: {  	[sflag:s28] =	ssyncadd.s32 $0xFFFFC000  }
0x8a: {  	[spmem:s1] =	stream.indirect.scatter.add.f32 [tilespmem:s26], [sflag:$0x2], $0x80, s2, s26, $0xb8;
	[tilespmem:$0x1C080] =	vst v63  }
.Ltmp4:
0x8b: {  	_ = 	snop;
	(pc) =	sbr.rel @p1 .LBB2_8-.Ltmp4, $4  }
.Ltmp5:
0x8c: {  	_ = 	snop;
	(pc) =	sbr.rel @!p1 .LBB2_9-.Ltmp5, $4  }
0x8d: {  	_ =	swait.ge [sflag:s25], $0x4000  }
0x8e: {  	[sflag:s25] =	ssyncset.done $0x0  }
0x8f: {  	s0 =	smov.u32 s5;
	s30 =	smov.u32 s15;
	[sflag:s25] =	ssyncadd.s32 $0xFFFFC000  }
0x90: {  	_ = 	snop  }
.LBB2_5:
0x91: {  	[tilespmem:s2], [sflag:$0x2] =	stream.linear.gather [hbm4b:s0+s2], $0x80, $0x38;
	[tilespmem:$0x1C080] =	vst v63  }
0x92: {  	_ =	swait.ge [sflag:s25], $0x80  }
0x93: {  	[sflag:s25] =	ssyncset.done $0x0  }
0x94: {  	[sflag:s25] =	ssyncadd.s32 $0xFFFFFF80  }
0x95: {  	[tilespmem:s26], [sflag:$0x1] =	stream.linear.gather [hbm4b:s21+s2], $0x4000, $0x38;
	[tilespmem:$0x1C080] =	vst v63  }
0x96: {  	_ =	swait.ge [sflag:s28], $0x4000  }
0x97: {  	[sflag:s28] =	ssyncset.done $0x0  }
0x98: {  	[sflag:s28] =	ssyncadd.s32 $0xFFFFC000  }
0x99: {  	[spmem:s1] =	stream.indirect.scatter.add.f32 [tilespmem:s26], [sflag:$0x2], $0x80, s2, s26, $0xb8;
	[tilespmem:$0x1C080] =	vst v63  }
0x9a: {  	s31 =	simm.s32 $0x10;
	_ =	swait.ge [sflag:s25], $0x4000  }
0x9b: {  	s0 =	simm.s32 $0x20;
	s30 =	sadd.s32 $0x800, s21;
	[sflag:s25] =	ssyncset.done $0x0  }
.LBB2_6:
0x9c: {  	s3 =	sadd.s32 s31, s22  }
0x9d: {  	[sflag:s25] =	ssyncadd.s32 $0xFFFFC000;
	s31 =	smov.u32 s0;
	s4 =	sadd.s32 $0x10, s0  }
0x9e: {  	[tilespmem:s2], [sflag:$0x2] =	stream.linear.gather [hbm4b:s3+s2], $0x80, $0x38;
	[tilespmem:$0x1C080] =	vst v63  }
0x9f: {  	p3 =	sne.s32 s0, $0x9B0;
	_ =	swait.ge [sflag:s25], $0x80  }
0xa0: {  	[sflag:s25] =	ssyncset.done $0x0  }
0xa1: {  	[sflag:s25] =	ssyncadd.s32 $0xFFFFFF80  }
0xa2: {  	[tilespmem:s26], [sflag:$0x1] =	stream.linear.gather [hbm4b:s30+s2], $0x4000, $0x38;
	[tilespmem:$0x1C080] =	vst v63  }
0xa3: {  	_ =	swait.ge [sflag:s28], $0x4000  }
.Ltmp6:
0xa4: {  	[sflag:s28] =	ssyncset.done $0x0;
	(pc) =	sbr.rel @p3 .LBB2_6-.Ltmp6, $4  }
0xa5: {  	[sflag:s28] =	ssyncadd.s32 $0xFFFFC000  }
0xa6: {  	[spmem:s1] =	stream.indirect.scatter.add.f32 [tilespmem:s26], [sflag:$0x2], $0x80, s2, s26, $0xb8;
	[tilespmem:$0x1C080] =	vst v63  }
0xa7: {  	_ =	swait.ge [sflag:s25], $0x4000  }
0xa8: {  	s0 =	smov.u32 s4;
	s30 =	sadd.s32 $0x800, s30;
	[sflag:s25] =	ssyncset.done $0x0  }
0xa9: {  	s0 =	sadd.s32 s31, s22;
	[sflag:s25] =	ssyncadd.s32 $0xFFFFC000  }
0xaa: {  	[tilespmem:s2], [sflag:$0x2] =	stream.linear.gather [hbm4b:s0+s2], $0x80, $0x38;
	[tilespmem:$0x1C080] =	vst v63  }
0xab: {  	_ =	swait.ge [sflag:s25], $0x80  }
0xac: {  	[sflag:s25] =	ssyncset.done $0x0  }
0xad: {  	[sflag:s25] =	ssyncadd.s32 $0xFFFFFF80  }
0xae: {  	[tilespmem:s26], [sflag:$0x1] =	stream.linear.gather [hbm4b:s30+s2], $0x4000, $0x38;
	[tilespmem:$0x1C080] =	vst v63  }
0xaf: {  	_ =	swait.ge [sflag:s28], $0x4000  }
0xb0: {  	[sflag:s28] =	ssyncset.done $0x0  }
0xb1: {  	[sflag:s28] =	ssyncadd.s32 $0xFFFFC000  }
0xb2: {  	[spmem:s1] =	stream.indirect.scatter.add.f32 [tilespmem:s26], [sflag:$0x2], $0x80, s2, s26, $0xb8;
	[tilespmem:$0x1C080] =	vst v63  }
.Ltmp7:
0xb3: {  	_ = 	snop;
	(pc) =	sbr.rel @p2 .LBB2_9-.Ltmp7, $4  }
.Ltmp8:
0xb4: {  	_ = 	snop;
	(pc) =	sbr.rel @!p2 .LBB2_8-.Ltmp8, $4  }
0xb5: {  	_ =	swait.ge [sflag:s25], $0x4000  }
0xb6: {  	[sflag:s25] =	ssyncset.done $0x0  }
0xb7: {  	s0 =	smov.u32 s12;
	s30 =	smov.u32 s14;
	[sflag:s25] =	ssyncadd.s32 $0xFFFFC000  }
0xb8: {  	_ = 	snop  }
.LBB2_10:
0xb9: {  	_ =	sfence.sel $0x180000  }
0xba: {  	[bflag:$0x0] =	sbarrier.arrive $0xFFFF  }
0xbb: {  	_ =	strace $0x9000004A  }
0xbc: {  	s0 =	stileid.u32;
	[bflag:$0x2] =	sbarrier.arrive $0xFFFF  }
0xbd: {  	p0 =	sne.s32 s0, $0x0;
	s0 =	rddreg [dreg:$0x2]  }
0xbe: {  	s0 =	sadd.s32 @!p0 $0x100000, s0  }
0xbf: {  	[sflag:s0] =	ssyncadd.tile.s32 @!p0 $0x1;
	_ =	shalt  }
.Lfunc_end2:
_tile_overlayer_lowered:
.L_overlay_start_2:
0xc0: {  	(tag) =	ssettag $0x2  }
0xc1: {  	s0 =	rddreg [dreg:$0x0];
	s2 =	stileid.u32  }
0xc2: {  	s1 =	rddreg [dreg:$0x1];
	p0 =	sne.s32 s2, $0x0  }
0xc3: {  	s3 =	rddreg [dreg:$0x2];
	[bflag:$0x3] =	sbarrier.arrive $0xFFFF;
	s2 =	simm.s32 @!p0 $0x1C02  }
0xc4: {  	[timem:s3], [sflag:s2] =	dma.local @!p0 [hbm:s0], s1  }
0xc5: {  	s0 =	simm.s32 @!p0 $0x2  }
0xc6: {  	_ =	swait.ge @!p0 [sflag:s0], s1  }
0xc7: {  	s1 =	ssub.s32 @!p0 $0x0, s1;
	[sflag:s0] =	ssyncset.done @!p0 $0x0  }
0xc8: {  	[sflag:s0] =	ssyncadd.s32 @!p0 s1  }
0xc9: {  	[bflag:$0x3] =	sbarrier.arrive $0xFFFF  }
0xca: {  	_ =	shalt  }

// kernel: kernel.17.cloned.1.call-start
scs
__scs_entry_jumppad:
0x0: {  	(pc) =	sbr.rel $0x88, $3  }
0x1: {  	(tag) =	ssettag $0x0;
	lr =	simm.s32 $0x1  }
0x2: {  	[smem:$0x3F95] =	sst lr;
	_ =	strace $0xD0000000  }
0x3: {  	_ = 	snop  }
0x4: {  	_ = 	snop  }
0x5: {  	_ = 	snop  }
0x6: {  	_ = 	snop  }
0x7: {  	_ = 	snop  }
__scs_overlays_trampoline_lowered:
0x8: {  	[smem:$0x3FA4] =	sst s0  }
0x9: {  	[smem:$0x3FA5] =	sst s1  }
0xa: {  	[smem:$0x3FA6] =	sst s2  }
0xb: {  	[smem:$0x3FA7] =	sst s3  }
0xc: {  	[smem:$0x3FA8] =	sst s4  }
0xd: {  	[smem:$0x3FA9] =	sst s5  }
0xe: {  	[smem:$0x3FAA] =	sst s6  }
0xf: {  	[smem:$0x3FAB] =	sst s7  }
0x10: {  	[smem:$0x3FAC] =	sst s8  }
0x11: {  	[smem:$0x3FAD] =	sst s9;
	s0 =	simm.s32 @!p0 $0x0  }
0x12: {  	s1 =	sld [smem:$0x3F93];
	s0 =	simm.s32 @p0 $0x1  }
0x13: {  	[smem:$0x3FAE] =	sst s0;
	s0 =	simm.s32 @!p1 $0x0  }
0x14: {  	s2 =	sld [smem:$0x3F92];
	s0 =	simm.s32 @p1 $0x1  }
0x15: {  	[smem:$0x3FAF] =	sst s0;
	s0 =	simm.s32 @!p2 $0x0  }
0x16: {  	s3 =	sld [smem:$0x3FDB];
	s0 =	simm.s32 @p2 $0x1  }
0x17: {  	s4 =	simm.s32 $0x1BF5;
	[smem:$0x3FB1] =	sst s0  }
0x18: {  	s0 =	sld [smem:$0x3F94];
	_ =	swait.ge [sflag:s4], $0x0  }
0x19: {  	s7 =	sld [smem:$0x3F95]  }
0x1a: {  	s8 =	sadd.s32 $0xFFFFE003, lr  }
0x1b: {  	s9 =	sadd.s32 $0xFFFFFEF7, lr;
	s5 =	simm.s32 $0xFFFFFFFF;
	p2 =	slt.u32 s8, $0xFFFFF086  }
0x1c: {  	p1 =	slt.u32 s9, $0xF7A;
	s5 =	simm.s32 @!p2 $0x0  }
0x1d: {  	s5 =	simm.s32 @p1 $0x1;
	p0 =	seq.s32 s7, s2  }
0x1e: {  	s7 =	smul.u32 @!p0 $0xF7A, s2;
	p2 =	seq.s32 @!p0 s5, $0x0  }
0x1f: {  	s9 =	smul.u32 $0xF7A, s1;
	s8 =	simm.s32 @!p0 $0x1BF5;
	p2 =	por !p2, p0  }
0x20: {  	[sflag:s8] =	ssyncset.s32 @!p0 $0xFFFFF086;
	s6 =	sadd.s32 @!p0 s3, s7;
	s7 =	simm.s32 @!p0 $0x108  }
0x21: {  	s3 =	sadd.s32 s3, s9;
	s6 =	sadd.s32 @!p0 $0x88, s6;
	s7 =	simm.s32 @p2 $0x1082  }
0x22: {  	[simem:s7], [sflag:s8] =	dma.local @!p0 [hbm:s6], $0xF7A  }
0x23: {  	s9 =	sor.u32 $0xD0000000, s2;
	s6 =	simm.s32 $0x108;
	_ =	swait.ge @!p0 [sflag:s8], $0x0  }
0x24: {  	s3 =	sadd.s32 $0x88, s3;
	s6 =	simm.s32 @!p1 $0x1082;
	[sflag:s4] =	ssyncset.s32 $0xFFFFF086  }
0x25: {  	[simem:s6], [sflag:s4] =	dma.local [hbm:s3], $0xF7A  }
0x26: {  	[smem:$0x3F95] =	sst s1;
	(tag) =	ssettag s2;
	_ =	strace s9  }
0x27: {  	s1 =	sld [smem:$0x3FA5]  }
0x28: {  	s2 =	sld [smem:$0x3FA6]  }
0x29: {  	s4 =	sld [smem:$0x3FA8]  }
0x2a: {  	p0 =	seq.s32 s5, $0x0;
	s5 =	sld [smem:$0x3FA9]  }
0x2b: {  	s6 =	sld [smem:$0x3FAA]  }
0x2c: {  	s7 =	sld [smem:$0x3FAB]  }
0x2d: {  	s3 =	simm.s32 $0x108;
	s8 =	sld [smem:$0x3FAC]  }
0x2e: {  	s3 =	simm.s32 @!p0 $0x1082;
	s9 =	sld [smem:$0x3FAD]  }
0x2f: {  	lr =	sadd.s32 s0, s3;
	s0 =	sld [smem:$0x3FA4]  }
0x30: {  	s3 =	sld [smem:$0x3FA7]  }
0x31: {  	[smem:$0x3FB0] =	sst s10  }
0x32: {  	s10 =	sld [smem:$0x3FAE];
	_ =	sdelay $0x3  }
0x33: {  	p0 =	seq.s32 s10, $0x1;
	s10 =	sld [smem:$0x3FB0];
	_ =	sdelay $0x3  }
0x34: {  	[smem:$0x3FB0] =	sst s10  }
0x35: {  	s10 =	sld [smem:$0x3FAF];
	_ =	sdelay $0x3  }
0x36: {  	p1 =	seq.s32 s10, $0x1;
	s10 =	sld [smem:$0x3FB0];
	_ =	sdelay $0x3  }
0x37: {  	[smem:$0x3FB0] =	sst s10  }
0x38: {  	s10 =	sld [smem:$0x3FB1]  }
0x39: {  	_ = 	snop;
	(pc) =	sbr.ind lr, $3  }
0x3a: {  	_ = 	snop  }
0x3b: {  	_ = 	snop  }
0x3c: {  	p2 =	seq.s32 s10, $0x1;
	s10 =	sld [smem:$0x3FB0]  }
0x3d: {  	_ =	shalt  }
0x3e: {  	_ =	shalt  }
0x3f: {  	_ =	shalt  }
0x40: {  	_ =	shalt  }
0x41: {  	_ =	shalt  }
0x42: {  	_ =	shalt  }
0x43: {  	_ =	shalt  }
0x44: {  	_ =	shalt  }
0x45: {  	_ =	shalt  }
0x46: {  	_ =	shalt  }
0x47: {  	_ =	shalt  }
0x48: {  	_ =	shalt  }
0x49: {  	_ =	shalt  }
0x4a: {  	_ =	shalt  }
0x4b: {  	_ =	shalt  }
0x4c: {  	_ =	shalt  }
0x4d: {  	_ =	shalt  }
0x4e: {  	_ =	shalt  }
0x4f: {  	_ =	shalt  }
0x50: {  	_ =	shalt  }
0x51: {  	_ =	shalt  }
0x52: {  	_ =	shalt  }
0x53: {  	_ =	shalt  }
0x54: {  	_ =	shalt  }
0x55: {  	_ =	shalt  }
0x56: {  	_ =	shalt  }
0x57: {  	_ =	shalt  }
0x58: {  	_ =	shalt  }
0x59: {  	_ =	shalt  }
0x5a: {  	_ =	shalt  }
0x5b: {  	_ =	shalt  }
0x5c: {  	_ =	shalt  }
0x5d: {  	_ =	shalt  }
0x5e: {  	_ =	shalt  }
0x5f: {  	_ =	shalt  }
0x60: {  	_ =	shalt  }
0x61: {  	_ =	shalt  }
0x62: {  	_ =	shalt  }
0x63: {  	_ =	shalt  }
0x64: {  	_ =	shalt  }
0x65: {  	_ =	shalt  }
0x66: {  	_ =	shalt  }
0x67: {  	_ =	shalt  }
0x68: {  	_ =	shalt  }
0x69: {  	_ =	shalt  }
0x6a: {  	_ =	shalt  }
0x6b: {  	_ =	shalt  }
0x6c: {  	_ =	shalt  }
0x6d: {  	_ =	shalt  }
0x6e: {  	_ =	shalt  }
0x6f: {  	_ =	shalt  }
0x70: {  	_ =	shalt  }
0x71: {  	_ =	shalt  }
0x72: {  	_ =	shalt  }
0x73: {  	_ =	shalt  }
0x74: {  	_ =	shalt  }
0x75: {  	_ =	shalt  }
0x76: {  	_ =	shalt  }
0x77: {  	_ =	shalt  }
0x78: {  	_ =	shalt  }
0x79: {  	_ =	shalt  }
0x7a: {  	_ =	shalt  }
0x7b: {  	_ =	shalt  }
0x7c: {  	_ =	shalt  }
0x7d: {  	_ =	shalt  }
0x7e: {  	_ =	shalt  }
0x7f: {  	_ =	shalt  }
0x80: {  	_ =	shalt  }
0x81: {  	_ =	shalt  }
0x82: {  	_ =	shalt  }
0x83: {  	_ =	shalt  }
0x84: {  	_ =	shalt  }
0x85: {  	_ =	shalt  }
0x86: {  	_ =	shalt  }
0x87: {  	_ =	shalt  }
.Lfunc_end0:
.L_simem_size_0:
called_computation.2_lowered:
.L_overlay_start_0:
0x88: {  	s2 =	sld [smem:$0x3FD9]  }
0x89: {  	s3 =	sld [smem:$0x3FFE];
	_ =	sdelay $0x1  }
0x8a: {  	s1 =	srdreg.scid  }
0x8b: {  	s0 =	sand.u32 $0x1, s1  }
0x8c: {  	s16 =	sshll.u32 s0, $0xA;
	s2 =	sadd.s32 s3, s2  }
0x8d: {  	s2 =	sadd.s32 s2, s16  }
0x8e: {  	[smem:$0x3FBC] =	sst s2  }
0x8f: {  	_ = 	snop  }
0x90: {  	(tm) =	ssettm $0x1  }
0x91: {  	s17 =	sld [smem:$0x3FFB];
	_ =	sdelay $0x3  }
0x92: {  	_ =	strace s17  }
0x93: {  	s2 =	sld [smem:$0x3FFC];
	_ =	sdelay $0x3  }
0x94: {  	_ =	strace s2  }
0x95: {  	s2 =	sld [smem:$0x3FFD];
	_ =	sdelay $0x3  }
0x96: {  	_ =	strace s2  }
0x97: {  	_ =	strace $0x8FFFFFFF  }
0x98: {  	s18 =	sld [smem:$0x3FDB];
	_ =	sdelay $0x1  }
0x99: {  	s19 =	simm.s32 $_scs_section_size  }
0x9a: {  	s4 =	simm.s32 $_size__tile_overlayer_lowered;
	s5 =	simm.s32 $_tile_overlayer_lowered  }
0x9b: {  	s22 =	simm.s32 $0x1BFF;
	s21 =	sshll.u32 s5, $0x1;
	s2 =	sadd.s32 s19, s18  }
0x9c: {  	s6 =	simm.s32 $0x0;
	s20 =	sshll.u32 s4, $0x1;
	s4 =	sadd.s32 s21, s2  }
0x9d: {  	[timem:s6], [sflag:s22] =	dma.local [hbm:s4], s20  }
0x9e: {  	_ =	swait.ge [sflag:s22], s20  }
0x9f: {  	s3 =	ssub.s32 $0x0, s20;
	[sflag:s22] =	ssyncset.done $0x0  }
0xa0: {  	[sflag:s22] =	ssyncadd.s32 s3;
	_ =	sdelay $0x1  }
0xa1: {  	s23 =	simm.s32 $0x1B8B  }
0xa2: {  	_ =	swait.ge [sflag:s23], $0x1  }
0xa3: {  	[sflag:s23] =	ssyncset.done $0x0  }
0xa4: {  	s25 =	simm.s32 $0x1B8E;
	s24 =	sld [smem:$0x3FFE];
	[sflag:s23] =	ssyncadd.s32 $0xFFFFFFFF  }
0xa5: {  	s26 =	simm.s32 $execute0_lowered;
	[smem:$0x3FD2] =	sst s25  }
0xa6: {  	s4 =	sshll.u32 s26, $0x1;
	_ =	strace $0x8000004C;
	[dreg:$0x1] =	wrdreg $0xFFFFFFFF  }
0xa7: {  	s28 =	simm.s32 $_size_execute0_lowered;
	s2 =	sadd.s32 s2, s4;
	[dreg:$0x0] =	wrdreg $0x0  }
0xa8: {  	s4 =	sshll.u32 s28, $0x1;
	[dreg:$0x2] =	wrdreg s2  }
0xa9: {  	[dreg:$0x3] =	wrdreg s4  }
0xaa: {  	[dreg:$0x4] =	wrdreg $0xC0  }
0xab: {  	_ =	task [dreg:s6], $0x5FFFF  }
0xac: {  	[dreg:$0x1] =	wrdreg $0xFFFFFFFF  }
0xad: {  	[dreg:$0x0] =	wrdreg $0x60  }
0xae: {  	[dreg:$0x2] =	wrdreg s24  }
0xaf: {  	[dreg:$0x3] =	wrdreg $0x9  }
0xb0: {  	_ =	task.clear_ibuf [dreg:s6], $0x4FFFF;
	_ =	strace $0x9000004C  }
0xb1: {  	s29 =	simm.s32 $0x9;
	_ =	strace $0x8000004E  }
0xb2: {  	_ =	swait.ge [sflag:s29], $0x1  }
0xb3: {  	[sflag:s29] =	ssyncadd.s32 $0xFFFFFFFF  }
0xb4: {  	_ =	strace $0x9000004E  }
0xb5: {  	_ =	sfence  }
0xb6: {  	s30 =	sld [smem:$0x0];
	_ =	sdelay $0x2  }
0xb7: {  	s31 =	sshll.u32 s1, $0xD;
	s1 =	sshrl.u32 s1, $0x2  }
0xb8: {  	s3 =	sand.u32 $0x4000, s31;
	s1 =	sadd.s32 s1, s30  }
0xb9: {  	s0 =	sor.u32 s3, s0;
	s1 =	sshll.u32 s1, $0x11  }
0xba: {  	s0 =	sor.u32 s1, s0  }
0xbb: {  	s0 =	sadd.s32 $0x8F2B, s0  }
0xbc: {  	[sflag:s0] =	ssyncadd.remote.s32 $0x1  }
0xbd: {  	_ =	sfence.sel $0xFFFF  }
0xbe: {  	[dreg:$0x0] =	wrdreg $0xFFFFFFFF;
	(pc) =	sbr.abs _section_cstart, $3  }
0xbf: {  	[dreg:$0x1] =	wrdreg $0xFFFFFFFF  }
0xc0: {  	_ =	task.clear_ibuf [dreg:s6], $0x2FFFF;
	_ =	strace $0x9FFFFFFF  }
0xc1: {  	(tm) =	ssettm $0x7FFFFFFF  }
tec
execute0_lowered:
.L_overlay_start_1:
0x0: {  	(tag) =	ssettag $0x1  }
0x1: {  	s7 =	rddreg [dreg:$0x0]  }
0x2: {  	s0 =	rddreg [dreg:$0x1]  }
0x3: {  	s2 =	simm.s32 $0x0;
	s3 =	srdreg.scid;
	s1 =	stileid.u32  }
0x4: {  	s12 =	simm.s32 $0x100;
	s13 =	simm.s32 $0x4100;
	s14 =	simm.s32 $0x1  }
0x5: {  	s15 =	simm.s32 $0x0;
	[smem:$0x7FF] =	sst s2;
	s5 =	sand.u32 $0x1, s3  }
0x6: {  	s3 =	sadd.s32 $0x18E00, s7;
	s9 =	smul.u32 $0x4E20, s1;
	s4 =	sadd.s32 $0x4A00, s7  }
0x7: {  	s6 =	sadd.s32 $0x40000, s7;
	s8 =	ssub.s32 $0x2, s5;
	s11 =	smul.u32 $0x2710, s5  }
0x8: {  	_ =	strace $0x8000004D;
	s5 =	sadd.s32 $0xE800, s7;
	s10 =	sshrl.u32 s8, $0x1  }
0x9: {  	s7 =	sadd.s32 $0xA05000, s7;
	s8 =	ssub.s32 s8, s10;
	s9 =	sadd.s32 s11, s9  }
0xa: {  	s10 =	simm.s32 $0x2;
	s11 =	simm.s32 $0x80;
	s8 =	smax.u32 s8, $0x1  }
.LBB2_1:
0xb: {  	s16 =	sadd.s32 $0x0, s9  }
0xc: {  	p0 =	slt.s32 s16, $0x4E180  }
0xd: {  	s16 =	simm.s32 @!p0 $0x4E180  }
0xe: {  	s17 =	sshrl.u32 s16, $0x3  }
0xf: {  	s18 =	sadd.s32 s4, s17  }
0x10: {  	[tilespmem:s2], [sflag:$0x2] =	stream.linear.gather [hbm4b:s18+s2], $0x80, $0x38;
	[tilespmem:$0x8100] =	vst v63  }
0x11: {  	_ =	swait.ge [sflag:s10], $0x80  }
0x12: {  	[sflag:s10] =	ssyncset.done $0x0  }
0x13: {  	s17 =	sadd.s32 s5, s17;
	[sflag:s10] =	ssyncadd.s32 $0xFFFFFF80  }
0x14: {  	[tilespmem:s11], [sflag:$0x2] =	stream.linear.gather [hbm4b:s17+s2], $0x80, $0x38;
	[tilespmem:$0x8100] =	vst v63  }
0x15: {  	_ =	swait.ge [sflag:s10], $0x80  }
0x16: {  	[sflag:s10] =	ssyncset.done $0x0  }
0x17: {  	[sflag:s10] =	ssyncadd.s32 $0xFFFFFF80  }
0x18: {  	[tilespmem:s12], [sflag:$0x1] =	stream.indirect.gather [hbm4b:s3+s11], $0x80, s2, s11, $0xb8;
	[tilespmem:$0x8100] =	vst v63  }
0x19: {  	_ = 	snop  }
0x1a: {  	[tilespmem:s13], [sflag:$0x1] =	stream.indirect.gather [hbm4b:s3+s11], $0x80, s11, s11, $0xb8;
	[tilespmem:$0x8100] =	vst v63  }
0x1b: {  	_ =	swait.ge [sflag:s14], $0x4000  }
0x1c: {  	[sflag:s14] =	ssyncset.done $0x0  }
0x1d: {  	[sflag:s14] =	ssyncadd.s32 $0xFFFFC000  }
0x1e: {  	_ =	swait.ge [sflag:s14], $0x4000  }
0x1f: {  	s31 =	sshll.u32 s16, $0x4;
	[sflag:s14] =	ssyncset.done $0x0  }
0x20: {  	s16 =	sadd.s32 s6, s31;
	[sflag:s14] =	ssyncadd.s32 $0xFFFFC000  }
0x21: {  	[hbm4b:s16+s2] =	stream.linear.scatter [tilespmem:s12], [sflag:$0x2], $0x4000, $0x38;
	[tilespmem:$0x8100] =	vst v63  }
0x22: {  	_ =	swait.ge [sflag:s10], $0x4000  }
0x23: {  	[sflag:s10] =	ssyncset.done $0x0  }
0x24: {  	s17 =	sadd.s32 s7, s31;
	s16 =	sadd.s32 $0x80, s9;
	[sflag:s10] =	ssyncadd.s32 $0xFFFFC000  }
0x25: {  	[hbm4b:s17+s2] =	stream.linear.scatter [tilespmem:s13], [sflag:$0x2], $0x4000, $0x38;
	[tilespmem:$0x8100] =	vst v63  }
0x26: {  	p0 =	slt.s32 s16, $0x4E180;
	_ =	swait.ge [sflag:s10], $0x4000  }
0x27: {  	s16 =	simm.s32 @!p0 $0x4E180;
	s17 =	simm.s32 $0x100;
	[sflag:s10] =	ssyncset.done $0x0  }
.LBB2_2:
0x28: {  	s18 =	sshrl.u32 s16, $0x3  }
0x29: {  	[sflag:s10] =	ssyncadd.s32 $0xFFFFC000;
	s19 =	smov.u32 s17;
	s20 =	sadd.s32 $0x80, s17  }
0x2a: {  	p0 =	sne.s32 s17, $0x2700;
	s17 =	sadd.s32 s4, s18  }
0x2b: {  	[tilespmem:s2], [sflag:$0x2] =	stream.linear.gather [hbm4b:s17+s2], $0x80, $0x38;
	[tilespmem:$0x8100] =	vst v63  }
0x2c: {  	_ =	swait.ge [sflag:s10], $0x80  }
0x2d: {  	[sflag:s10] =	ssyncset.done $0x0  }
0x2e: {  	s17 =	sadd.s32 s5, s18;
	[sflag:s10] =	ssyncadd.s32 $0xFFFFFF80  }
0x2f: {  	[tilespmem:s11], [sflag:$0x2] =	stream.linear.gather [hbm4b:s17+s2], $0x80, $0x38;
	[tilespmem:$0x8100] =	vst v63  }
0x30: {  	_ =	swait.ge [sflag:s10], $0x80  }
0x31: {  	[sflag:s10] =	ssyncset.done $0x0  }
0x32: {  	[sflag:s10] =	ssyncadd.s32 $0xFFFFFF80  }
0x33: {  	[tilespmem:s12], [sflag:$0x1] =	stream.indirect.gather [hbm4b:s3+s11], $0x80, s2, s11, $0xb8;
	[tilespmem:$0x8100] =	vst v63  }
0x34: {  	_ = 	snop  }
0x35: {  	[tilespmem:s13], [sflag:$0x1] =	stream.indirect.gather [hbm4b:s3+s11], $0x80, s11, s11, $0xb8;
	[tilespmem:$0x8100] =	vst v63  }
0x36: {  	_ =	swait.ge [sflag:s14], $0x4000  }
0x37: {  	[sflag:s14] =	ssyncset.done $0x0  }
0x38: {  	[sflag:s14] =	ssyncadd.s32 $0xFFFFC000  }
0x39: {  	_ =	swait.ge [sflag:s14], $0x4000  }
0x3a: {  	s17 =	sshll.u32 s16, $0x4;
	[sflag:s14] =	ssyncset.done $0x0  }
0x3b: {  	s16 =	sadd.s32 s6, s17;
	[sflag:s14] =	ssyncadd.s32 $0xFFFFC000  }
0x3c: {  	[hbm4b:s16+s2] =	stream.linear.scatter [tilespmem:s12], [sflag:$0x2], $0x4000, $0x38;
	[tilespmem:$0x8100] =	vst v63  }
0x3d: {  	_ =	swait.ge [sflag:s10], $0x4000  }
.Ltmp0:
0x3e: {  	[sflag:s10] =	ssyncset.done $0x0;
	(pc) =	sbr.rel @p0 .LBB2_2-.Ltmp0, $4  }
0x3f: {  	s17 =	sadd.s32 s7, s17;
	s16 =	sadd.s32 s19, s9;
	[sflag:s10] =	ssyncadd.s32 $0xFFFFC000  }
0x40: {  	[hbm4b:s17+s2] =	stream.linear.scatter [tilespmem:s13], [sflag:$0x2], $0x4000, $0x38;
	[tilespmem:$0x8100] =	vst v63  }
0x41: {  	p1 =	slt.s32 s16, $0x4E180;
	_ =	swait.ge [sflag:s10], $0x4000  }
0x42: {  	s16 =	simm.s32 @!p1 $0x4E180;
	s17 =	smov.u32 s20;
	[sflag:s10] =	ssyncset.done $0x0  }
0x43: {  	s17 =	sshrl.u32 s16, $0x3  }
0x44: {  	[sflag:s10] =	ssyncadd.s32 $0xFFFFC000;
	s18 =	sadd.s32 s4, s17  }
0x45: {  	[tilespmem:s2], [sflag:$0x2] =	stream.linear.gather [hbm4b:s18+s2], $0x80, $0x38;
	[tilespmem:$0x8100] =	vst v63  }
0x46: {  	_ =	swait.ge [sflag:s10], $0x80  }
0x47: {  	[sflag:s10] =	ssyncset.done $0x0  }
0x48: {  	s17 =	sadd.s32 s5, s17;
	[sflag:s10] =	ssyncadd.s32 $0xFFFFFF80  }
0x49: {  	[tilespmem:s11], [sflag:$0x2] =	stream.linear.gather [hbm4b:s17+s2], $0x80, $0x38;
	[tilespmem:$0x8100] =	vst v63  }
0x4a: {  	_ =	swait.ge [sflag:s10], $0x80  }
0x4b: {  	[sflag:s10] =	ssyncset.done $0x0  }
0x4c: {  	[sflag:s10] =	ssyncadd.s32 $0xFFFFFF80  }
0x4d: {  	[tilespmem:s12], [sflag:$0x1] =	stream.indirect.gather [hbm4b:s3+s11], $0x80, s2, s11, $0xb8;
	[tilespmem:$0x8100] =	vst v63  }
0x4e: {  	_ = 	snop  }
0x4f: {  	[tilespmem:s13], [sflag:$0x1] =	stream.indirect.gather [hbm4b:s3+s11], $0x80, s11, s11, $0xb8;
	[tilespmem:$0x8100] =	vst v63  }
0x50: {  	_ =	swait.ge [sflag:s14], $0x4000  }
0x51: {  	[sflag:s14] =	ssyncset.done $0x0  }
0x52: {  	[sflag:s14] =	ssyncadd.s32 $0xFFFFC000  }
0x53: {  	_ =	swait.ge [sflag:s14], $0x4000  }
0x54: {  	s30 =	sshll.u32 s16, $0x4;
	[sflag:s14] =	ssyncset.done $0x0  }
0x55: {  	s31 =	sadd.s32 s6, s30;
	[sflag:s14] =	ssyncadd.s32 $0xFFFFC000  }
0x56: {  	[hbm4b:s31+s2] =	stream.linear.scatter [tilespmem:s12], [sflag:$0x2], $0x4000, $0x38;
	[tilespmem:$0x8100] =	vst v63  }
0x57: {  	s15 =	sadd.s32 $0x1, s15;
	_ =	swait.ge [sflag:s10], $0x4000  }
0x58: {  	p0 =	sne.s32 s15, s8;
	[sflag:s10] =	ssyncset.done $0x0  }
.Ltmp1:
0x59: {  	s16 =	sadd.s32 s7, s30;
	[sflag:s10] =	ssyncadd.s32 $0xFFFFC000;
	(pc) =	sbr.rel @p0 .LBB2_1-.Ltmp1, $4  }
0x5a: {  	[hbm4b:s16+s2] =	stream.linear.scatter [tilespmem:s13], [sflag:$0x2], $0x4000, $0x38;
	[tilespmem:$0x8100] =	vst v63  }
0x5b: {  	_ =	swait.ge [sflag:s10], $0x4000  }
0x5c: {  	[sflag:s10] =	ssyncset.done $0x0  }
0x5d: {  	[sflag:s10] =	ssyncadd.s32 $0xFFFFC000  }
0x5e: {  	_ =	sfence.sel $0x180000  }
0x5f: {  	[bflag:$0x0] =	sbarrier.arrive $0xFFFF  }
0x60: {  	p0 =	sne.s32 s1, $0x0;
	_ =	strace $0x9000004D  }
0x61: {  	s0 =	sadd.s32 @!p0 $0x100000, s0;
	[bflag:$0x2] =	sbarrier.arrive $0xFFFF  }
0x62: {  	[sflag:s0] =	ssyncadd.tile.s32 @!p0 $0x1;
	_ =	shalt  }
.Lfunc_end2:
_tile_overlayer_lowered:
.L_overlay_start_2:
0x63: {  	(tag) =	ssettag $0x2  }
0x64: {  	s0 =	rddreg [dreg:$0x0];
	s2 =	stileid.u32  }
0x65: {  	s1 =	rddreg [dreg:$0x1];
	p0 =	sne.s32 s2, $0x0  }
0x66: {  	s3 =	rddreg [dreg:$0x2];
	[bflag:$0x3] =	sbarrier.arrive $0xFFFF;
	s2 =	simm.s32 @!p0 $0x1C02  }
0x67: {  	[timem:s3], [sflag:s2] =	dma.local @!p0 [hbm:s0], s1  }
0x68: {  	s0 =	simm.s32 @!p0 $0x2  }
0x69: {  	_ =	swait.ge @!p0 [sflag:s0], s1  }
0x6a: {  	s1 =	ssub.s32 @!p0 $0x0, s1;
	[sflag:s0] =	ssyncset.done @!p0 $0x0  }
0x6b: {  	[sflag:s0] =	ssyncadd.s32 @!p0 s1  }
0x6c: {  	[bflag:$0x3] =	sbarrier.arrive $0xFFFF  }
0x6d: {  	_ =	shalt  }

// kernel: kernel.20.cloned.1.call-start
scs
__scs_entry_jumppad:
0x0: {  	(pc) =	sbr.rel $0x88, $3  }
0x1: {  	(tag) =	ssettag $0x0;
	lr =	simm.s32 $0x1  }
0x2: {  	[smem:$0x3F95] =	sst lr;
	_ =	strace $0xD0000000  }
0x3: {  	_ = 	snop  }
0x4: {  	_ = 	snop  }
0x5: {  	_ = 	snop  }
0x6: {  	_ = 	snop  }
0x7: {  	_ = 	snop  }
__scs_overlays_trampoline_lowered:
0x8: {  	[smem:$0x3FA4] =	sst s0  }
0x9: {  	[smem:$0x3FA5] =	sst s1  }
0xa: {  	[smem:$0x3FA6] =	sst s2  }
0xb: {  	[smem:$0x3FA7] =	sst s3  }
0xc: {  	[smem:$0x3FA8] =	sst s4  }
0xd: {  	[smem:$0x3FA9] =	sst s5  }
0xe: {  	[smem:$0x3FAA] =	sst s6  }
0xf: {  	[smem:$0x3FAB] =	sst s7  }
0x10: {  	[smem:$0x3FAC] =	sst s8  }
0x11: {  	[smem:$0x3FAD] =	sst s9;
	s0 =	simm.s32 @!p0 $0x0  }
0x12: {  	s1 =	sld [smem:$0x3F93];
	s0 =	simm.s32 @p0 $0x1  }
0x13: {  	[smem:$0x3FAE] =	sst s0;
	s0 =	simm.s32 @!p1 $0x0  }
0x14: {  	s2 =	sld [smem:$0x3F92];
	s0 =	simm.s32 @p1 $0x1  }
0x15: {  	[smem:$0x3FAF] =	sst s0;
	s0 =	simm.s32 @!p2 $0x0  }
0x16: {  	s3 =	sld [smem:$0x3FDB];
	s0 =	simm.s32 @p2 $0x1  }
0x17: {  	s4 =	simm.s32 $0x1BF5;
	[smem:$0x3FB1] =	sst s0  }
0x18: {  	s0 =	sld [smem:$0x3F94];
	_ =	swait.ge [sflag:s4], $0x0  }
0x19: {  	s7 =	sld [smem:$0x3F95]  }
0x1a: {  	s8 =	sadd.s32 $0xFFFFE003, lr  }
0x1b: {  	s9 =	sadd.s32 $0xFFFFFEF7, lr;
	s5 =	simm.s32 $0xFFFFFFFF;
	p2 =	slt.u32 s8, $0xFFFFF086  }
0x1c: {  	p1 =	slt.u32 s9, $0xF7A;
	s5 =	simm.s32 @!p2 $0x0  }
0x1d: {  	s5 =	simm.s32 @p1 $0x1;
	p0 =	seq.s32 s7, s2  }
0x1e: {  	s7 =	smul.u32 @!p0 $0xF7A, s2;
	p2 =	seq.s32 @!p0 s5, $0x0  }
0x1f: {  	s9 =	smul.u32 $0xF7A, s1;
	s8 =	simm.s32 @!p0 $0x1BF5;
	p2 =	por !p2, p0  }
0x20: {  	[sflag:s8] =	ssyncset.s32 @!p0 $0xFFFFF086;
	s6 =	sadd.s32 @!p0 s3, s7;
	s7 =	simm.s32 @!p0 $0x108  }
0x21: {  	s3 =	sadd.s32 s3, s9;
	s6 =	sadd.s32 @!p0 $0x88, s6;
	s7 =	simm.s32 @p2 $0x1082  }
0x22: {  	[simem:s7], [sflag:s8] =	dma.local @!p0 [hbm:s6], $0xF7A  }
0x23: {  	s9 =	sor.u32 $0xD0000000, s2;
	s6 =	simm.s32 $0x108;
	_ =	swait.ge @!p0 [sflag:s8], $0x0  }
0x24: {  	s3 =	sadd.s32 $0x88, s3;
	s6 =	simm.s32 @!p1 $0x1082;
	[sflag:s4] =	ssyncset.s32 $0xFFFFF086  }
0x25: {  	[simem:s6], [sflag:s4] =	dma.local [hbm:s3], $0xF7A  }
0x26: {  	[smem:$0x3F95] =	sst s1;
	(tag) =	ssettag s2;
	_ =	strace s9  }
0x27: {  	s1 =	sld [smem:$0x3FA5]  }
0x28: {  	s2 =	sld [smem:$0x3FA6]  }
0x29: {  	s4 =	sld [smem:$0x3FA8]  }
0x2a: {  	p0 =	seq.s32 s5, $0x0;
	s5 =	sld [smem:$0x3FA9]  }
0x2b: {  	s6 =	sld [smem:$0x3FAA]  }
0x2c: {  	s7 =	sld [smem:$0x3FAB]  }
0x2d: {  	s3 =	simm.s32 $0x108;
	s8 =	sld [smem:$0x3FAC]  }
0x2e: {  	s3 =	simm.s32 @!p0 $0x1082;
	s9 =	sld [smem:$0x3FAD]  }
0x2f: {  	lr =	sadd.s32 s0, s3;
	s0 =	sld [smem:$0x3FA4]  }
0x30: {  	s3 =	sld [smem:$0x3FA7]  }
0x31: {  	[smem:$0x3FB0] =	sst s10  }
0x32: {  	s10 =	sld [smem:$0x3FAE];
	_ =	sdelay $0x3  }
0x33: {  	p0 =	seq.s32 s10, $0x1;
	s10 =	sld [smem:$0x3FB0];
	_ =	sdelay $0x3  }
0x34: {  	[smem:$0x3FB0] =	sst s10  }
0x35: {  	s10 =	sld [smem:$0x3FAF];
	_ =	sdelay $0x3  }
0x36: {  	p1 =	seq.s32 s10, $0x1;
	s10 =	sld [smem:$0x3FB0];
	_ =	sdelay $0x3  }
0x37: {  	[smem:$0x3FB0] =	sst s10  }
0x38: {  	s10 =	sld [smem:$0x3FB1]  }
0x39: {  	_ = 	snop;
	(pc) =	sbr.ind lr, $3  }
0x3a: {  	_ = 	snop  }
0x3b: {  	_ = 	snop  }
0x3c: {  	p2 =	seq.s32 s10, $0x1;
	s10 =	sld [smem:$0x3FB0]  }
0x3d: {  	_ =	shalt  }
0x3e: {  	_ =	shalt  }
0x3f: {  	_ =	shalt  }
0x40: {  	_ =	shalt  }
0x41: {  	_ =	shalt  }
0x42: {  	_ =	shalt  }
0x43: {  	_ =	shalt  }
0x44: {  	_ =	shalt  }
0x45: {  	_ =	shalt  }
0x46: {  	_ =	shalt  }
0x47: {  	_ =	shalt  }
0x48: {  	_ =	shalt  }
0x49: {  	_ =	shalt  }
0x4a: {  	_ =	shalt  }
0x4b: {  	_ =	shalt  }
0x4c: {  	_ =	shalt  }
0x4d: {  	_ =	shalt  }
0x4e: {  	_ =	shalt  }
0x4f: {  	_ =	shalt  }
0x50: {  	_ =	shalt  }
0x51: {  	_ =	shalt  }
0x52: {  	_ =	shalt  }
0x53: {  	_ =	shalt  }
0x54: {  	_ =	shalt  }
0x55: {  	_ =	shalt  }
0x56: {  	_ =	shalt  }
0x57: {  	_ =	shalt  }
0x58: {  	_ =	shalt  }
0x59: {  	_ =	shalt  }
0x5a: {  	_ =	shalt  }
0x5b: {  	_ =	shalt  }
0x5c: {  	_ =	shalt  }
0x5d: {  	_ =	shalt  }
0x5e: {  	_ =	shalt  }
0x5f: {  	_ =	shalt  }
0x60: {  	_ =	shalt  }
0x61: {  	_ =	shalt  }
0x62: {  	_ =	shalt  }
0x63: {  	_ =	shalt  }
0x64: {  	_ =	shalt  }
0x65: {  	_ =	shalt  }
0x66: {  	_ =	shalt  }
0x67: {  	_ =	shalt  }
0x68: {  	_ =	shalt  }
0x69: {  	_ =	shalt  }
0x6a: {  	_ =	shalt  }
0x6b: {  	_ =	shalt  }
0x6c: {  	_ =	shalt  }
0x6d: {  	_ =	shalt  }
0x6e: {  	_ =	shalt  }
0x6f: {  	_ =	shalt  }
0x70: {  	_ =	shalt  }
0x71: {  	_ =	shalt  }
0x72: {  	_ =	shalt  }
0x73: {  	_ =	shalt  }
0x74: {  	_ =	shalt  }
0x75: {  	_ =	shalt  }
0x76: {  	_ =	shalt  }
0x77: {  	_ =	shalt  }
0x78: {  	_ =	shalt  }
0x79: {  	_ =	shalt  }
0x7a: {  	_ =	shalt  }
0x7b: {  	_ =	shalt  }
0x7c: {  	_ =	shalt  }
0x7d: {  	_ =	shalt  }
0x7e: {  	_ =	shalt  }
0x7f: {  	_ =	shalt  }
0x80: {  	_ =	shalt  }
0x81: {  	_ =	shalt  }
0x82: {  	_ =	shalt  }
0x83: {  	_ =	shalt  }
0x84: {  	_ =	shalt  }
0x85: {  	_ =	shalt  }
0x86: {  	_ =	shalt  }
0x87: {  	_ =	shalt  }
.Lfunc_end0:
.L_simem_size_0:
called_computation.3_lowered:
.L_overlay_start_0:
0x88: {  	s2 =	sld [smem:$0x3FD9]  }
0x89: {  	s3 =	sld [smem:$0x3FFE];
	_ =	sdelay $0x1  }
0x8a: {  	s1 =	srdreg.scid  }
0x8b: {  	s0 =	sand.u32 $0x1, s1  }
0x8c: {  	s16 =	sshll.u32 s0, $0xA;
	s2 =	sadd.s32 s3, s2  }
0x8d: {  	s2 =	sadd.s32 s2, s16  }
0x8e: {  	[smem:$0x3FBC] =	sst s2  }
0x8f: {  	_ = 	snop  }
0x90: {  	(tm) =	ssettm $0x1  }
0x91: {  	s17 =	sld [smem:$0x3FFB];
	_ =	sdelay $0x3  }
0x92: {  	_ =	strace s17  }
0x93: {  	s2 =	sld [smem:$0x3FFC];
	_ =	sdelay $0x3  }
0x94: {  	_ =	strace s2  }
0x95: {  	s2 =	sld [smem:$0x3FFD];
	_ =	sdelay $0x3  }
0x96: {  	_ =	strace s2  }
0x97: {  	_ =	strace $0x8FFFFFFF  }
0x98: {  	s18 =	sld [smem:$0x3FDB];
	_ =	sdelay $0x1  }
0x99: {  	s19 =	simm.s32 $_scs_section_size  }
0x9a: {  	s4 =	simm.s32 $_size__tile_overlayer_lowered;
	s5 =	simm.s32 $_tile_overlayer_lowered  }
0x9b: {  	s22 =	simm.s32 $0x1BFF;
	s21 =	sshll.u32 s5, $0x1;
	s2 =	sadd.s32 s19, s18  }
0x9c: {  	s6 =	simm.s32 $0x0;
	s20 =	sshll.u32 s4, $0x1;
	s4 =	sadd.s32 s21, s2  }
0x9d: {  	[timem:s6], [sflag:s22] =	dma.local [hbm:s4], s20  }
0x9e: {  	_ =	swait.ge [sflag:s22], s20  }
0x9f: {  	s3 =	ssub.s32 $0x0, s20;
	[sflag:s22] =	ssyncset.done $0x0  }
0xa0: {  	[sflag:s22] =	ssyncadd.s32 s3;
	_ =	sdelay $0x1  }
0xa1: {  	s23 =	simm.s32 $0x1B8B  }
0xa2: {  	_ =	swait.ge [sflag:s23], $0x1  }
0xa3: {  	[sflag:s23] =	ssyncset.done $0x0  }
0xa4: {  	s25 =	simm.s32 $0x1B8E;
	s24 =	sld [smem:$0x3FFE];
	[sflag:s23] =	ssyncadd.s32 $0xFFFFFFFF  }
0xa5: {  	s26 =	simm.s32 $execute0_lowered;
	[smem:$0x3FD2] =	sst s25  }
0xa6: {  	s4 =	sshll.u32 s26, $0x1;
	_ =	strace $0x8000004F;
	[dreg:$0x1] =	wrdreg $0xFFFFFFFF  }
0xa7: {  	s28 =	simm.s32 $_size_execute0_lowered;
	s2 =	sadd.s32 s2, s4;
	[dreg:$0x0] =	wrdreg $0x0  }
0xa8: {  	s4 =	sshll.u32 s28, $0x1;
	[dreg:$0x2] =	wrdreg s2  }
0xa9: {  	[dreg:$0x3] =	wrdreg s4  }
0xaa: {  	[dreg:$0x4] =	wrdreg $0xC0  }
0xab: {  	_ =	task [dreg:s6], $0x5FFFF  }
0xac: {  	[dreg:$0x1] =	wrdreg $0xFFFFFFFF  }
0xad: {  	[dreg:$0x0] =	wrdreg $0x60  }
0xae: {  	[dreg:$0x2] =	wrdreg s24  }
0xaf: {  	[dreg:$0x3] =	wrdreg $0x80800  }
0xb0: {  	[dreg:$0x4] =	wrdreg $0x9  }
0xb1: {  	_ =	task.clear_ibuf [dreg:s6], $0x5FFFF;
	_ =	strace $0x9000004F  }
0xb2: {  	s29 =	simm.s32 $0x9;
	_ =	strace $0x80000051  }
0xb3: {  	_ =	swait.ge [sflag:s29], $0x1  }
0xb4: {  	[sflag:s29] =	ssyncadd.s32 $0xFFFFFFFF  }
0xb5: {  	_ =	strace $0x90000051  }
0xb6: {  	_ =	sfence  }
0xb7: {  	s30 =	sld [smem:$0x0];
	_ =	sdelay $0x2  }
0xb8: {  	s31 =	sshll.u32 s1, $0xD;
	s1 =	sshrl.u32 s1, $0x2  }
0xb9: {  	s3 =	sand.u32 $0x4000, s31;
	s1 =	sadd.s32 s1, s30  }
0xba: {  	s0 =	sor.u32 s3, s0;
	s1 =	sshll.u32 s1, $0x11  }
0xbb: {  	s0 =	sor.u32 s1, s0  }
0xbc: {  	s0 =	sadd.s32 $0x8F2B, s0  }
0xbd: {  	[sflag:s0] =	ssyncadd.remote.s32 $0x1  }
0xbe: {  	_ =	sfence.sel $0xFFFF  }
0xbf: {  	[dreg:$0x0] =	wrdreg $0xFFFFFFFF;
	(pc) =	sbr.abs _section_cstart, $3  }
0xc0: {  	[dreg:$0x1] =	wrdreg $0xFFFFFFFF  }
0xc1: {  	_ =	task.clear_ibuf [dreg:s6], $0x2FFFF;
	_ =	strace $0x9FFFFFFF  }
0xc2: {  	(tm) =	ssettm $0x7FFFFFFF  }
0xc3: {  	_ =	shalt  }
tec
execute0_lowered:
.L_overlay_start_1:
0x0: {  	(tag) =	ssettag $0x1  }
0x1: {  	s0 =	rddreg [dreg:$0x0]  }
0x2: {  	s1 =	rddreg [dreg:$0x1];
	s2 =	simm.s32 $0x0  }
0x3: {  	s6 =	srdreg.scid;
	s3 =	stileid.u32;
	s28 =	simm.s32 $0x1  }
0x4: {  	s29 =	simm.s32 $0x0;
	[smem:$0x7FF] =	sst s2;
	s4 =	sadd.s32 $0x522000, s0  }
0x5: {  	s5 =	sadd.s32 $0xEE7000, s0;
	s22 =	sadd.s32 $0xE800, s0;
	s24 =	sand.u32 $0x1, s6  }
0x6: {  	s6 =	sadd.s32 $0x18600, s0;
	s8 =	smul.u32 $0x50000, s3;
	s17 =	sadd.s32 $0xA04000, s0  }
0x7: {  	s11 =	smul.u32 $0x280, s3;
	s0 =	sadd.s32 $0xA2C000, s0;
	s30 =	sshll.u32 s3, $0x7  }
0x8: {  	s15 =	smul.u32 $0x2800, s3;
	p1 =	slt.u32 s3, $0x4;
	p2 =	sgt.u32 s3, $0x3  }
0x9: {  	_ =	strace $0x80000050;
	s7 =	ssub.s32 $0x2, s24;
	s13 =	sor.u32 $0x4E000, s30  }
0xa: {  	p0 =	seq.s32 s24, $0x0;
	s9 =	sshrl.u32 s7, $0x1;
	s23 =	sshrl.u32 s8, $0x2  }
0xb: {  	s18 =	sadd.s32 $0x80, s11;
	s19 =	sadd.s32 $0x100, s11;
	s20 =	sadd.s32 $0x180, s11  }
0xc: {  	s21 =	sadd.s32 $0x200, s11;
	s31 =	sshrl.u32 s13, $0x3;
	s13 =	sshll.u32 s13, $0x4  }
0xd: {  	s14 =	sadd.s32 s0, s15;
	s15 =	sadd.s32 s17, s15;
	s0 =	smov.u32 @p0 s17  }
0xe: {  	p0 =	sne.s32 s24, $0x0;
	s24 =	simm.s32 $0x4080;
	s16 =	ssub.s32 s7, s9  }
0xf: {  	s7 =	sadd.s32 s23, s1;
	s25 =	sshll.u32 s18, $0x7;
	s26 =	sshll.u32 s19, $0x7  }
0x10: {  	s10 =	sshll.u32 s20, $0x7;
	s12 =	sshll.u32 s21, $0x7;
	s18 =	sshll.u32 s18, $0x4  }
0x11: {  	s19 =	sshll.u32 s19, $0x4;
	s20 =	sshll.u32 s20, $0x4;
	s21 =	sshll.u32 s21, $0x4  }
0x12: {  	s23 =	smul.u32 $0x4E000, s3;
	s8 =	sadd.s32 s25, s1;
	s9 =	sadd.s32 s26, s1  }
0x13: {  	s10 =	sadd.s32 s10, s1;
	s11 =	sadd.s32 s12, s1;
	s25 =	smul.u32 $0x9C0, s3  }
.Ltmp0:
0x14: {  	s12 =	sadd.s32 s22, s31;
	s16 =	smax.u32 s16, $0x1;
	(pc) =	sbr.rel .LBB2_1-.Ltmp0, $4  }
0x15: {  	s17 =	sadd.s32 s0, s18;
	s18 =	sadd.s32 s0, s19;
	s19 =	sadd.s32 s0, s20  }
0x16: {  	s20 =	sadd.s32 s0, s21;
	s26 =	simm.s32 $0x80;
	[dreg:$0x3] =	wrdreg s12  }
0x17: {  	s12 =	smov.u32 s5;
	s21 =	sadd.s32 s23, s5;
	s5 =	smov.u32 s4  }
0x18: {  	s23 =	sadd.s32 s23, s4;
	s22 =	sadd.s32 s25, s22;
	s25 =	simm.s32 $0x2  }
.LBB2_8:
0x19: {  	s3 =	rddreg [dreg:$0x3]  }
0x1a: {  	[tilespmem:s2], [sflag:$0x2] =	stream.linear.gather [hbm4b:s3+s2], $0x80, $0x38;
	[tilespmem:$0x1C080] =	vst v63  }
0x1b: {  	_ =	swait.ge [sflag:s25], $0x80  }
0x1c: {  	[sflag:s25] =	ssyncset.done $0x0  }
0x1d: {  	s0 =	sadd.s32 s0, s13;
	[sflag:s25] =	ssyncadd.s32 $0xFFFFFF80  }
0x1e: {  	[tilespmem:s26], [sflag:$0x1] =	stream.linear.gather [hbm4b:s0+s2], $0x4000, $0x38;
	[tilespmem:$0x1C080] =	vst v63  }
0x1f: {  	_ =	swait.ge [sflag:s28], $0x4000  }
0x20: {  	[sflag:s28] =	ssyncset.done $0x0  }
0x21: {  	[sflag:s28] =	ssyncadd.s32 $0xFFFFC000  }
0x22: {  	[spmem:s1] =	stream.indirect.scatter.add.f32 [tilespmem:s26], [sflag:$0x2], $0x80, s2, s26, $0xb8;
	[tilespmem:$0x1C080] =	vst v63  }
0x23: {  	_ =	swait.ge [sflag:s25], $0x4000  }
0x24: {  	[sflag:s25] =	ssyncset.done $0x0  }
0x25: {  	[sflag:s25] =	ssyncadd.s32 $0xFFFFC000  }
.LBB2_9:
0x26: {  	[bflag:$0x0] =	sbarrier.arrive $0xFFFF  }
0x27: {  	[tilespmem:s24], [sflag:$0x2] =	stream.linear.gather [spmem:s7], $0x4000, $0x38;
	[tilespmem:$0x1C080] =	vst v63  }
0x28: {  	_ =	swait.ge [sflag:s25], $0x4000  }
0x29: {  	[sflag:s25] =	ssyncset.done $0x0  }
0x2a: {  	[sflag:s25] =	ssyncadd.s32 $0xFFFFC000  }
0x2b: {  	[hbm4b:s30+s2] =	stream.linear.scatter [tilespmem:s24], [sflag:$0x2], $0x4000, $0x38;
	[tilespmem:$0x1C080] =	vst v63  }
0x2c: {  	_ =	swait.ge [sflag:s25], $0x4000  }
0x2d: {  	[sflag:s25] =	ssyncset.done $0x0  }
0x2e: {  	[sflag:s25] =	ssyncadd.s32 $0xFFFFC000  }
0x2f: {  	[tilespmem:s24], [sflag:$0x2] =	stream.linear.gather [spmem:s8], $0x4000, $0x38;
	[tilespmem:$0x1C080] =	vst v63  }
0x30: {  	_ =	swait.ge [sflag:s25], $0x4000  }
0x31: {  	[sflag:s25] =	ssyncset.done $0x0  }
0x32: {  	[sflag:s25] =	ssyncadd.s32 $0xFFFFC000  }
0x33: {  	[hbm4b:s17+s2] =	stream.linear.scatter [tilespmem:s24], [sflag:$0x2], $0x4000, $0x38;
	[tilespmem:$0x1C080] =	vst v63  }
0x34: {  	_ =	swait.ge [sflag:s25], $0x4000  }
0x35: {  	[sflag:s25] =	ssyncset.done $0x0  }
0x36: {  	[sflag:s25] =	ssyncadd.s32 $0xFFFFC000  }
0x37: {  	[tilespmem:s24], [sflag:$0x2] =	stream.linear.gather [spmem:s9], $0x4000, $0x38;
	[tilespmem:$0x1C080] =	vst v63  }
0x38: {  	_ =	swait.ge [sflag:s25], $0x4000  }
0x39: {  	[sflag:s25] =	ssyncset.done $0x0  }
0x3a: {  	[sflag:s25] =	ssyncadd.s32 $0xFFFFC000  }
0x3b: {  	[hbm4b:s18+s2] =	stream.linear.scatter [tilespmem:s24], [sflag:$0x2], $0x4000, $0x38;
	[tilespmem:$0x1C080] =	vst v63  }
0x3c: {  	_ =	swait.ge [sflag:s25], $0x4000  }
0x3d: {  	[sflag:s25] =	ssyncset.done $0x0  }
0x3e: {  	[sflag:s25] =	ssyncadd.s32 $0xFFFFC000  }
0x3f: {  	[tilespmem:s24], [sflag:$0x2] =	stream.linear.gather [spmem:s10], $0x4000, $0x38;
	[tilespmem:$0x1C080] =	vst v63  }
0x40: {  	_ =	swait.ge [sflag:s25], $0x4000  }
0x41: {  	[sflag:s25] =	ssyncset.done $0x0  }
0x42: {  	[sflag:s25] =	ssyncadd.s32 $0xFFFFC000  }
0x43: {  	[hbm4b:s19+s2] =	stream.linear.scatter [tilespmem:s24], [sflag:$0x2], $0x4000, $0x38;
	[tilespmem:$0x1C080] =	vst v63  }
0x44: {  	_ =	swait.ge [sflag:s25], $0x4000  }
0x45: {  	[sflag:s25] =	ssyncset.done $0x0  }
0x46: {  	[sflag:s25] =	ssyncadd.s32 $0xFFFFC000  }
0x47: {  	[tilespmem:s24], [sflag:$0x2] =	stream.linear.gather [spmem:s11], $0x4000, $0x38;
	[tilespmem:$0x1C080] =	vst v63  }
0x48: {  	s29 =	sadd.s32 $0x1, s29;
	_ =	swait.ge [sflag:s25], $0x4000  }
0x49: {  	p3 =	sne.s32 s29, s16;
	[sflag:s25] =	ssyncset.done $0x0  }
.Ltmp1:
0x4a: {  	[sflag:s25] =	ssyncadd.s32 $0xFFFFC000;
	(pc) =	sbr.rel @!p3 .LBB2_10-.Ltmp1, $4  }
0x4b: {  	[hbm4b:s20+s2] =	stream.linear.scatter [tilespmem:s24], [sflag:$0x2], $0x4000, $0x38;
	[tilespmem:$0x1C080] =	vst v63  }
0x4c: {  	_ =	swait.ge [sflag:s25], $0x4000  }
0x4d: {  	[sflag:s25] =	ssyncset.done $0x0  }
0x4e: {  	[sflag:s25] =	ssyncadd.s32 $0xFFFFC000  }
.LBB2_1:
0x4f: {  	[tilespmem:s24], [sflag:$0x2] =	stream.linear.gather [hbm4b:s6+s2], $0x4000, $0x38;
	[tilespmem:$0x1C080] =	vst v63  }
0x50: {  	_ =	swait.ge [sflag:s25], $0x4000  }
0x51: {  	[sflag:s25] =	ssyncset.done $0x0  }
0x52: {  	[sflag:s25] =	ssyncadd.s32 $0xFFFFC000  }
0x53: {  	[spmem:s7] =	stream.linear.scatter [tilespmem:s24], [sflag:$0x2], $0x4000, $0x38;
	[tilespmem:$0x1C080] =	vst v63  }
0x54: {  	_ =	swait.ge [sflag:s25], $0x4000  }
0x55: {  	[sflag:s25] =	ssyncset.done $0x0  }
0x56: {  	[sflag:s25] =	ssyncadd.s32 $0xFFFFC000  }
0x57: {  	[spmem:s8] =	stream.linear.scatter [tilespmem:s24], [sflag:$0x2], $0x4000, $0x38;
	[tilespmem:$0x1C080] =	vst v63  }
0x58: {  	_ =	swait.ge [sflag:s25], $0x4000  }
0x59: {  	[sflag:s25] =	ssyncset.done $0x0  }
0x5a: {  	[sflag:s25] =	ssyncadd.s32 $0xFFFFC000  }
0x5b: {  	[spmem:s9] =	stream.linear.scatter [tilespmem:s24], [sflag:$0x2], $0x4000, $0x38;
	[tilespmem:$0x1C080] =	vst v63  }
0x5c: {  	_ =	swait.ge [sflag:s25], $0x4000  }
0x5d: {  	[sflag:s25] =	ssyncset.done $0x0  }
0x5e: {  	[sflag:s25] =	ssyncadd.s32 $0xFFFFC000  }
0x5f: {  	[spmem:s10] =	stream.linear.scatter [tilespmem:s24], [sflag:$0x2], $0x4000, $0x38;
	[tilespmem:$0x1C080] =	vst v63  }
0x60: {  	_ =	swait.ge [sflag:s25], $0x4000  }
0x61: {  	[sflag:s25] =	ssyncset.done $0x0  }
0x62: {  	[sflag:s25] =	ssyncadd.s32 $0xFFFFC000  }
0x63: {  	[spmem:s11] =	stream.linear.scatter [tilespmem:s24], [sflag:$0x2], $0x4000, $0x38;
	[tilespmem:$0x1C080] =	vst v63  }
.Ltmp2:
0x64: {  	_ =	swait.ge [sflag:s25], $0x4000;
	(pc) =	sbr.rel @p0 .LBB2_5-.Ltmp2, $4  }
0x65: {  	[sflag:s25] =	ssyncset.done $0x0  }
0x66: {  	[sflag:s25] =	ssyncadd.s32 $0xFFFFC000  }
0x67: {  	[bflag:$0x0] =	sbarrier.arrive $0xFFFF  }
0x68: {  	s0 =	sadd.s32 $0x0, s22  }
0x69: {  	[tilespmem:s2], [sflag:$0x2] =	stream.linear.gather [hbm4b:s0+s2], $0x80, $0x38;
	[tilespmem:$0x1C080] =	vst v63  }
0x6a: {  	_ =	swait.ge [sflag:s25], $0x80  }
0x6b: {  	[sflag:s25] =	ssyncset.done $0x0  }
0x6c: {  	[sflag:s25] =	ssyncadd.s32 $0xFFFFFF80  }
0x6d: {  	[tilespmem:s26], [sflag:$0x1] =	stream.linear.gather [hbm4b:s23+s2], $0x4000, $0x38;
	[tilespmem:$0x1C080] =	vst v63  }
0x6e: {  	_ =	swait.ge [sflag:s28], $0x4000  }
0x6f: {  	[sflag:s28] =	ssyncset.done $0x0  }
0x70: {  	[sflag:s28] =	ssyncadd.s32 $0xFFFFC000  }
0x71: {  	[spmem:s1] =	stream.indirect.scatter.add.f32 [tilespmem:s26], [sflag:$0x2], $0x80, s2, s26, $0xb8;
	[tilespmem:$0x1C080] =	vst v63  }
0x72: {  	s31 =	simm.s32 $0x10;
	_ =	swait.ge [sflag:s25], $0x4000  }
0x73: {  	s0 =	simm.s32 $0x20;
	s30 =	sadd.s32 $0x800, s23;
	[sflag:s25] =	ssyncset.done $0x0  }
.LBB2_3:
0x74: {  	s3 =	sadd.s32 s31, s22  }
0x75: {  	[sflag:s25] =	ssyncadd.s32 $0xFFFFC000;
	s31 =	smov.u32 s0;
	s4 =	sadd.s32 $0x10, s0  }
0x76: {  	[tilespmem:s2], [sflag:$0x2] =	stream.linear.gather [hbm4b:s3+s2], $0x80, $0x38;
	[tilespmem:$0x1C080] =	vst v63  }
0x77: {  	p3 =	sne.s32 s0, $0x9B0;
	_ =	swait.ge [sflag:s25], $0x80  }
0x78: {  	[sflag:s25] =	ssyncset.done $0x0  }
0x79: {  	[sflag:s25] =	ssyncadd.s32 $0xFFFFFF80  }
0x7a: {  	[tilespmem:s26], [sflag:$0x1] =	stream.linear.gather [hbm4b:s30+s2], $0x4000, $0x38;
	[tilespmem:$0x1C080] =	vst v63  }
0x7b: {  	_ =	swait.ge [sflag:s28], $0x4000  }
.Ltmp3:
0x7c: {  	[sflag:s28] =	ssyncset.done $0x0;
	(pc) =	sbr.rel @p3 .LBB2_3-.Ltmp3, $4  }
0x7d: {  	[sflag:s28] =	ssyncadd.s32 $0xFFFFC000  }
0x7e: {  	[spmem:s1] =	stream.indirect.scatter.add.f32 [tilespmem:s26], [sflag:$0x2], $0x80, s2, s26, $0xb8;
	[tilespmem:$0x1C080] =	vst v63  }
0x7f: {  	_ =	swait.ge [sflag:s25], $0x4000  }
0x80: {  	s0 =	smov.u32 s4;
	s30 =	sadd.s32 $0x800, s30;
	[sflag:s25] =	ssyncset.done $0x0  }
0x81: {  	s0 =	sadd.s32 s31, s22;
	[sflag:s25] =	ssyncadd.s32 $0xFFFFC000  }
0x82: {  	[tilespmem:s2], [sflag:$0x2] =	stream.linear.gather [hbm4b:s0+s2], $0x80, $0x38;
	[tilespmem:$0x1C080] =	vst v63  }
0x83: {  	_ =	swait.ge [sflag:s25], $0x80  }
0x84: {  	[sflag:s25] =	ssyncset.done $0x0  }
0x85: {  	[sflag:s25] =	ssyncadd.s32 $0xFFFFFF80  }
0x86: {  	[tilespmem:s26], [sflag:$0x1] =	stream.linear.gather [hbm4b:s30+s2], $0x4000, $0x38;
	[tilespmem:$0x1C080] =	vst v63  }
0x87: {  	_ =	swait.ge [sflag:s28], $0x4000  }
0x88: {  	[sflag:s28] =	ssyncset.done $0x0  }
0x89: {  	[sflag:s28] =	ssyncadd.s32 $0xFFFFC000  }
0x8a: {  	[spmem:s1] =	stream.indirect.scatter.add.f32 [tilespmem:s26], [sflag:$0x2], $0x80, s2, s26, $0xb8;
	[tilespmem:$0x1C080] =	vst v63  }
.Ltmp4:
0x8b: {  	_ = 	snop;
	(pc) =	sbr.rel @p1 .LBB2_8-.Ltmp4, $4  }
.Ltmp5:
0x8c: {  	_ = 	snop;
	(pc) =	sbr.rel @!p1 .LBB2_9-.Ltmp5, $4  }
0x8d: {  	_ =	swait.ge [sflag:s25], $0x4000  }
0x8e: {  	[sflag:s25] =	ssyncset.done $0x0  }
0x8f: {  	s0 =	smov.u32 s5;
	s30 =	smov.u32 s15;
	[sflag:s25] =	ssyncadd.s32 $0xFFFFC000  }
0x90: {  	_ = 	snop  }
.LBB2_5:
0x91: {  	[tilespmem:s2], [sflag:$0x2] =	stream.linear.gather [hbm4b:s0+s2], $0x80, $0x38;
	[tilespmem:$0x1C080] =	vst v63  }
0x92: {  	_ =	swait.ge [sflag:s25], $0x80  }
0x93: {  	[sflag:s25] =	ssyncset.done $0x0  }
0x94: {  	[sflag:s25] =	ssyncadd.s32 $0xFFFFFF80  }
0x95: {  	[tilespmem:s26], [sflag:$0x1] =	stream.linear.gather [hbm4b:s21+s2], $0x4000, $0x38;
	[tilespmem:$0x1C080] =	vst v63  }
0x96: {  	_ =	swait.ge [sflag:s28], $0x4000  }
0x97: {  	[sflag:s28] =	ssyncset.done $0x0  }
0x98: {  	[sflag:s28] =	ssyncadd.s32 $0xFFFFC000  }
0x99: {  	[spmem:s1] =	stream.indirect.scatter.add.f32 [tilespmem:s26], [sflag:$0x2], $0x80, s2, s26, $0xb8;
	[tilespmem:$0x1C080] =	vst v63  }
0x9a: {  	s31 =	simm.s32 $0x10;
	_ =	swait.ge [sflag:s25], $0x4000  }
0x9b: {  	s0 =	simm.s32 $0x20;
	s30 =	sadd.s32 $0x800, s21;
	[sflag:s25] =	ssyncset.done $0x0  }
.LBB2_6:
0x9c: {  	s3 =	sadd.s32 s31, s22  }
0x9d: {  	[sflag:s25] =	ssyncadd.s32 $0xFFFFC000;
	s31 =	smov.u32 s0;
	s4 =	sadd.s32 $0x10, s0  }
0x9e: {  	[tilespmem:s2], [sflag:$0x2] =	stream.linear.gather [hbm4b:s3+s2], $0x80, $0x38;
	[tilespmem:$0x1C080] =	vst v63  }
0x9f: {  	p3 =	sne.s32 s0, $0x9B0;
	_ =	swait.ge [sflag:s25], $0x80  }
0xa0: {  	[sflag:s25] =	ssyncset.done $0x0  }
0xa1: {  	[sflag:s25] =	ssyncadd.s32 $0xFFFFFF80  }
0xa2: {  	[tilespmem:s26], [sflag:$0x1] =	stream.linear.gather [hbm4b:s30+s2], $0x4000, $0x38;
	[tilespmem:$0x1C080] =	vst v63  }
0xa3: {  	_ =	swait.ge [sflag:s28], $0x4000  }
.Ltmp6:
0xa4: {  	[sflag:s28] =	ssyncset.done $0x0;
	(pc) =	sbr.rel @p3 .LBB2_6-.Ltmp6, $4  }
0xa5: {  	[sflag:s28] =	ssyncadd.s32 $0xFFFFC000  }
0xa6: {  	[spmem:s1] =	stream.indirect.scatter.add.f32 [tilespmem:s26], [sflag:$0x2], $0x80, s2, s26, $0xb8;
	[tilespmem:$0x1C080] =	vst v63  }
0xa7: {  	_ =	swait.ge [sflag:s25], $0x4000  }
0xa8: {  	s0 =	smov.u32 s4;
	s30 =	sadd.s32 $0x800, s30;
	[sflag:s25] =	ssyncset.done $0x0  }
0xa9: {  	s0 =	sadd.s32 s31, s22;
	[sflag:s25] =	ssyncadd.s32 $0xFFFFC000  }
0xaa: {  	[tilespmem:s2], [sflag:$0x2] =	stream.linear.gather [hbm4b:s0+s2], $0x80, $0x38;
	[tilespmem:$0x1C080] =	vst v63  }
0xab: {  	_ =	swait.ge [sflag:s25], $0x80  }
0xac: {  	[sflag:s25] =	ssyncset.done $0x0  }
0xad: {  	[sflag:s25] =	ssyncadd.s32 $0xFFFFFF80  }
0xae: {  	[tilespmem:s26], [sflag:$0x1] =	stream.linear.gather [hbm4b:s30+s2], $0x4000, $0x38;
	[tilespmem:$0x1C080] =	vst v63  }
0xaf: {  	_ =	swait.ge [sflag:s28], $0x4000  }
0xb0: {  	[sflag:s28] =	ssyncset.done $0x0  }
0xb1: {  	[sflag:s28] =	ssyncadd.s32 $0xFFFFC000  }
0xb2: {  	[spmem:s1] =	stream.indirect.scatter.add.f32 [tilespmem:s26], [sflag:$0x2], $0x80, s2, s26, $0xb8;
	[tilespmem:$0x1C080] =	vst v63  }
.Ltmp7:
0xb3: {  	_ = 	snop;
	(pc) =	sbr.rel @p2 .LBB2_9-.Ltmp7, $4  }
.Ltmp8:
0xb4: {  	_ = 	snop;
	(pc) =	sbr.rel @!p2 .LBB2_8-.Ltmp8, $4  }
0xb5: {  	_ =	swait.ge [sflag:s25], $0x4000  }
0xb6: {  	[sflag:s25] =	ssyncset.done $0x0  }
0xb7: {  	s0 =	smov.u32 s12;
	s30 =	smov.u32 s14;
	[sflag:s25] =	ssyncadd.s32 $0xFFFFC000  }
0xb8: {  	_ = 	snop  }
.LBB2_10:
0xb9: {  	_ =	sfence.sel $0x180000  }
0xba: {  	[bflag:$0x0] =	sbarrier.arrive $0xFFFF  }
0xbb: {  	_ =	strace $0x90000050  }
0xbc: {  	s0 =	stileid.u32;
	[bflag:$0x2] =	sbarrier.arrive $0xFFFF  }
0xbd: {  	p0 =	sne.s32 s0, $0x0;
	s0 =	rddreg [dreg:$0x2]  }
0xbe: {  	s0 =	sadd.s32 @!p0 $0x100000, s0  }
0xbf: {  	[sflag:s0] =	ssyncadd.tile.s32 @!p0 $0x1;
	_ =	shalt  }
.Lfunc_end2:
_tile_overlayer_lowered:
.L_overlay_start_2:
0xc0: {  	(tag) =	ssettag $0x2  }
0xc1: {  	s0 =	rddreg [dreg:$0x0];
	s2 =	stileid.u32  }
0xc2: {  	s1 =	rddreg [dreg:$0x1];
	p0 =	sne.s32 s2, $0x0  }
0xc3: {  	s3 =	rddreg [dreg:$0x2];
	[bflag:$0x3] =	sbarrier.arrive $0xFFFF;
	s2 =	simm.s32 @!p0 $0x1C02  }
0xc4: {  	[timem:s3], [sflag:s2] =	dma.local @!p0 [hbm:s0], s1  }
0xc5: {  	s0 =	simm.s32 @!p0 $0x2  }
0xc6: {  	_ =	swait.ge @!p0 [sflag:s0], s1  }
0xc7: {  	s1 =	ssub.s32 @!p0 $0x0, s1;
	[sflag:s0] =	ssyncset.done @!p0 $0x0  }
0xc8: {  	[sflag:s0] =	ssyncadd.s32 @!p0 s1  }
0xc9: {  	[bflag:$0x3] =	sbarrier.arrive $0xFFFF  }
0xca: {  	_ =	shalt  }

</sc_bundles>
